<compile_context>
chip_gen: v7x
topology: tpu7x:2x2x1
jax: 0.10.2.dev20260603
libtpu: 0.0.44.dev20260713+nightly
codegen_flags: <defaults>
</compile_context>

<pallas_src>
import functools

import jax
import jax.numpy as jnp
from jax import lax
from jax.experimental import pallas as pl
from jax.experimental.pallas import tpu as pltpu
from jax.experimental.pallas import tpu_sc as plsc

N = 10000
E = 320000
NUM_CONT = 16
NUM_CAT = 8
VOCAB = 1000
EMB = 16
HID = 256
F = 128
NC, NS, L = 2, 16, 16
NW = NC * NS
CH = 80
DEGP = 10240

_SC_MESH = plsc.VectorSubcoreMesh(
    core_axis_name="c", subcore_axis_name="s", num_cores=NC, num_subcores=NS)
_SC_PARAMS = pltpu.CompilerParams(use_tc_tiling_on_sc=False)

EPT = (N * NUM_CAT) // NW
ECH = -(-EPT // CH)
EPT_PAD = ECH * CH
EDGES_PT = E // NW
ACH = EDGES_PT // CH
DPT = DEGP // NS


DSC = (ACH - 1) // (ECH // 8)


def _emb_body(cat_hbm, offs_hbm, emb_hbm, edge_hbm, out_hbm, deg_hbm,
              degacc, catv, offsv, idxv, outv, dstv, onesv, zerov, sem, dsem):
    c = lax.axis_index("c")
    s = lax.axis_index("s")
    w = c * NS + s
    pltpu.async_copy(edge_hbm.at[1, w], dstv, dsem)

    def o_body(jj, carry):
        onesv[pl.ds(jj * L, L)] = jnp.ones((L,), jnp.float32)
        zerov[pl.ds(jj * L, L)] = jnp.zeros((L,), jnp.float32)
        return carry

    lax.fori_loop(0, CH // L, o_body, 0)

    def z_body(r, carry):
        pltpu.sync_copy(zerov, degacc.at[pl.ds(s * DPT + r * CH, CH)])
        return carry

    lax.fori_loop(0, DPT // CH, z_body, 0)

    pltpu.sync_copy(cat_hbm.at[w], catv)
    pltpu.sync_copy(offs_hbm.at[w], offsv)

    def add_body(k, carry):
        i = k // (CH // L)
        jj = k % (CH // L)
        idxv[i, pl.ds(jj * L, L)] = (
            catv[i, pl.ds(jj * L, L)] + offsv[pl.ds(jj * L, L)])
        return carry

    lax.fori_loop(0, ECH * (CH // L), add_body, 0)
    pltpu.make_async_copy(edge_hbm.at[1, w], dstv, dsem).wait()
    plsc.subcore_barrier()

    def g_blk(b, carry):
        for u in range(8):
            pltpu.async_copy(
                emb_hbm.at[idxv.at[b * 8 + u]],
                outv.at[pl.ds((b * 8 + u) * CH, CH), :], sem)
        for u in range(DSC):
            pltpu.async_copy(onesv, degacc.at[dstv.at[b * DSC + u]], dsem,
                             add=True)
        for u in range(8):
            pltpu.make_async_copy(
                emb_hbm.at[idxv.at[b * 8 + u]],
                outv.at[pl.ds((b * 8 + u) * CH, CH), :], sem).wait()
        return carry

    lax.fori_loop(0, ECH // 8, g_blk, 0)
    for j in range((ECH // 8) * DSC, ACH):
        pltpu.async_copy(onesv, degacc.at[dstv.at[j]], dsem, add=True)
    pltpu.sync_copy(outv.at[pl.ds(0, EPT), :], out_hbm.at[pl.ds(w * EPT, EPT), :])

    def d_drain(j, carry):
        pltpu.make_async_copy(onesv, degacc.at[dstv.at[j]], dsem).wait()
        return carry

    lax.fori_loop(0, ACH, d_drain, 0)
    plsc.subcore_barrier()
    pltpu.sync_copy(degacc.at[pl.ds(s * DPT, DPT)],
                    deg_hbm.at[c, pl.ds(s * DPT, DPT)])


_emb_call = pl.kernel(
    _emb_body,
    out_type=(jax.ShapeDtypeStruct((N * NUM_CAT, EMB), jnp.float32),
              jax.ShapeDtypeStruct((NC, DEGP), jnp.float32)),
    mesh=_SC_MESH,
    scratch_types=[
        pltpu.VMEM_SHARED((DEGP,), jnp.float32),
        pltpu.VMEM((ECH, CH), jnp.int32),
        pltpu.VMEM((CH,), jnp.int32),
        pltpu.VMEM((ECH, CH), jnp.int32),
        pltpu.VMEM((EPT_PAD, EMB), jnp.float32),
        pltpu.VMEM((ACH, CH), jnp.int32),
        pltpu.VMEM((CH,), jnp.float32),
        pltpu.VMEM((CH,), jnp.float32),
        pltpu.SemaphoreType.DMA,
        pltpu.SemaphoreType.DMA,
    ],
    compiler_params=_SC_PARAMS,
)

RPT = N // NS
ZFULL = RPT // CH
ZREM = RPT - ZFULL * CH


def _agg_body(h_hbm, edge_hbm, out_hbm, acc, srcv, dstv, r0, r1, r2,
              sem0, sem1, sem2):
    c = lax.axis_index("c")
    s = lax.axis_index("s")
    w = c * NS + s

    def z_body(k, carry):
        i = k // (F // L)
        jj = k % (F // L)
        r0[i, pl.ds(jj * L, L)] = jnp.zeros((L,), jnp.float32)
        return carry

    lax.fori_loop(0, CH * (F // L), z_body, 0)

    def zc_body(r, carry):
        pltpu.async_copy(r0, acc.at[pl.ds(s * RPT + r * CH, CH), :], sem1)
        return carry

    lax.fori_loop(0, ZFULL, zc_body, 0)
    pltpu.async_copy(r0.at[pl.ds(0, ZREM), :],
                     acc.at[pl.ds(s * RPT + ZFULL * CH, ZREM), :], sem1)
    pltpu.async_copy(edge_hbm.at[0, w], srcv, sem2)
    pltpu.async_copy(edge_hbm.at[1, w], dstv, sem2)
    pltpu.make_async_copy(edge_hbm.at[0, w], srcv, sem2).wait()
    pltpu.make_async_copy(edge_hbm.at[1, w], dstv, sem2).wait()

    def zd_body(r, carry):
        pltpu.make_async_copy(r0, acc.at[pl.ds(s * RPT + r * CH, CH), :],
                              sem1).wait()
        return carry

    lax.fori_loop(0, ZFULL, zd_body, 0)
    pltpu.make_async_copy(r0.at[pl.ds(0, ZREM), :],
                          acc.at[pl.ds(s * RPT + ZFULL * CH, ZREM), :],
                          sem1).wait()

    bufs = (r0, r1, r2)
    sems = (sem0, sem1, sem2)

    def gi(j, b):
        return pltpu.async_copy(h_hbm.at[srcv.at[j]], bufs[b], sems[b])

    def gw(j, b):
        pltpu.make_async_copy(h_hbm.at[srcv.at[j]], bufs[b], sems[b]).wait()

    def sc(j, b):
        pltpu.sync_copy(bufs[b], acc.at[dstv.at[j]], add=True)

    gi(0, 0)
    gi(1, 1)
    plsc.subcore_barrier()

    def e_body(k, carry):
        j0 = 3 * k
        gi(j0 + 2, 2)
        gw(j0, 0)
        sc(j0, 0)
        gi(j0 + 3, 0)
        gw(j0 + 1, 1)
        sc(j0 + 1, 1)
        gi(j0 + 4, 1)
        gw(j0 + 2, 2)
        sc(j0 + 2, 2)
        return carry

    lax.fori_loop(0, (ACH - 2) // 3, e_body, 0)
    gw(ACH - 2, 0)
    sc(ACH - 2, 0)
    gw(ACH - 1, 1)
    sc(ACH - 1, 1)

    plsc.subcore_barrier()
    pltpu.sync_copy(acc.at[pl.ds(s * RPT, RPT), :],
                    out_hbm.at[c, pl.ds(s * RPT, RPT), :])


_agg_call = pl.kernel(
    _agg_body,
    out_type=jax.ShapeDtypeStruct((NC, N, F), jnp.float32),
    mesh=_SC_MESH,
    scratch_types=[
        pltpu.VMEM_SHARED((N, F), jnp.float32),
        pltpu.VMEM((ACH, CH), jnp.int32),
        pltpu.VMEM((ACH, CH), jnp.int32),
        pltpu.VMEM((CH, F), jnp.float32),
        pltpu.VMEM((CH, F), jnp.float32),
        pltpu.VMEM((CH, F), jnp.float32),
        pltpu.SemaphoreType.DMA,
        pltpu.SemaphoreType.DMA,
        pltpu.SemaphoreType.DMA,
    ],
    compiler_params=_SC_PARAMS,
)

R = 2000


def _tab_body(x_ref, e_ref, w1x_ref, w1e_ref, b1_ref, w2_ref, b2_ref, o_ref):
    h = jnp.dot(x_ref[...], w1x_ref[...], preferred_element_type=jnp.float32)
    h = h + jnp.dot(e_ref[...], w1e_ref[...], preferred_element_type=jnp.float32)
    h = jnp.maximum(h + b1_ref[...], 0.0)
    o = jnp.dot(h, w2_ref[...], preferred_element_type=jnp.float32) + b2_ref[...]
    o_ref[...] = jnp.maximum(o, 0.0)


_tab_call = pl.pallas_call(
    _tab_body,
    grid=(N // R,),
    in_specs=[
        pl.BlockSpec((R, NUM_CONT), lambda i: (i, 0)),
        pl.BlockSpec((R, F), lambda i: (i, 0)),
        pl.BlockSpec((NUM_CONT, HID), lambda i: (0, 0)),
        pl.BlockSpec((F, HID), lambda i: (0, 0)),
        pl.BlockSpec((1, HID), lambda i: (0, 0)),
        pl.BlockSpec((HID, F), lambda i: (0, 0)),
        pl.BlockSpec((1, F), lambda i: (0, 0)),
    ],
    out_specs=pl.BlockSpec((R, F), lambda i: (i, 0)),
    out_shape=jax.ShapeDtypeStruct((N, F), jnp.float32),
)


def _sage_body(h_ref, p_ref, d_ref, ws_ref, wn_ref, b_ref, o_ref, *, act):
    p = p_ref[...]
    d = d_ref[...]
    rdeg = 1.0 / jnp.maximum(d[0] + d[1], 1.0)
    agg = (p[0] + p[1]) * rdeg
    o = (jnp.dot(h_ref[...], ws_ref[...], preferred_element_type=jnp.float32)
         + jnp.dot(agg, wn_ref[...], preferred_element_type=jnp.float32)
         + b_ref[...])
    if act:
        o = jnp.maximum(o, 0.0)
    o_ref[...] = o


def _make_sage(act):
    return pl.pallas_call(
        functools.partial(_sage_body, act=act),
        grid=(N // R,),
        in_specs=[
            pl.BlockSpec((R, F), lambda i: (i, 0)),
            pl.BlockSpec((NC, R, F), lambda i: (0, i, 0)),
            pl.BlockSpec((NC, R, 1), lambda i: (0, i, 0)),
            pl.BlockSpec((F, F), lambda i: (0, 0)),
            pl.BlockSpec((F, F), lambda i: (0, 0)),
            pl.BlockSpec((1, F), lambda i: (0, 0)),
        ],
        out_specs=pl.BlockSpec((R, F), lambda i: (i, 0)),
        out_shape=jax.ShapeDtypeStruct((N, F), jnp.float32),
    )


_sage1_call = _make_sage(act=True)
_sage2_call = _make_sage(act=False)


def kernel(x, cat, edge_index, emb, W1, b1, W2, b2, Ws1, Wn1, sb1, Ws2, Wn2, sb2):
    cat32 = cat.astype(jnp.int32).reshape(NW, EPT)
    cat_pad = jnp.pad(cat32, ((0, 0), (0, EPT_PAD - EPT))).reshape(NW, ECH, CH)
    offs = ((jnp.arange(NW, dtype=jnp.int32)[:, None] * EPT
             + jnp.arange(CH, dtype=jnp.int32)[None, :]) % NUM_CAT) * VOCAB
    emb_flat = emb.reshape(NUM_CAT * VOCAB, EMB)
    edge_r = edge_index.astype(jnp.int32).reshape(2, NW, ACH, CH)

    e_flat, degp = _emb_call(cat_pad, offs, emb_flat, edge_r)
    e = e_flat.reshape(N, NUM_CAT * EMB)
    dp = degp[:, :N].reshape(NC, N, 1)

    h0 = _tab_call(x, e, W1[:NUM_CONT], W1[NUM_CONT:],
                   b1.reshape(1, HID), W2, b2.reshape(1, F))

    p = _agg_call(h0, edge_r)
    h1 = _sage1_call(h0, p, dp, Ws1, Wn1, sb1.reshape(1, F))
    q = _agg_call(h1, edge_r)
    out = _sage2_call(h1, q, dp, Ws2, Wn2, sb2.reshape(1, F))
    return out

# --- scband reference (transcript-rebuilt; emitter-appended) ---
"""Pipeline reference for scband-sage-tabular-33569464386295 (READ-ONLY COPY).

The authoritative reference and input builder live on the scoring server;
editing this copy changes nothing except your own understanding.
"""

import jax, jax.numpy as jnp
import numpy as np

N = 10000
E = 320000
NUM_CONT = 16
NUM_CAT = 8
VOCAB = 1000
EMB = 16
HID = 256
TAB_OUT = 128
SAGE_H = 128
SAGE_OUT = 128


def setup_inputs(seed: int = 0) -> dict:
    key = jax.random.key(seed)
    ks = jax.random.split(key, 16)
    x = jax.random.normal(ks[0], (N, NUM_CONT), dtype=jnp.float32)
    cat = jax.random.randint(ks[1], (N, NUM_CAT), 0, VOCAB)
    edge_index = jax.random.randint(ks[2], (2, E), 0, N)
    emb = jax.random.normal(ks[3], (NUM_CAT, VOCAB, EMB), dtype=jnp.float32) * 0.1
    W1 = jax.random.normal(ks[4], (NUM_CONT + NUM_CAT * EMB, HID), dtype=jnp.float32) * 0.05
    b1 = jnp.zeros((HID,), jnp.float32)
    W2 = jax.random.normal(ks[5], (HID, TAB_OUT), dtype=jnp.float32) * 0.05
    b2 = jnp.zeros((TAB_OUT,), jnp.float32)
    Ws1 = jax.random.normal(ks[6], (TAB_OUT, SAGE_H), dtype=jnp.float32) * 0.05
    Wn1 = jax.random.normal(ks[7], (TAB_OUT, SAGE_H), dtype=jnp.float32) * 0.05
    sb1 = jnp.zeros((SAGE_H,), jnp.float32)
    Ws2 = jax.random.normal(ks[8], (SAGE_H, SAGE_OUT), dtype=jnp.float32) * 0.05
    Wn2 = jax.random.normal(ks[9], (SAGE_H, SAGE_OUT), dtype=jnp.float32) * 0.05
    sb2 = jnp.zeros((SAGE_OUT,), jnp.float32)
    return {"x": x, "cat": cat, "edge_index": edge_index, "emb": emb,
            "W1": W1, "b1": b1, "W2": W2, "b2": b2,
            "Ws1": Ws1, "Wn1": Wn1, "sb1": sb1,
            "Ws2": Ws2, "Wn2": Wn2, "sb2": sb2}


def reference(x, cat, edge_index, emb, W1, b1, W2, b2, Ws1, Wn1, sb1, Ws2, Wn2, sb2):
    # --- tab_net: continuous features + categorical embeddings -> MLP ---
    e = emb[jnp.arange(NUM_CAT)[None, :], cat]          # [N, NUM_CAT, EMB] gather
    h = jnp.concatenate([x, e.reshape(N, NUM_CAT * EMB)], axis=1)
    h = jax.nn.relu(h @ W1 + b1)
    h = h @ W2 + b2
    # --- mid_act ---
    h = jax.nn.relu(h)
    # --- SAGE (2 layers, mean aggregator over blocks/edge_index) ---
    src = edge_index[0]
    dst = edge_index[1]
    deg = jax.ops.segment_sum(jnp.ones((E,), jnp.float32), dst, num_segments=N)
    deg = jnp.maximum(deg, 1.0)
    agg1 = jax.ops.segment_sum(jnp.take(h, src, axis=0), dst, num_segments=N) / deg[:, None]
    h = jax.nn.relu(h @ Ws1 + agg1 @ Wn1 + sb1)
    agg2 = jax.ops.segment_sum(jnp.take(h, src, axis=0), dst, num_segments=N) / deg[:, None]
    out = h @ Ws2 + agg2 @ Wn2 + sb2
    return out

if __name__ == "__main__":
    import jax
    _d = setup_inputs()
    print(jax.jit(kernel)(*tuple(_d.values())))

</pallas_src>

<mosaic_0001>
#map = affine_map<(d0, d1) -> (0, 0)>
#map1 = affine_map<(d0, d1) -> (0, 0, 0, 0)>
#map2 = affine_map<(d0, d1) -> (0, 0, 0)>
module attributes {stable_mosaic.version = 14 : i64} {
  func.func @_agg_body(%arg0: i32, %arg1: i32, %arg2: memref<10000x128xf32, #tpu.memory_space<hbm>>, %arg3: memref<2x32x125x80xi32, #tpu.memory_space<hbm>>, %arg4: memref<2x10000x128xf32, #tpu.memory_space<hbm>>, %arg5: memref<10000x128xf32, #tpu.memory_space<vmem_shared>>, %arg6: memref<125x80xi32, #tpu.memory_space<vmem>>, %arg7: memref<125x80xi32, #tpu.memory_space<vmem>>, %arg8: memref<80x128xf32, #tpu.memory_space<vmem>>, %arg9: memref<80x128xf32, #tpu.memory_space<vmem>>, %arg10: memref<80x128xf32, #tpu.memory_space<vmem>>, %arg11: memref<!tpu.dma_semaphore, #tpu.memory_space<semaphore_mem>>, %arg12: memref<!tpu.dma_semaphore, #tpu.memory_space<semaphore_mem>>, %arg13: memref<!tpu.dma_semaphore, #tpu.memory_space<semaphore_mem>>) attributes {dimension_semantics = [#tpu.dimension_semantics<core_parallel>, #tpu.dimension_semantics<subcore_parallel>], iteration_bounds = array<i64: 2, 16>, scalar_prefetch = 0 : i64, scratch_operands = 9 : i64, tpu.core_type = #tpu.core_type<sc_vector_subcore>, window_params = [{transform_indices = #map}, {transform_indices = #map1}, {transform_indices = #map2}]} {
    %mul3A = arith.constant 16 : i32
    %mul3A_0 = arith.muli %arg0, %mul3A : i32
    %add3A = arith.addi %mul3A_0, %arg1 : i32
    %scan3A = arith.constant 0 : i32
    %scan3A_1 = arith.constant 0 : i32
    %scan3A_2 = arith.constant 640 : i32
    %scan3A_3 = arith.addi %scan3A_1, %scan3A_2 : i32
    %scan3A_4 = arith.constant 1 : i32
    scf.for %scan3A_120 = %scan3A_1 to %scan3A_3 step %scan3A_4  : i32 {
      %jit3A = arith.constant 8 : i32
      %div3A = arith.divsi %scan3A_120, %jit3A : i32
      %sign3A = arith.constant 0 : i32
      %sign3A_121 = arith.cmpi sgt, %scan3A_120, %sign3A : i32
      %sign3A_122 = arith.extui %sign3A_121 : i1 to i32
      %sign3A_123 = arith.constant 0 : i32
      %sign3A_124 = arith.cmpi slt, %scan3A_120, %sign3A_123 : i32
      %sign3A_125 = arith.extui %sign3A_124 : i1 to i32
      %sign3A_126 = arith.subi %sign3A_122, %sign3A_125 : i32
      %sign3A_127 = arith.constant 0 : i32
      %sign3A_128 = arith.cmpi sgt, %jit3A, %sign3A_127 : i32
      %sign3A_129 = arith.extui %sign3A_128 : i1 to i32
      %sign3A_130 = arith.constant 0 : i32
      %sign3A_131 = arith.cmpi slt, %jit3A, %sign3A_130 : i32
      %sign3A_132 = arith.extui %sign3A_131 : i1 to i32
      %sign3A_133 = arith.subi %sign3A_129, %sign3A_132 : i32
      %ne3A = arith.cmpi ne, %sign3A_126, %sign3A_133 : i32
      %rem3A = arith.remsi %scan3A_120, %jit3A : i32
      %ne3A_134 = arith.constant 0 : i32
      %ne3A_135 = arith.cmpi ne, %rem3A, %ne3A_134 : i32
      %and3A = arith.andi %ne3A, %ne3A_135 : i1
      %sub3A = arith.constant 1 : i32
      %sub3A_136 = arith.subi %div3A, %sub3A : i32
      %select_n3A = arith.select %and3A, %sub3A_136, %div3A : i32
      %jit3A_137 = arith.constant 8 : i32
      %eq3A = arith.constant 0 : i32
      %eq3A_138 = arith.cmpi eq, %jit3A_137, %eq3A : i32
      %jit3A_139 = arith.constant 1 : i32
      %select_n3A_140 = arith.select %eq3A_138, %jit3A_139, %jit3A_137 : i32
      %rem3A_141 = arith.remsi %scan3A_120, %select_n3A_140 : i32
      %ne3A_142 = arith.constant 0 : i32
      %ne3A_143 = arith.cmpi ne, %rem3A_141, %ne3A_142 : i32
      %lt3A = arith.constant 0 : i32
      %lt3A_144 = arith.cmpi slt, %rem3A_141, %lt3A : i32
      %lt3A_145 = arith.constant 0 : i32
      %lt3A_146 = arith.cmpi slt, %select_n3A_140, %lt3A_145 : i32
      %ne3A_147 = arith.xori %lt3A_144, %lt3A_146 : i1
      %and3A_148 = arith.andi %ne3A_147, %ne3A_143 : i1
      %add3A_149 = arith.addi %rem3A_141, %select_n3A_140 : i32
      %select_n3A_150 = arith.select %and3A_148, %add3A_149, %rem3A_141 : i32
      %broadcast_in_dim3A = arith.constant 0.000000e+00 : f32
      %broadcast_in_dim3A_151 = vector.broadcast %broadcast_in_dim3A : f32 to vector<16xf32>
      %mul3A_152 = arith.constant 16 : i32
      %mul3A_153 = arith.muli %select_n3A_150, %mul3A_152 : i32
      %swap3A = arith.index_cast %select_n3A : i32 to index
      %swap3A_154 = arith.index_cast %mul3A_153 : i32 to index
      %swap3A_155 = tpu.vector_load %arg8[%swap3A, %swap3A_154] {strides = array<i32>} : memref<80x128xf32, #tpu.memory_space<vmem>>, vector<1x16xf32>,
      %swap3A_156 = vector.shape_cast %swap3A_155 : vector<1x16xf32> to vector<16xf32>
      %swap3A_157 = vector.shape_cast %broadcast_in_dim3A_151 : vector<16xf32> to vector<1x16xf32>
      tpu.vector_store %arg8[%swap3A, %swap3A_154], %swap3A_157 {strides = array<i32>} : memref<80x128xf32, #tpu.memory_space<vmem>>, vector<1x16xf32>,
    }
    %scan3A_5 = arith.constant 640 : i32
    %scan3A_6 = arith.constant 0 : i32
    %scan3A_7 = arith.constant 0 : i32
    %scan3A_8 = arith.constant 7 : i32
    %scan3A_9 = arith.addi %scan3A_7, %scan3A_8 : i32
    %scan3A_10 = arith.constant 1 : i32
    scf.for %scan3A_120 = %scan3A_7 to %scan3A_9 step %scan3A_10  : i32 {
      %mul3A_121 = arith.constant 625 : i32
      %mul3A_122 = arith.muli %arg1, %mul3A_121 : i32
      %mul3A_123 = arith.constant 80 : i32
      %mul3A_124 = arith.muli %scan3A_120, %mul3A_123 : i32
      %add3A_125 = arith.addi %mul3A_122, %mul3A_124 : i32
      %dma_start3A_126 = arith.constant 0 : i32
      %dma_start3A_127 = tpu.memref_slice %arg5[%add3A_125, %dma_start3A_126] : memref<10000x128xf32, #tpu.memory_space<vmem_shared>> -> memref<80x128xf32, #tpu.memory_space<vmem_shared>>
      %dma_start3A_128 = arith.constant 0 : i32
      %dma_start3A_129 = tpu.memref_slice %arg5[%add3A_125, %dma_start3A_128] : memref<10000x128xf32, #tpu.memory_space<vmem_shared>> -> memref<80x128xf32, #tpu.memory_space<vmem_shared>>
      tpu.enqueue_dma source(%arg8 : memref<80x128xf32, #tpu.memory_space<vmem>>) target(%dma_start3A_129 : memref<80x128xf32, #tpu.memory_space<vmem_shared>>) target_semaphore(%arg12 : memref<!tpu.dma_semaphore, #tpu.memory_space<semaphore_mem>>)
    }
    %scan3A_11 = arith.constant 7 : i32
    %mul3A_12 = arith.constant 625 : i32
    %mul3A_13 = arith.muli %arg1, %mul3A_12 : i32
    %add3A_14 = arith.constant 560 : i32
    %add3A_15 = arith.addi %mul3A_13, %add3A_14 : i32
    %dma_start3A = arith.constant 0 : i32
    %dma_start3A_16 = arith.constant 0 : i32
    %dma_start3A_17 = tpu.memref_slice %arg8[%dma_start3A, %dma_start3A_16] : memref<80x128xf32, #tpu.memory_space<vmem>> -> memref<65x128xf32, #tpu.memory_space<vmem>>
    %dma_start3A_18 = arith.constant 0 : i32
    %dma_start3A_19 = tpu.memref_slice %arg5[%add3A_15, %dma_start3A_18] : memref<10000x128xf32, #tpu.memory_space<vmem_shared>> -> memref<65x128xf32, #tpu.memory_space<vmem_shared>>
    %dma_start3A_20 = arith.constant 0 : i32
    %dma_start3A_21 = tpu.memref_slice %arg5[%add3A_15, %dma_start3A_20] : memref<10000x128xf32, #tpu.memory_space<vmem_shared>> -> memref<65x128xf32, #tpu.memory_space<vmem_shared>>
    %dma_start3A_22 = arith.constant 0 : i32
    %dma_start3A_23 = arith.constant 0 : i32
    %dma_start3A_24 = tpu.memref_slice %arg8[%dma_start3A_22, %dma_start3A_23] : memref<80x128xf32, #tpu.memory_space<vmem>> -> memref<65x128xf32, #tpu.memory_space<vmem>>
    tpu.enqueue_dma source(%dma_start3A_24 : memref<65x128xf32, #tpu.memory_space<vmem>>) target(%dma_start3A_21 : memref<65x128xf32, #tpu.memory_space<vmem_shared>>) target_semaphore(%arg12 : memref<!tpu.dma_semaphore, #tpu.memory_space<semaphore_mem>>)
    %dma_start3A_25 = arith.constant 0 : i32
    %dma_start3A_26 = arith.constant 0 : i32
    %dma_start3A_27 = arith.constant 0 : i32
    %dma_start3A_28 = tpu.memref_slice %arg3[%dma_start3A_25, %add3A, %dma_start3A_26, %dma_start3A_27] : memref<2x32x125x80xi32, #tpu.memory_space<hbm>> -> memref<1x1x125x80xi32, #tpu.memory_space<hbm>>
    %dma_start3A_29 = tpu.memref_squeeze %dma_start3A_28 : memref<1x1x125x80xi32, #tpu.memory_space<hbm>> -> memref<125x80xi32, #tpu.memory_space<hbm>>
    %dma_start3A_30 = arith.constant 0 : i32
    %dma_start3A_31 = arith.constant 0 : i32
    %dma_start3A_32 = tpu.memref_slice %arg3[%dma_start3A_25, %add3A, %dma_start3A_30, %dma_start3A_31] : memref<2x32x125x80xi32, #tpu.memory_space<hbm>> -> memref<1x1x125x80xi32, #tpu.memory_space<hbm>>
    %dma_start3A_33 = tpu.memref_squeeze %dma_start3A_32 : memref<1x1x125x80xi32, #tpu.memory_space<hbm>> -> memref<125x80xi32, #tpu.memory_space<hbm>>
    tpu.enqueue_dma source(%dma_start3A_33 : memref<125x80xi32, #tpu.memory_space<hbm>>) target(%arg6 : memref<125x80xi32, #tpu.memory_space<vmem>>) target_semaphore(%arg13 : memref<!tpu.dma_semaphore, #tpu.memory_space<semaphore_mem>>)
    %dma_start3A_34 = arith.constant 1 : i32
    %dma_start3A_35 = arith.constant 0 : i32
    %dma_start3A_36 = arith.constant 0 : i32
    %dma_start3A_37 = tpu.memref_slice %arg3[%dma_start3A_34, %add3A, %dma_start3A_35, %dma_start3A_36] : memref<2x32x125x80xi32, #tpu.memory_space<hbm>> -> memref<1x1x125x80xi32, #tpu.memory_space<hbm>>
    %dma_start3A_38 = tpu.memref_squeeze %dma_start3A_37 : memref<1x1x125x80xi32, #tpu.memory_space<hbm>> -> memref<125x80xi32, #tpu.memory_space<hbm>>
    %dma_start3A_39 = arith.constant 0 : i32
    %dma_start3A_40 = arith.constant 0 : i32
    %dma_start3A_41 = tpu.memref_slice %arg3[%dma_start3A_34, %add3A, %dma_start3A_39, %dma_start3A_40] : memref<2x32x125x80xi32, #tpu.memory_space<hbm>> -> memref<1x1x125x80xi32, #tpu.memory_space<hbm>>
    %dma_start3A_42 = tpu.memref_squeeze %dma_start3A_41 : memref<1x1x125x80xi32, #tpu.memory_space<hbm>> -> memref<125x80xi32, #tpu.memory_space<hbm>>
    tpu.enqueue_dma source(%dma_start3A_42 : memref<125x80xi32, #tpu.memory_space<hbm>>) target(%arg7 : memref<125x80xi32, #tpu.memory_space<vmem>>) target_semaphore(%arg13 : memref<!tpu.dma_semaphore, #tpu.memory_space<semaphore_mem>>)
    %dma_wait3A = arith.constant 0 : i32
    %dma_wait3A_43 = arith.constant 0 : i32
    %dma_wait3A_44 = arith.constant 0 : i32
    %dma_wait3A_45 = tpu.memref_slice %arg3[%dma_wait3A, %add3A, %dma_wait3A_43, %dma_wait3A_44] : memref<2x32x125x80xi32, #tpu.memory_space<hbm>> -> memref<1x1x125x80xi32, #tpu.memory_space<hbm>>
    %dma_wait3A_46 = tpu.memref_squeeze %dma_wait3A_45 : memref<1x1x125x80xi32, #tpu.memory_space<hbm>> -> memref<125x80xi32, #tpu.memory_space<hbm>>
    %dma_wait3A_47 = arith.constant 0 : i32
    %dma_wait3A_48 = arith.constant 0 : i32
    %dma_wait3A_49 = tpu.memref_slice %arg3[%dma_wait3A, %add3A, %dma_wait3A_47, %dma_wait3A_48] : memref<2x32x125x80xi32, #tpu.memory_space<hbm>> -> memref<1x1x125x80xi32, #tpu.memory_space<hbm>>
    %dma_wait3A_50 = tpu.memref_squeeze %dma_wait3A_49 : memref<1x1x125x80xi32, #tpu.memory_space<hbm>> -> memref<125x80xi32, #tpu.memory_space<hbm>>
    tpu.wait_dma2 semaphore(%arg13 : memref<!tpu.dma_semaphore, #tpu.memory_space<semaphore_mem>>) src(%dma_wait3A_50 : memref<125x80xi32, #tpu.memory_space<hbm>>) dst(%arg6 : memref<125x80xi32, #tpu.memory_space<vmem>>)
    %dma_wait3A_51 = arith.constant 1 : i32
    %dma_wait3A_52 = arith.constant 0 : i32
    %dma_wait3A_53 = arith.constant 0 : i32
    %dma_wait3A_54 = tpu.memref_slice %arg3[%dma_wait3A_51, %add3A, %dma_wait3A_52, %dma_wait3A_53] : memref<2x32x125x80xi32, #tpu.memory_space<hbm>> -> memref<1x1x125x80xi32, #tpu.memory_space<hbm>>
    %dma_wait3A_55 = tpu.memref_squeeze %dma_wait3A_54 : memref<1x1x125x80xi32, #tpu.memory_space<hbm>> -> memref<125x80xi32, #tpu.memory_space<hbm>>
    %dma_wait3A_56 = arith.constant 0 : i32
    %dma_wait3A_57 = arith.constant 0 : i32
    %dma_wait3A_58 = tpu.memref_slice %arg3[%dma_wait3A_51, %add3A, %dma_wait3A_56, %dma_wait3A_57] : memref<2x32x125x80xi32, #tpu.memory_space<hbm>> -> memref<1x1x125x80xi32, #tpu.memory_space<hbm>>
    %dma_wait3A_59 = tpu.memref_squeeze %dma_wait3A_58 : memref<1x1x125x80xi32, #tpu.memory_space<hbm>> -> memref<125x80xi32, #tpu.memory_space<hbm>>
    tpu.wait_dma2 semaphore(%arg13 : memref<!tpu.dma_semaphore, #tpu.memory_space<semaphore_mem>>) src(%dma_wait3A_59 : memref<125x80xi32, #tpu.memory_space<hbm>>) dst(%arg7 : memref<125x80xi32, #tpu.memory_space<vmem>>)
    %scan3A_60 = arith.constant 0 : i32
    %scan3A_61 = arith.constant 0 : i32
    %scan3A_62 = arith.constant 7 : i32
    %scan3A_63 = arith.addi %scan3A_61, %scan3A_62 : i32
    %scan3A_64 = arith.constant 1 : i32
    scf.for %scan3A_120 = %scan3A_61 to %scan3A_63 step %scan3A_64  : i32 {
      %mul3A_121 = arith.constant 625 : i32
      %mul3A_122 = arith.muli %arg1, %mul3A_121 : i32
      %mul3A_123 = arith.constant 80 : i32
      %mul3A_124 = arith.muli %scan3A_120, %mul3A_123 : i32
      %add3A_125 = arith.addi %mul3A_122, %mul3A_124 : i32
      %dma_wait3A_126 = arith.constant 0 : i32
      %dma_wait3A_127 = tpu.memref_slice %arg5[%add3A_125, %dma_wait3A_126] : memref<10000x128xf32, #tpu.memory_space<vmem_shared>> -> memref<80x128xf32, #tpu.memory_space<vmem_shared>>
      %dma_wait3A_128 = arith.constant 0 : i32
      %dma_wait3A_129 = tpu.memref_slice %arg5[%add3A_125, %dma_wait3A_128] : memref<10000x128xf32, #tpu.memory_space<vmem_shared>> -> memref<80x128xf32, #tpu.memory_space<vmem_shared>>
      tpu.wait_dma2 semaphore(%arg12 : memref<!tpu.dma_semaphore, #tpu.memory_space<semaphore_mem>>) src(%arg8 : memref<80x128xf32, #tpu.memory_space<vmem>>) dst(%dma_wait3A_129 : memref<80x128xf32, #tpu.memory_space<vmem_shared>>)
    }
    %scan3A_65 = arith.constant 7 : i32
    %mul3A_66 = arith.constant 625 : i32
    %mul3A_67 = arith.muli %arg1, %mul3A_66 : i32
    %add3A_68 = arith.constant 560 : i32
    %add3A_69 = arith.addi %mul3A_67, %add3A_68 : i32
    %dma_wait3A_70 = arith.constant 0 : i32
    %dma_wait3A_71 = arith.constant 0 : i32
    %dma_wait3A_72 = tpu.memref_slice %arg8[%dma_wait3A_70, %dma_wait3A_71] : memref<80x128xf32, #tpu.memory_space<vmem>> -> memref<65x128xf32, #tpu.memory_space<vmem>>
    %dma_wait3A_73 = arith.constant 0 : i32
    %dma_wait3A_74 = tpu.memref_slice %arg5[%add3A_69, %dma_wait3A_73] : memref<10000x128xf32, #tpu.memory_space<vmem_shared>> -> memref<65x128xf32, #tpu.memory_space<vmem_shared>>
    %dma_wait3A_75 = arith.constant 0 : i32
    %dma_wait3A_76 = tpu.memref_slice %arg5[%add3A_69, %dma_wait3A_75] : memref<10000x128xf32, #tpu.memory_space<vmem_shared>> -> memref<65x128xf32, #tpu.memory_space<vmem_shared>>
    %dma_wait3A_77 = arith.constant 0 : i32
    %dma_wait3A_78 = arith.constant 0 : i32
    %dma_wait3A_79 = tpu.memref_slice %arg8[%dma_wait3A_77, %dma_wait3A_78] : memref<80x128xf32, #tpu.memory_space<vmem>> -> memref<65x128xf32, #tpu.memory_space<vmem>>
    tpu.wait_dma2 semaphore(%arg12 : memref<!tpu.dma_semaphore, #tpu.memory_space<semaphore_mem>>) src(%dma_wait3A_79 : memref<65x128xf32, #tpu.memory_space<vmem>>) dst(%dma_wait3A_76 : memref<65x128xf32, #tpu.memory_space<vmem_shared>>)
    %dma_start3A_80 = arith.constant 0 : i32
    %dma_start3A_81 = arith.constant 0 : i32
    %dma_start3A_82 = tpu.memref_slice %arg6[%dma_start3A_80, %dma_start3A_81] : memref<125x80xi32, #tpu.memory_space<vmem>> -> memref<1x80xi32, #tpu.memory_space<vmem>>
    %dma_start3A_83 = tpu.memref_squeeze %dma_start3A_82 : memref<1x80xi32, #tpu.memory_space<vmem>> -> memref<80xi32, #tpu.memory_space<vmem>>
    %dma_start3A_84 = arith.constant 0 : i32
    %dma_start3A_85 = arith.constant 0 : i32
    %dma_start3A_86 = tpu.memref_slice %arg2[%dma_start3A_84, %dma_start3A_85] : memref<10000x128xf32, #tpu.memory_space<hbm>> -> memref<10000x128xf32, #tpu.memory_space<hbm>>
    tpu.enqueue_indirect_dma source(%dma_start3A_86 : memref<10000x128xf32, #tpu.memory_space<hbm>>) target(%arg8 : memref<80x128xf32, #tpu.memory_space<vmem>>) offsets(%dma_start3A_83 : memref<80xi32, #tpu.memory_space<vmem>>) semaphore(%arg11 : memref<!tpu.dma_semaphore, #tpu.memory_space<semaphore_mem>>)
    %dma_start3A_87 = arith.constant 1 : i32
    %dma_start3A_88 = arith.constant 0 : i32
    %dma_start3A_89 = tpu.memref_slice %arg6[%dma_start3A_87, %dma_start3A_88] : memref<125x80xi32, #tpu.memory_space<vmem>> -> memref<1x80xi32, #tpu.memory_space<vmem>>
    %dma_start3A_90 = tpu.memref_squeeze %dma_start3A_89 : memref<1x80xi32, #tpu.memory_space<vmem>> -> memref<80xi32, #tpu.memory_space<vmem>>
    %dma_start3A_91 = arith.constant 0 : i32
    %dma_start3A_92 = arith.constant 0 : i32
    %dma_start3A_93 = tpu.memref_slice %arg2[%dma_start3A_91, %dma_start3A_92] : memref<10000x128xf32, #tpu.memory_space<hbm>> -> memref<10000x128xf32, #tpu.memory_space<hbm>>
    tpu.enqueue_indirect_dma source(%dma_start3A_93 : memref<10000x128xf32, #tpu.memory_space<hbm>>) target(%arg9 : memref<80x128xf32, #tpu.memory_space<vmem>>) offsets(%dma_start3A_90 : memref<80xi32, #tpu.memory_space<vmem>>) semaphore(%arg12 : memref<!tpu.dma_semaphore, #tpu.memory_space<semaphore_mem>>)
    %barrier3A = arith.constant 0 : index
    tpu.barrier barrier_id(%barrier3A)
    %scan3A_94 = arith.constant 0 : i32
    %scan3A_95 = arith.constant 0 : i32
    %scan3A_96 = arith.constant 41 : i32
    %scan3A_97 = arith.addi %scan3A_95, %scan3A_96 : i32
    %scan3A_98 = arith.constant 1 : i32
    scf.for %scan3A_120 = %scan3A_95 to %scan3A_97 step %scan3A_98  : i32 {
      %mul3A_121 = arith.constant 3 : i32
      %mul3A_122 = arith.muli %mul3A_121, %scan3A_120 : i32
      %add3A_123 = arith.constant 2 : i32
      %add3A_124 = arith.addi %mul3A_122, %add3A_123 : i32
      %dma_start3A_125 = arith.constant 0 : i32
      %dma_start3A_126 = tpu.memref_slice %arg6[%add3A_124, %dma_start3A_125] : memref<125x80xi32, #tpu.memory_space<vmem>> -> memref<1x80xi32, #tpu.memory_space<vmem>>
      %dma_start3A_127 = tpu.memref_squeeze %dma_start3A_126 : memref<1x80xi32, #tpu.memory_space<vmem>> -> memref<80xi32, #tpu.memory_space<vmem>>
      %dma_start3A_128 = arith.constant 0 : i32
      %dma_start3A_129 = arith.constant 0 : i32
      %dma_start3A_130 = tpu.memref_slice %arg2[%dma_start3A_128, %dma_start3A_129] : memref<10000x128xf32, #tpu.memory_space<hbm>> -> memref<10000x128xf32, #tpu.memory_space<hbm>>
      tpu.enqueue_indirect_dma source(%dma_start3A_130 : memref<10000x128xf32, #tpu.memory_space<hbm>>) target(%arg10 : memref<80x128xf32, #tpu.memory_space<vmem>>) offsets(%dma_start3A_127 : memref<80xi32, #tpu.memory_space<vmem>>) semaphore(%arg13 : memref<!tpu.dma_semaphore, #tpu.memory_space<semaphore_mem>>)
      %dma_wait3A_131 = arith.constant 0 : i32
      %dma_wait3A_132 = tpu.memref_slice %arg6[%mul3A_122, %dma_wait3A_131] : memref<125x80xi32, #tpu.memory_space<vmem>> -> memref<1x80xi32, #tpu.memory_space<vmem>>
      %dma_wait3A_133 = tpu.memref_squeeze %dma_wait3A_132 : memref<1x80xi32, #tpu.memory_space<vmem>> -> memref<80xi32, #tpu.memory_space<vmem>>
      %dma_wait3A_134 = arith.constant 0 : i32
      %dma_wait3A_135 = arith.constant 0 : i32
      %dma_wait3A_136 = tpu.memref_slice %arg2[%dma_wait3A_134, %dma_wait3A_135] : memref<10000x128xf32, #tpu.memory_space<hbm>> -> memref<10000x128xf32, #tpu.memory_space<hbm>>
      tpu.wait_indirect_dma semaphore(%arg11 : memref<!tpu.dma_semaphore, #tpu.memory_space<semaphore_mem>>) src(%dma_wait3A_136 : memref<10000x128xf32, #tpu.memory_space<hbm>>) dst(%arg8 : memref<80x128xf32, #tpu.memory_space<vmem>>)
      "tpu.region"() ({
        %run_scoped3A_173 = tpu.sem_alloc : memref<!tpu.dma_semaphore, #tpu.memory_space<semaphore_mem>>
        %dma_start3A_174 = arith.constant 0 : i32
        %dma_start3A_175 = tpu.memref_slice %arg7[%mul3A_122, %dma_start3A_174] : memref<125x80xi32, #tpu.memory_space<vmem>> -> memref<1x80xi32, #tpu.memory_space<vmem>>
        %dma_start3A_176 = tpu.memref_squeeze %dma_start3A_175 : memref<1x80xi32, #tpu.memory_space<vmem>> -> memref<80xi32, #tpu.memory_space<vmem>>
        %dma_start3A_177 = arith.constant 0 : i32
        %dma_start3A_178 = arith.constant 0 : i32
        %dma_start3A_179 = tpu.memref_slice %arg5[%dma_start3A_177, %dma_start3A_178] : memref<10000x128xf32, #tpu.memory_space<vmem_shared>> -> memref<10000x128xf32, #tpu.memory_space<vmem_shared>>
        tpu.enqueue_indirect_dma source(%arg8 : memref<80x128xf32, #tpu.memory_space<vmem>>) target(%dma_start3A_179 : memref<10000x128xf32, #tpu.memory_space<vmem_shared>>) offsets(%dma_start3A_176 : memref<80xi32, #tpu.memory_space<vmem>>) semaphore(%run_scoped3A_173 : memref<!tpu.dma_semaphore, #tpu.memory_space<semaphore_mem>>) {add = true}
        %dma_wait3A_180 = arith.constant 0 : i32
        %dma_wait3A_181 = tpu.memref_slice %arg7[%mul3A_122, %dma_wait3A_180] : memref<125x80xi32, #tpu.memory_space<vmem>> -> memref<1x80xi32, #tpu.memory_space<vmem>>
        %dma_wait3A_182 = tpu.memref_squeeze %dma_wait3A_181 : memref<1x80xi32, #tpu.memory_space<vmem>> -> memref<80xi32, #tpu.memory_space<vmem>>
        %dma_wait3A_183 = arith.constant 0 : i32
        %dma_wait3A_184 = arith.constant 0 : i32
        %dma_wait3A_185 = tpu.memref_slice %arg5[%dma_wait3A_183, %dma_wait3A_184] : memref<10000x128xf32, #tpu.memory_space<vmem_shared>> -> memref<10000x128xf32, #tpu.memory_space<vmem_shared>>
        tpu.wait_indirect_dma semaphore(%run_scoped3A_173 : memref<!tpu.dma_semaphore, #tpu.memory_space<semaphore_mem>>) src(%arg8 : memref<80x128xf32, #tpu.memory_space<vmem>>) dst(%dma_wait3A_185 : memref<10000x128xf32, #tpu.memory_space<vmem_shared>>)
        tpu.yield
      }) : () -> ()
      %add3A_137 = arith.constant 3 : i32
      %add3A_138 = arith.addi %mul3A_122, %add3A_137 : i32
      %dma_start3A_139 = arith.constant 0 : i32
      %dma_start3A_140 = tpu.memref_slice %arg6[%add3A_138, %dma_start3A_139] : memref<125x80xi32, #tpu.memory_space<vmem>> -> memref<1x80xi32, #tpu.memory_space<vmem>>
      %dma_start3A_141 = tpu.memref_squeeze %dma_start3A_140 : memref<1x80xi32, #tpu.memory_space<vmem>> -> memref<80xi32, #tpu.memory_space<vmem>>
      %dma_start3A_142 = arith.constant 0 : i32
      %dma_start3A_143 = arith.constant 0 : i32
      %dma_start3A_144 = tpu.memref_slice %arg2[%dma_start3A_142, %dma_start3A_143] : memref<10000x128xf32, #tpu.memory_space<hbm>> -> memref<10000x128xf32, #tpu.memory_space<hbm>>
      tpu.enqueue_indirect_dma source(%dma_start3A_144 : memref<10000x128xf32, #tpu.memory_space<hbm>>) target(%arg8 : memref<80x128xf32, #tpu.memory_space<vmem>>) offsets(%dma_start3A_141 : memref<80xi32, #tpu.memory_space<vmem>>) semaphore(%arg11 : memref<!tpu.dma_semaphore, #tpu.memory_space<semaphore_mem>>)
      %add3A_145 = arith.constant 1 : i32
      %add3A_146 = arith.addi %mul3A_122, %add3A_145 : i32
      %dma_wait3A_147 = arith.constant 0 : i32
      %dma_wait3A_148 = tpu.memref_slice %arg6[%add3A_146, %dma_wait3A_147] : memref<125x80xi32, #tpu.memory_space<vmem>> -> memref<1x80xi32, #tpu.memory_space<vmem>>
      %dma_wait3A_149 = tpu.memref_squeeze %dma_wait3A_148 : memref<1x80xi32, #tpu.memory_space<vmem>> -> memref<80xi32, #tpu.memory_space<vmem>>
      %dma_wait3A_150 = arith.constant 0 : i32
      %dma_wait3A_151 = arith.constant 0 : i32
      %dma_wait3A_152 = tpu.memref_slice %arg2[%dma_wait3A_150, %dma_wait3A_151] : memref<10000x128xf32, #tpu.memory_space<hbm>> -> memref<10000x128xf32, #tpu.memory_space<hbm>>
      tpu.wait_indirect_dma semaphore(%arg12 : memref<!tpu.dma_semaphore, #tpu.memory_space<semaphore_mem>>) src(%dma_wait3A_152 : memref<10000x128xf32, #tpu.memory_space<hbm>>) dst(%arg9 : memref<80x128xf32, #tpu.memory_space<vmem>>)
      %add3A_153 = arith.constant 1 : i32
      %add3A_154 = arith.addi %mul3A_122, %add3A_153 : i32
      "tpu.region"() ({
        %run_scoped3A_173 = tpu.sem_alloc : memref<!tpu.dma_semaphore, #tpu.memory_space<semaphore_mem>>
        %dma_start3A_174 = arith.constant 0 : i32
        %dma_start3A_175 = tpu.memref_slice %arg7[%add3A_154, %dma_start3A_174] : memref<125x80xi32, #tpu.memory_space<vmem>> -> memref<1x80xi32, #tpu.memory_space<vmem>>
        %dma_start3A_176 = tpu.memref_squeeze %dma_start3A_175 : memref<1x80xi32, #tpu.memory_space<vmem>> -> memref<80xi32, #tpu.memory_space<vmem>>
        %dma_start3A_177 = arith.constant 0 : i32
        %dma_start3A_178 = arith.constant 0 : i32
        %dma_start3A_179 = tpu.memref_slice %arg5[%dma_start3A_177, %dma_start3A_178] : memref<10000x128xf32, #tpu.memory_space<vmem_shared>> -> memref<10000x128xf32, #tpu.memory_space<vmem_shared>>
        tpu.enqueue_indirect_dma source(%arg9 : memref<80x128xf32, #tpu.memory_space<vmem>>) target(%dma_start3A_179 : memref<10000x128xf32, #tpu.memory_space<vmem_shared>>) offsets(%dma_start3A_176 : memref<80xi32, #tpu.memory_space<vmem>>) semaphore(%run_scoped3A_173 : memref<!tpu.dma_semaphore, #tpu.memory_space<semaphore_mem>>) {add = true}
        %dma_wait3A_180 = arith.constant 0 : i32
        %dma_wait3A_181 = tpu.memref_slice %arg7[%add3A_154, %dma_wait3A_180] : memref<125x80xi32, #tpu.memory_space<vmem>> -> memref<1x80xi32, #tpu.memory_space<vmem>>
        %dma_wait3A_182 = tpu.memref_squeeze %dma_wait3A_181 : memref<1x80xi32, #tpu.memory_space<vmem>> -> memref<80xi32, #tpu.memory_space<vmem>>
        %dma_wait3A_183 = arith.constant 0 : i32
        %dma_wait3A_184 = arith.constant 0 : i32
        %dma_wait3A_185 = tpu.memref_slice %arg5[%dma_wait3A_183, %dma_wait3A_184] : memref<10000x128xf32, #tpu.memory_space<vmem_shared>> -> memref<10000x128xf32, #tpu.memory_space<vmem_shared>>
        tpu.wait_indirect_dma semaphore(%run_scoped3A_173 : memref<!tpu.dma_semaphore, #tpu.memory_space<semaphore_mem>>) src(%arg9 : memref<80x128xf32, #tpu.memory_space<vmem>>) dst(%dma_wait3A_185 : memref<10000x128xf32, #tpu.memory_space<vmem_shared>>)
        tpu.yield
      }) : () -> ()
      %add3A_155 = arith.constant 4 : i32
      %add3A_156 = arith.addi %mul3A_122, %add3A_155 : i32
      %dma_start3A_157 = arith.constant 0 : i32
      %dma_start3A_158 = tpu.memref_slice %arg6[%add3A_156, %dma_start3A_157] : memref<125x80xi32, #tpu.memory_space<vmem>> -> memref<1x80xi32, #tpu.memory_space<vmem>>
      %dma_start3A_159 = tpu.memref_squeeze %dma_start3A_158 : memref<1x80xi32, #tpu.memory_space<vmem>> -> memref<80xi32, #tpu.memory_space<vmem>>
      %dma_start3A_160 = arith.constant 0 : i32
      %dma_start3A_161 = arith.constant 0 : i32
      %dma_start3A_162 = tpu.memref_slice %arg2[%dma_start3A_160, %dma_start3A_161] : memref<10000x128xf32, #tpu.memory_space<hbm>> -> memref<10000x128xf32, #tpu.memory_space<hbm>>
      tpu.enqueue_indirect_dma source(%dma_start3A_162 : memref<10000x128xf32, #tpu.memory_space<hbm>>) target(%arg9 : memref<80x128xf32, #tpu.memory_space<vmem>>) offsets(%dma_start3A_159 : memref<80xi32, #tpu.memory_space<vmem>>) semaphore(%arg12 : memref<!tpu.dma_semaphore, #tpu.memory_space<semaphore_mem>>)
      %add3A_163 = arith.constant 2 : i32
      %add3A_164 = arith.addi %mul3A_122, %add3A_163 : i32
      %dma_wait3A_165 = arith.constant 0 : i32
      %dma_wait3A_166 = tpu.memref_slice %arg6[%add3A_164, %dma_wait3A_165] : memref<125x80xi32, #tpu.memory_space<vmem>> -> memref<1x80xi32, #tpu.memory_space<vmem>>
      %dma_wait3A_167 = tpu.memref_squeeze %dma_wait3A_166 : memref<1x80xi32, #tpu.memory_space<vmem>> -> memref<80xi32, #tpu.memory_space<vmem>>
      %dma_wait3A_168 = arith.constant 0 : i32
      %dma_wait3A_169 = arith.constant 0 : i32
      %dma_wait3A_170 = tpu.memref_slice %arg2[%dma_wait3A_168, %dma_wait3A_169] : memref<10000x128xf32, #tpu.memory_space<hbm>> -> memref<10000x128xf32, #tpu.memory_space<hbm>>
      tpu.wait_indirect_dma semaphore(%arg13 : memref<!tpu.dma_semaphore, #tpu.memory_space<semaphore_mem>>) src(%dma_wait3A_170 : memref<10000x128xf32, #tpu.memory_space<hbm>>) dst(%arg10 : memref<80x128xf32, #tpu.memory_space<vmem>>)
      %add3A_171 = arith.constant 2 : i32
      %add3A_172 = arith.addi %mul3A_122, %add3A_171 : i32
      "tpu.region"() ({
        %run_scoped3A_173 = tpu.sem_alloc : memref<!tpu.dma_semaphore, #tpu.memory_space<semaphore_mem>>
        %dma_start3A_174 = arith.constant 0 : i32
        %dma_start3A_175 = tpu.memref_slice %arg7[%add3A_172, %dma_start3A_174] : memref<125x80xi32, #tpu.memory_space<vmem>> -> memref<1x80xi32, #tpu.memory_space<vmem>>
        %dma_start3A_176 = tpu.memref_squeeze %dma_start3A_175 : memref<1x80xi32, #tpu.memory_space<vmem>> -> memref<80xi32, #tpu.memory_space<vmem>>
        %dma_start3A_177 = arith.constant 0 : i32
        %dma_start3A_178 = arith.constant 0 : i32
        %dma_start3A_179 = tpu.memref_slice %arg5[%dma_start3A_177, %dma_start3A_178] : memref<10000x128xf32, #tpu.memory_space<vmem_shared>> -> memref<10000x128xf32, #tpu.memory_space<vmem_shared>>
        tpu.enqueue_indirect_dma source(%arg10 : memref<80x128xf32, #tpu.memory_space<vmem>>) target(%dma_start3A_179 : memref<10000x128xf32, #tpu.memory_space<vmem_shared>>) offsets(%dma_start3A_176 : memref<80xi32, #tpu.memory_space<vmem>>) semaphore(%run_scoped3A_173 : memref<!tpu.dma_semaphore, #tpu.memory_space<semaphore_mem>>) {add = true}
        %dma_wait3A_180 = arith.constant 0 : i32
        %dma_wait3A_181 = tpu.memref_slice %arg7[%add3A_172, %dma_wait3A_180] : memref<125x80xi32, #tpu.memory_space<vmem>> -> memref<1x80xi32, #tpu.memory_space<vmem>>
        %dma_wait3A_182 = tpu.memref_squeeze %dma_wait3A_181 : memref<1x80xi32, #tpu.memory_space<vmem>> -> memref<80xi32, #tpu.memory_space<vmem>>
        %dma_wait3A_183 = arith.constant 0 : i32
        %dma_wait3A_184 = arith.constant 0 : i32
        %dma_wait3A_185 = tpu.memref_slice %arg5[%dma_wait3A_183, %dma_wait3A_184] : memref<10000x128xf32, #tpu.memory_space<vmem_shared>> -> memref<10000x128xf32, #tpu.memory_space<vmem_shared>>
        tpu.wait_indirect_dma semaphore(%run_scoped3A_173 : memref<!tpu.dma_semaphore, #tpu.memory_space<semaphore_mem>>) src(%arg10 : memref<80x128xf32, #tpu.memory_space<vmem>>) dst(%dma_wait3A_185 : memref<10000x128xf32, #tpu.memory_space<vmem_shared>>)
        tpu.yield
      }) : () -> ()
    }
    %scan3A_99 = arith.constant 41 : i32
    %dma_wait3A_100 = arith.constant 123 : i32
    %dma_wait3A_101 = arith.constant 0 : i32
    %dma_wait3A_102 = tpu.memref_slice %arg6[%dma_wait3A_100, %dma_wait3A_101] : memref<125x80xi32, #tpu.memory_space<vmem>> -> memref<1x80xi32, #tpu.memory_space<vmem>>
    %dma_wait3A_103 = tpu.memref_squeeze %dma_wait3A_102 : memref<1x80xi32, #tpu.memory_space<vmem>> -> memref<80xi32, #tpu.memory_space<vmem>>
    %dma_wait3A_104 = arith.constant 0 : i32
    %dma_wait3A_105 = arith.constant 0 : i32
    %dma_wait3A_106 = tpu.memref_slice %arg2[%dma_wait3A_104, %dma_wait3A_105] : memref<10000x128xf32, #tpu.memory_space<hbm>> -> memref<10000x128xf32, #tpu.memory_space<hbm>>
    tpu.wait_indirect_dma semaphore(%arg11 : memref<!tpu.dma_semaphore, #tpu.memory_space<semaphore_mem>>) src(%dma_wait3A_106 : memref<10000x128xf32, #tpu.memory_space<hbm>>) dst(%arg8 : memref<80x128xf32, #tpu.memory_space<vmem>>)
    %run_scoped3A = arith.constant 123 : i32
    "tpu.region"() ({
      %run_scoped3A_120 = tpu.sem_alloc : memref<!tpu.dma_semaphore, #tpu.memory_space<semaphore_mem>>
      %dma_start3A_121 = arith.constant 0 : i32
      %dma_start3A_122 = tpu.memref_slice %arg7[%run_scoped3A, %dma_start3A_121] : memref<125x80xi32, #tpu.memory_space<vmem>> -> memref<1x80xi32, #tpu.memory_space<vmem>>
      %dma_start3A_123 = tpu.memref_squeeze %dma_start3A_122 : memref<1x80xi32, #tpu.memory_space<vmem>> -> memref<80xi32, #tpu.memory_space<vmem>>
      %dma_start3A_124 = arith.constant 0 : i32
      %dma_start3A_125 = arith.constant 0 : i32
      %dma_start3A_126 = tpu.memref_slice %arg5[%dma_start3A_124, %dma_start3A_125] : memref<10000x128xf32, #tpu.memory_space<vmem_shared>> -> memref<10000x128xf32, #tpu.memory_space<vmem_shared>>
      tpu.enqueue_indirect_dma source(%arg8 : memref<80x128xf32, #tpu.memory_space<vmem>>) target(%dma_start3A_126 : memref<10000x128xf32, #tpu.memory_space<vmem_shared>>) offsets(%dma_start3A_123 : memref<80xi32, #tpu.memory_space<vmem>>) semaphore(%run_scoped3A_120 : memref<!tpu.dma_semaphore, #tpu.memory_space<semaphore_mem>>) {add = true}
      %dma_wait3A_127 = arith.constant 0 : i32
      %dma_wait3A_128 = tpu.memref_slice %arg7[%run_scoped3A, %dma_wait3A_127] : memref<125x80xi32, #tpu.memory_space<vmem>> -> memref<1x80xi32, #tpu.memory_space<vmem>>
      %dma_wait3A_129 = tpu.memref_squeeze %dma_wait3A_128 : memref<1x80xi32, #tpu.memory_space<vmem>> -> memref<80xi32, #tpu.memory_space<vmem>>
      %dma_wait3A_130 = arith.constant 0 : i32
      %dma_wait3A_131 = arith.constant 0 : i32
      %dma_wait3A_132 = tpu.memref_slice %arg5[%dma_wait3A_130, %dma_wait3A_131] : memref<10000x128xf32, #tpu.memory_space<vmem_shared>> -> memref<10000x128xf32, #tpu.memory_space<vmem_shared>>
      tpu.wait_indirect_dma semaphore(%run_scoped3A_120 : memref<!tpu.dma_semaphore, #tpu.memory_space<semaphore_mem>>) src(%arg8 : memref<80x128xf32, #tpu.memory_space<vmem>>) dst(%dma_wait3A_132 : memref<10000x128xf32, #tpu.memory_space<vmem_shared>>)
      tpu.yield
    }) : () -> ()
    %dma_wait3A_107 = arith.constant 124 : i32
    %dma_wait3A_108 = arith.constant 0 : i32
    %dma_wait3A_109 = tpu.memref_slice %arg6[%dma_wait3A_107, %dma_wait3A_108] : memref<125x80xi32, #tpu.memory_space<vmem>> -> memref<1x80xi32, #tpu.memory_space<vmem>>
    %dma_wait3A_110 = tpu.memref_squeeze %dma_wait3A_109 : memref<1x80xi32, #tpu.memory_space<vmem>> -> memref<80xi32, #tpu.memory_space<vmem>>
    %dma_wait3A_111 = arith.constant 0 : i32
    %dma_wait3A_112 = arith.constant 0 : i32
    %dma_wait3A_113 = tpu.memref_slice %arg2[%dma_wait3A_111, %dma_wait3A_112] : memref<10000x128xf32, #tpu.memory_space<hbm>> -> memref<10000x128xf32, #tpu.memory_space<hbm>>
    tpu.wait_indirect_dma semaphore(%arg12 : memref<!tpu.dma_semaphore, #tpu.memory_space<semaphore_mem>>) src(%dma_wait3A_113 : memref<10000x128xf32, #tpu.memory_space<hbm>>) dst(%arg9 : memref<80x128xf32, #tpu.memory_space<vmem>>)
    %run_scoped3A_114 = arith.constant 124 : i32
    "tpu.region"() ({
      %run_scoped3A_120 = tpu.sem_alloc : memref<!tpu.dma_semaphore, #tpu.memory_space<semaphore_mem>>
      %dma_start3A_121 = arith.constant 0 : i32
      %dma_start3A_122 = tpu.memref_slice %arg7[%run_scoped3A_114, %dma_start3A_121] : memref<125x80xi32, #tpu.memory_space<vmem>> -> memref<1x80xi32, #tpu.memory_space<vmem>>
      %dma_start3A_123 = tpu.memref_squeeze %dma_start3A_122 : memref<1x80xi32, #tpu.memory_space<vmem>> -> memref<80xi32, #tpu.memory_space<vmem>>
      %dma_start3A_124 = arith.constant 0 : i32
      %dma_start3A_125 = arith.constant 0 : i32
      %dma_start3A_126 = tpu.memref_slice %arg5[%dma_start3A_124, %dma_start3A_125] : memref<10000x128xf32, #tpu.memory_space<vmem_shared>> -> memref<10000x128xf32, #tpu.memory_space<vmem_shared>>
      tpu.enqueue_indirect_dma source(%arg9 : memref<80x128xf32, #tpu.memory_space<vmem>>) target(%dma_start3A_126 : memref<10000x128xf32, #tpu.memory_space<vmem_shared>>) offsets(%dma_start3A_123 : memref<80xi32, #tpu.memory_space<vmem>>) semaphore(%run_scoped3A_120 : memref<!tpu.dma_semaphore, #tpu.memory_space<semaphore_mem>>) {add = true}
      %dma_wait3A_127 = arith.constant 0 : i32
      %dma_wait3A_128 = tpu.memref_slice %arg7[%run_scoped3A_114, %dma_wait3A_127] : memref<125x80xi32, #tpu.memory_space<vmem>> -> memref<1x80xi32, #tpu.memory_space<vmem>>
      %dma_wait3A_129 = tpu.memref_squeeze %dma_wait3A_128 : memref<1x80xi32, #tpu.memory_space<vmem>> -> memref<80xi32, #tpu.memory_space<vmem>>
      %dma_wait3A_130 = arith.constant 0 : i32
      %dma_wait3A_131 = arith.constant 0 : i32
      %dma_wait3A_132 = tpu.memref_slice %arg5[%dma_wait3A_130, %dma_wait3A_131] : memref<10000x128xf32, #tpu.memory_space<vmem_shared>> -> memref<10000x128xf32, #tpu.memory_space<vmem_shared>>
      tpu.wait_indirect_dma semaphore(%run_scoped3A_120 : memref<!tpu.dma_semaphore, #tpu.memory_space<semaphore_mem>>) src(%arg9 : memref<80x128xf32, #tpu.memory_space<vmem>>) dst(%dma_wait3A_132 : memref<10000x128xf32, #tpu.memory_space<vmem_shared>>)
      tpu.yield
    }) : () -> ()
    %barrier3A_115 = arith.constant 0 : index
    tpu.barrier barrier_id(%barrier3A_115)
    %mul3A_116 = arith.constant 625 : i32
    %mul3A_117 = arith.muli %arg1, %mul3A_116 : i32
    %mul3A_118 = arith.constant 625 : i32
    %mul3A_119 = arith.muli %arg1, %mul3A_118 : i32
    "tpu.region"() ({
      %run_scoped3A_120 = tpu.sem_alloc : memref<!tpu.dma_semaphore, #tpu.memory_space<semaphore_mem>>
      %dma_start3A_121 = arith.constant 0 : i32
      %dma_start3A_122 = tpu.memref_slice %arg4[%arg0, %mul3A_119, %dma_start3A_121] : memref<2x10000x128xf32, #tpu.memory_space<hbm>> -> memref<1x625x128xf32, #tpu.memory_space<hbm>>
      %dma_start3A_123 = tpu.memref_squeeze %dma_start3A_122 : memref<1x625x128xf32, #tpu.memory_space<hbm>> -> memref<625x128xf32, #tpu.memory_space<hbm>>
      %dma_start3A_124 = arith.constant 0 : i32
      %dma_start3A_125 = tpu.memref_slice %arg5[%mul3A_117, %dma_start3A_124] : memref<10000x128xf32, #tpu.memory_space<vmem_shared>> -> memref<625x128xf32, #tpu.memory_space<vmem_shared>>
      tpu.enqueue_dma source(%dma_start3A_125 : memref<625x128xf32, #tpu.memory_space<vmem_shared>>) target(%dma_start3A_123 : memref<625x128xf32, #tpu.memory_space<hbm>>) target_semaphore(%run_scoped3A_120 : memref<!tpu.dma_semaphore, #tpu.memory_space<semaphore_mem>>)
      %dma_wait3A_126 = arith.constant 0 : i32
      %dma_wait3A_127 = tpu.memref_slice %arg4[%arg0, %mul3A_119, %dma_wait3A_126] : memref<2x10000x128xf32, #tpu.memory_space<hbm>> -> memref<1x625x128xf32, #tpu.memory_space<hbm>>
      %dma_wait3A_128 = tpu.memref_squeeze %dma_wait3A_127 : memref<1x625x128xf32, #tpu.memory_space<hbm>> -> memref<625x128xf32, #tpu.memory_space<hbm>>
      %dma_wait3A_129 = arith.constant 0 : i32
      %dma_wait3A_130 = tpu.memref_slice %arg5[%mul3A_117, %dma_wait3A_129] : memref<10000x128xf32, #tpu.memory_space<vmem_shared>> -> memref<625x128xf32, #tpu.memory_space<vmem_shared>>
      tpu.wait_dma2 semaphore(%run_scoped3A_120 : memref<!tpu.dma_semaphore, #tpu.memory_space<semaphore_mem>>) src(%dma_wait3A_130 : memref<625x128xf32, #tpu.memory_space<vmem_shared>>) dst(%dma_wait3A_128 : memref<625x128xf32, #tpu.memory_space<hbm>>)
      tpu.yield
    }) : () -> ()
    return
  }
}

#map = affine_map<(d0, d1) -> (0, 0, 0)>
#map1 = affine_map<(d0, d1) -> (0, 0)>
#map2 = affine_map<(d0, d1) -> (0, 0, 0, 0)>
module attributes {stable_mosaic.version = 14 : i64} {
  func.func @_emb_body(%arg0: i32, %arg1: i32, %arg2: memref<32x32x80xi32, #tpu.memory_space<hbm>>, %arg3: memref<32x80xi32, #tpu.memory_space<hbm>>, %arg4: memref<8000x16xf32, #tpu.memory_space<hbm>>, %arg5: memref<2x32x125x80xi32, #tpu.memory_space<hbm>>, %arg6: memref<80000x16xf32, #tpu.memory_space<hbm>>, %arg7: memref<2x10240xf32, #tpu.memory_space<hbm>>, %arg8: memref<10240xf32, #tpu.memory_space<vmem_shared>>, %arg9: memref<32x80xi32, #tpu.memory_space<vmem>>, %arg10: memref<80xi32, #tpu.memory_space<vmem>>, %arg11: memref<32x80xi32, #tpu.memory_space<vmem>>, %arg12: memref<2560x16xf32, #tpu.memory_space<vmem>>, %arg13: memref<125x80xi32, #tpu.memory_space<vmem>>, %arg14: memref<80xf32, #tpu.memory_space<vmem>>, %arg15: memref<80xf32, #tpu.memory_space<vmem>>, %arg16: memref<!tpu.dma_semaphore, #tpu.memory_space<semaphore_mem>>, %arg17: memref<!tpu.dma_semaphore, #tpu.memory_space<semaphore_mem>>) attributes {dimension_semantics = [#tpu.dimension_semantics<core_parallel>, #tpu.dimension_semantics<subcore_parallel>], iteration_bounds = array<i64: 2, 16>, scalar_prefetch = 0 : i64, scratch_operands = 10 : i64, tpu.core_type = #tpu.core_type<sc_vector_subcore>, window_params = [{transform_indices = #map}, {transform_indices = #map1}, {transform_indices = #map1}, {transform_indices = #map2}, {transform_indices = #map1}, {transform_indices = #map1}]} {
    %mul3A = arith.constant 16 : i32
    %mul3A_0 = arith.muli %arg0, %mul3A : i32
    %add3A = arith.addi %mul3A_0, %arg1 : i32
    %dma_start3A = arith.constant 1 : i32
    %dma_start3A_1 = arith.constant 0 : i32
    %dma_start3A_2 = arith.constant 0 : i32
    %dma_start3A_3 = tpu.memref_slice %arg5[%dma_start3A, %add3A, %dma_start3A_1, %dma_start3A_2] : memref<2x32x125x80xi32, #tpu.memory_space<hbm>> -> memref<1x1x125x80xi32, #tpu.memory_space<hbm>>
    %dma_start3A_4 = tpu.memref_squeeze %dma_start3A_3 : memref<1x1x125x80xi32, #tpu.memory_space<hbm>> -> memref<125x80xi32, #tpu.memory_space<hbm>>
    %dma_start3A_5 = arith.constant 0 : i32
    %dma_start3A_6 = arith.constant 0 : i32
    %dma_start3A_7 = tpu.memref_slice %arg5[%dma_start3A, %add3A, %dma_start3A_5, %dma_start3A_6] : memref<2x32x125x80xi32, #tpu.memory_space<hbm>> -> memref<1x1x125x80xi32, #tpu.memory_space<hbm>>
    %dma_start3A_8 = tpu.memref_squeeze %dma_start3A_7 : memref<1x1x125x80xi32, #tpu.memory_space<hbm>> -> memref<125x80xi32, #tpu.memory_space<hbm>>
    tpu.enqueue_dma source(%dma_start3A_8 : memref<125x80xi32, #tpu.memory_space<hbm>>) target(%arg13 : memref<125x80xi32, #tpu.memory_space<vmem>>) target_semaphore(%arg17 : memref<!tpu.dma_semaphore, #tpu.memory_space<semaphore_mem>>)
    %scan3A = arith.constant 0 : i32
    %scan3A_9 = arith.constant 0 : i32
    %scan3A_10 = arith.constant 5 : i32
    %scan3A_11 = arith.addi %scan3A_9, %scan3A_10 : i32
    %scan3A_12 = arith.constant 1 : i32
    scf.for %scan3A_59 = %scan3A_9 to %scan3A_11 step %scan3A_12  : i32 {
      %broadcast_in_dim3A = arith.constant 1.000000e+00 : f32
      %broadcast_in_dim3A_60 = vector.broadcast %broadcast_in_dim3A : f32 to vector<16xf32>
      %mul3A_61 = arith.constant 16 : i32
      %mul3A_62 = arith.muli %scan3A_59, %mul3A_61 : i32
      %swap3A = arith.index_cast %mul3A_62 : i32 to index
      %swap3A_63 = tpu.vector_load %arg14[%swap3A] {strides = array<i32>} : memref<80xf32, #tpu.memory_space<vmem>>, vector<16xf32>,
      %swap3A_64 = vector.shape_cast %swap3A_63 : vector<16xf32> to vector<16xf32>
      %swap3A_65 = vector.shape_cast %broadcast_in_dim3A_60 : vector<16xf32> to vector<16xf32>
      tpu.vector_store %arg14[%swap3A], %swap3A_65 {strides = array<i32>} : memref<80xf32, #tpu.memory_space<vmem>>, vector<16xf32>,
      %broadcast_in_dim3A_66 = arith.constant 0.000000e+00 : f32
      %broadcast_in_dim3A_67 = vector.broadcast %broadcast_in_dim3A_66 : f32 to vector<16xf32>
      %mul3A_68 = arith.constant 16 : i32
      %mul3A_69 = arith.muli %scan3A_59, %mul3A_68 : i32
      %swap3A_70 = arith.index_cast %mul3A_69 : i32 to index
      %swap3A_71 = tpu.vector_load %arg15[%swap3A_70] {strides = array<i32>} : memref<80xf32, #tpu.memory_space<vmem>>, vector<16xf32>,
      %swap3A_72 = vector.shape_cast %swap3A_71 : vector<16xf32> to vector<16xf32>
      %swap3A_73 = vector.shape_cast %broadcast_in_dim3A_67 : vector<16xf32> to vector<16xf32>
      tpu.vector_store %arg15[%swap3A_70], %swap3A_73 {strides = array<i32>} : memref<80xf32, #tpu.memory_space<vmem>>, vector<16xf32>,
    }
    %scan3A_13 = arith.constant 5 : i32
    %scan3A_14 = arith.constant 0 : i32
    %scan3A_15 = arith.constant 0 : i32
    %scan3A_16 = arith.constant 8 : i32
    %scan3A_17 = arith.addi %scan3A_15, %scan3A_16 : i32
    %scan3A_18 = arith.constant 1 : i32
    scf.for %scan3A_59 = %scan3A_15 to %scan3A_17 step %scan3A_18  : i32 {
      %mul3A_60 = arith.constant 640 : i32
      %mul3A_61 = arith.muli %arg1, %mul3A_60 : i32
      %mul3A_62 = arith.constant 80 : i32
      %mul3A_63 = arith.muli %scan3A_59, %mul3A_62 : i32
      %add3A_64 = arith.addi %mul3A_61, %mul3A_63 : i32
      "tpu.region"() ({
        %run_scoped3A = tpu.sem_alloc : memref<!tpu.dma_semaphore, #tpu.memory_space<semaphore_mem>>
        %dma_start3A_65 = tpu.memref_slice %arg8[%add3A_64] : memref<10240xf32, #tpu.memory_space<vmem_shared>> -> memref<80xf32, #tpu.memory_space<vmem_shared>>
        %dma_start3A_66 = tpu.memref_slice %arg8[%add3A_64] : memref<10240xf32, #tpu.memory_space<vmem_shared>> -> memref<80xf32, #tpu.memory_space<vmem_shared>>
        tpu.enqueue_dma source(%arg15 : memref<80xf32, #tpu.memory_space<vmem>>) target(%dma_start3A_66 : memref<80xf32, #tpu.memory_space<vmem_shared>>) target_semaphore(%run_scoped3A : memref<!tpu.dma_semaphore, #tpu.memory_space<semaphore_mem>>)
        %dma_wait3A_67 = tpu.memref_slice %arg8[%add3A_64] : memref<10240xf32, #tpu.memory_space<vmem_shared>> -> memref<80xf32, #tpu.memory_space<vmem_shared>>
        %dma_wait3A_68 = tpu.memref_slice %arg8[%add3A_64] : memref<10240xf32, #tpu.memory_space<vmem_shared>> -> memref<80xf32, #tpu.memory_space<vmem_shared>>
        tpu.wait_dma2 semaphore(%run_scoped3A : memref<!tpu.dma_semaphore, #tpu.memory_space<semaphore_mem>>) src(%arg15 : memref<80xf32, #tpu.memory_space<vmem>>) dst(%dma_wait3A_68 : memref<80xf32, #tpu.memory_space<vmem_shared>>)
        tpu.yield
      }) : () -> ()
    }
    %scan3A_19 = arith.constant 8 : i32
    "tpu.region"() ({
      %run_scoped3A = tpu.sem_alloc : memref<!tpu.dma_semaphore, #tpu.memory_space<semaphore_mem>>
      %dma_start3A_59 = arith.constant 0 : i32
      %dma_start3A_60 = arith.constant 0 : i32
      %dma_start3A_61 = tpu.memref_slice %arg2[%add3A, %dma_start3A_59, %dma_start3A_60] : memref<32x32x80xi32, #tpu.memory_space<hbm>> -> memref<1x32x80xi32, #tpu.memory_space<hbm>>
      %dma_start3A_62 = tpu.memref_squeeze %dma_start3A_61 : memref<1x32x80xi32, #tpu.memory_space<hbm>> -> memref<32x80xi32, #tpu.memory_space<hbm>>
      %dma_start3A_63 = arith.constant 0 : i32
      %dma_start3A_64 = arith.constant 0 : i32
      %dma_start3A_65 = tpu.memref_slice %arg2[%add3A, %dma_start3A_63, %dma_start3A_64] : memref<32x32x80xi32, #tpu.memory_space<hbm>> -> memref<1x32x80xi32, #tpu.memory_space<hbm>>
      %dma_start3A_66 = tpu.memref_squeeze %dma_start3A_65 : memref<1x32x80xi32, #tpu.memory_space<hbm>> -> memref<32x80xi32, #tpu.memory_space<hbm>>
      tpu.enqueue_dma source(%dma_start3A_66 : memref<32x80xi32, #tpu.memory_space<hbm>>) target(%arg9 : memref<32x80xi32, #tpu.memory_space<vmem>>) target_semaphore(%run_scoped3A : memref<!tpu.dma_semaphore, #tpu.memory_space<semaphore_mem>>)
      %dma_wait3A_67 = arith.constant 0 : i32
      %dma_wait3A_68 = arith.constant 0 : i32
      %dma_wait3A_69 = tpu.memref_slice %arg2[%add3A, %dma_wait3A_67, %dma_wait3A_68] : memref<32x32x80xi32, #tpu.memory_space<hbm>> -> memref<1x32x80xi32, #tpu.memory_space<hbm>>
      %dma_wait3A_70 = tpu.memref_squeeze %dma_wait3A_69 : memref<1x32x80xi32, #tpu.memory_space<hbm>> -> memref<32x80xi32, #tpu.memory_space<hbm>>
      %dma_wait3A_71 = arith.constant 0 : i32
      %dma_wait3A_72 = arith.constant 0 : i32
      %dma_wait3A_73 = tpu.memref_slice %arg2[%add3A, %dma_wait3A_71, %dma_wait3A_72] : memref<32x32x80xi32, #tpu.memory_space<hbm>> -> memref<1x32x80xi32, #tpu.memory_space<hbm>>
      %dma_wait3A_74 = tpu.memref_squeeze %dma_wait3A_73 : memref<1x32x80xi32, #tpu.memory_space<hbm>> -> memref<32x80xi32, #tpu.memory_space<hbm>>
      tpu.wait_dma2 semaphore(%run_scoped3A : memref<!tpu.dma_semaphore, #tpu.memory_space<semaphore_mem>>) src(%dma_wait3A_74 : memref<32x80xi32, #tpu.memory_space<hbm>>) dst(%arg9 : memref<32x80xi32, #tpu.memory_space<vmem>>)
      tpu.yield
    }) : () -> ()
    "tpu.region"() ({
      %run_scoped3A = tpu.sem_alloc : memref<!tpu.dma_semaphore, #tpu.memory_space<semaphore_mem>>
      %dma_start3A_59 = arith.constant 0 : i32
      %dma_start3A_60 = tpu.memref_slice %arg3[%add3A, %dma_start3A_59] : memref<32x80xi32, #tpu.memory_space<hbm>> -> memref<1x80xi32, #tpu.memory_space<hbm>>
      %dma_start3A_61 = tpu.memref_squeeze %dma_start3A_60 : memref<1x80xi32, #tpu.memory_space<hbm>> -> memref<80xi32, #tpu.memory_space<hbm>>
      %dma_start3A_62 = arith.constant 0 : i32
      %dma_start3A_63 = tpu.memref_slice %arg3[%add3A, %dma_start3A_62] : memref<32x80xi32, #tpu.memory_space<hbm>> -> memref<1x80xi32, #tpu.memory_space<hbm>>
      %dma_start3A_64 = tpu.memref_squeeze %dma_start3A_63 : memref<1x80xi32, #tpu.memory_space<hbm>> -> memref<80xi32, #tpu.memory_space<hbm>>
      tpu.enqueue_dma source(%dma_start3A_64 : memref<80xi32, #tpu.memory_space<hbm>>) target(%arg10 : memref<80xi32, #tpu.memory_space<vmem>>) target_semaphore(%run_scoped3A : memref<!tpu.dma_semaphore, #tpu.memory_space<semaphore_mem>>)
      %dma_wait3A_65 = arith.constant 0 : i32
      %dma_wait3A_66 = tpu.memref_slice %arg3[%add3A, %dma_wait3A_65] : memref<32x80xi32, #tpu.memory_space<hbm>> -> memref<1x80xi32, #tpu.memory_space<hbm>>
      %dma_wait3A_67 = tpu.memref_squeeze %dma_wait3A_66 : memref<1x80xi32, #tpu.memory_space<hbm>> -> memref<80xi32, #tpu.memory_space<hbm>>
      %dma_wait3A_68 = arith.constant 0 : i32
      %dma_wait3A_69 = tpu.memref_slice %arg3[%add3A, %dma_wait3A_68] : memref<32x80xi32, #tpu.memory_space<hbm>> -> memref<1x80xi32, #tpu.memory_space<hbm>>
      %dma_wait3A_70 = tpu.memref_squeeze %dma_wait3A_69 : memref<1x80xi32, #tpu.memory_space<hbm>> -> memref<80xi32, #tpu.memory_space<hbm>>
      tpu.wait_dma2 semaphore(%run_scoped3A : memref<!tpu.dma_semaphore, #tpu.memory_space<semaphore_mem>>) src(%dma_wait3A_70 : memref<80xi32, #tpu.memory_space<hbm>>) dst(%arg10 : memref<80xi32, #tpu.memory_space<vmem>>)
      tpu.yield
    }) : () -> ()
    %scan3A_20 = arith.constant 0 : i32
    %scan3A_21 = arith.constant 0 : i32
    %scan3A_22 = arith.constant 160 : i32
    %scan3A_23 = arith.addi %scan3A_21, %scan3A_22 : i32
    %scan3A_24 = arith.constant 1 : i32
    scf.for %scan3A_59 = %scan3A_21 to %scan3A_23 step %scan3A_24  : i32 {
      %jit3A = arith.constant 5 : i32
      %div3A = arith.divsi %scan3A_59, %jit3A : i32
      %sign3A = arith.constant 0 : i32
      %sign3A_60 = arith.cmpi sgt, %scan3A_59, %sign3A : i32
      %sign3A_61 = arith.extui %sign3A_60 : i1 to i32
      %sign3A_62 = arith.constant 0 : i32
      %sign3A_63 = arith.cmpi slt, %scan3A_59, %sign3A_62 : i32
      %sign3A_64 = arith.extui %sign3A_63 : i1 to i32
      %sign3A_65 = arith.subi %sign3A_61, %sign3A_64 : i32
      %sign3A_66 = arith.constant 0 : i32
      %sign3A_67 = arith.cmpi sgt, %jit3A, %sign3A_66 : i32
      %sign3A_68 = arith.extui %sign3A_67 : i1 to i32
      %sign3A_69 = arith.constant 0 : i32
      %sign3A_70 = arith.cmpi slt, %jit3A, %sign3A_69 : i32
      %sign3A_71 = arith.extui %sign3A_70 : i1 to i32
      %sign3A_72 = arith.subi %sign3A_68, %sign3A_71 : i32
      %ne3A = arith.cmpi ne, %sign3A_65, %sign3A_72 : i32
      %rem3A = arith.remsi %scan3A_59, %jit3A : i32
      %ne3A_73 = arith.constant 0 : i32
      %ne3A_74 = arith.cmpi ne, %rem3A, %ne3A_73 : i32
      %and3A = arith.andi %ne3A, %ne3A_74 : i1
      %sub3A = arith.constant 1 : i32
      %sub3A_75 = arith.subi %div3A, %sub3A : i32
      %select_n3A = arith.select %and3A, %sub3A_75, %div3A : i32
      %jit3A_76 = arith.constant 5 : i32
      %eq3A = arith.constant 0 : i32
      %eq3A_77 = arith.cmpi eq, %jit3A_76, %eq3A : i32
      %jit3A_78 = arith.constant 1 : i32
      %select_n3A_79 = arith.select %eq3A_77, %jit3A_78, %jit3A_76 : i32
      %rem3A_80 = arith.remsi %scan3A_59, %select_n3A_79 : i32
      %ne3A_81 = arith.constant 0 : i32
      %ne3A_82 = arith.cmpi ne, %rem3A_80, %ne3A_81 : i32
      %lt3A = arith.constant 0 : i32
      %lt3A_83 = arith.cmpi slt, %rem3A_80, %lt3A : i32
      %lt3A_84 = arith.constant 0 : i32
      %lt3A_85 = arith.cmpi slt, %select_n3A_79, %lt3A_84 : i32
      %ne3A_86 = arith.xori %lt3A_83, %lt3A_85 : i1
      %and3A_87 = arith.andi %ne3A_86, %ne3A_82 : i1
      %add3A_88 = arith.addi %rem3A_80, %select_n3A_79 : i32
      %select_n3A_89 = arith.select %and3A_87, %add3A_88, %rem3A_80 : i32
      %mul3A_90 = arith.constant 16 : i32
      %mul3A_91 = arith.muli %select_n3A_89, %mul3A_90 : i32
      %get3A = arith.index_cast %select_n3A : i32 to index
      %get3A_92 = arith.index_cast %mul3A_91 : i32 to index
      %get3A_93 = tpu.vector_load %arg9[%get3A, %get3A_92] {strides = array<i32>} : memref<32x80xi32, #tpu.memory_space<vmem>>, vector<1x16xi32>,
      %get3A_94 = vector.shape_cast %get3A_93 : vector<1x16xi32> to vector<16xi32>
      %mul3A_95 = arith.constant 16 : i32
      %mul3A_96 = arith.muli %select_n3A_89, %mul3A_95 : i32
      %get3A_97 = arith.index_cast %mul3A_96 : i32 to index
      %get3A_98 = tpu.vector_load %arg10[%get3A_97] {strides = array<i32>} : memref<80xi32, #tpu.memory_space<vmem>>, vector<16xi32>,
      %get3A_99 = vector.shape_cast %get3A_98 : vector<16xi32> to vector<16xi32>
      %add3A_100 = arith.addi %get3A_94, %get3A_99 : vector<16xi32>
      %mul3A_101 = arith.constant 16 : i32
      %mul3A_102 = arith.muli %select_n3A_89, %mul3A_101 : i32
      %swap3A = arith.index_cast %select_n3A : i32 to index
      %swap3A_103 = arith.index_cast %mul3A_102 : i32 to index
      %swap3A_104 = tpu.vector_load %arg11[%swap3A, %swap3A_103] {strides = array<i32>} : memref<32x80xi32, #tpu.memory_space<vmem>>, vector<1x16xi32>,
      %swap3A_105 = vector.shape_cast %swap3A_104 : vector<1x16xi32> to vector<16xi32>
      %swap3A_106 = vector.shape_cast %add3A_100 : vector<16xi32> to vector<1x16xi32>
      tpu.vector_store %arg11[%swap3A, %swap3A_103], %swap3A_106 {strides = array<i32>} : memref<32x80xi32, #tpu.memory_space<vmem>>, vector<1x16xi32>,
    }
    %scan3A_25 = arith.constant 160 : i32
    %dma_wait3A = arith.constant 1 : i32
    %dma_wait3A_26 = arith.constant 0 : i32
    %dma_wait3A_27 = arith.constant 0 : i32
    %dma_wait3A_28 = tpu.memref_slice %arg5[%dma_wait3A, %add3A, %dma_wait3A_26, %dma_wait3A_27] : memref<2x32x125x80xi32, #tpu.memory_space<hbm>> -> memref<1x1x125x80xi32, #tpu.memory_space<hbm>>
    %dma_wait3A_29 = tpu.memref_squeeze %dma_wait3A_28 : memref<1x1x125x80xi32, #tpu.memory_space<hbm>> -> memref<125x80xi32, #tpu.memory_space<hbm>>
    %dma_wait3A_30 = arith.constant 0 : i32
    %dma_wait3A_31 = arith.constant 0 : i32
    %dma_wait3A_32 = tpu.memref_slice %arg5[%dma_wait3A, %add3A, %dma_wait3A_30, %dma_wait3A_31] : memref<2x32x125x80xi32, #tpu.memory_space<hbm>> -> memref<1x1x125x80xi32, #tpu.memory_space<hbm>>
    %dma_wait3A_33 = tpu.memref_squeeze %dma_wait3A_32 : memref<1x1x125x80xi32, #tpu.memory_space<hbm>> -> memref<125x80xi32, #tpu.memory_space<hbm>>
    tpu.wait_dma2 semaphore(%arg17 : memref<!tpu.dma_semaphore, #tpu.memory_space<semaphore_mem>>) src(%dma_wait3A_33 : memref<125x80xi32, #tpu.memory_space<hbm>>) dst(%arg13 : memref<125x80xi32, #tpu.memory_space<vmem>>)
    %barrier3A = arith.constant 0 : index
    tpu.barrier barrier_id(%barrier3A)
    %scan3A_34 = arith.constant 0 : i32
    %scan3A_35 = arith.constant 0 : i32
    %scan3A_36 = arith.constant 4 : i32
    %scan3A_37 = arith.addi %scan3A_35, %scan3A_36 : i32
    %scan3A_38 = arith.constant 1 : i32
    scf.for %scan3A_59 = %scan3A_35 to %scan3A_37 step %scan3A_38  : i32 {
      %mul3A_60 = arith.constant 8 : i32
      %mul3A_61 = arith.muli %scan3A_59, %mul3A_60 : i32
      %add3A_62 = arith.constant 0 : i32
      %add3A_63 = arith.addi %mul3A_61, %add3A_62 : i32
      %mul3A_64 = arith.constant 8 : i32
      %mul3A_65 = arith.muli %scan3A_59, %mul3A_64 : i32
      %add3A_66 = arith.constant 0 : i32
      %add3A_67 = arith.addi %mul3A_65, %add3A_66 : i32
      %mul3A_68 = arith.constant 80 : i32
      %mul3A_69 = arith.muli %add3A_67, %mul3A_68 : i32
      %dma_start3A_70 = arith.constant 0 : i32
      %dma_start3A_71 = tpu.memref_slice %arg12[%mul3A_69, %dma_start3A_70] : memref<2560x16xf32, #tpu.memory_space<vmem>> -> memref<80x16xf32, #tpu.memory_space<vmem>>
      %dma_start3A_72 = arith.constant 0 : i32
      %dma_start3A_73 = tpu.memref_slice %arg11[%add3A_63, %dma_start3A_72] : memref<32x80xi32, #tpu.memory_space<vmem>> -> memref<1x80xi32, #tpu.memory_space<vmem>>
      %dma_start3A_74 = tpu.memref_squeeze %dma_start3A_73 : memref<1x80xi32, #tpu.memory_space<vmem>> -> memref<80xi32, #tpu.memory_space<vmem>>
      %dma_start3A_75 = arith.constant 0 : i32
      %dma_start3A_76 = arith.constant 0 : i32
      %dma_start3A_77 = tpu.memref_slice %arg4[%dma_start3A_75, %dma_start3A_76] : memref<8000x16xf32, #tpu.memory_space<hbm>> -> memref<8000x16xf32, #tpu.memory_space<hbm>>
      tpu.enqueue_indirect_dma source(%dma_start3A_77 : memref<8000x16xf32, #tpu.memory_space<hbm>>) target(%dma_start3A_71 : memref<80x16xf32, #tpu.memory_space<vmem>>) offsets(%dma_start3A_74 : memref<80xi32, #tpu.memory_space<vmem>>) semaphore(%arg16 : memref<!tpu.dma_semaphore, #tpu.memory_space<semaphore_mem>>)
      %mul3A_78 = arith.constant 8 : i32
      %mul3A_79 = arith.muli %scan3A_59, %mul3A_78 : i32
      %add3A_80 = arith.constant 1 : i32
      %add3A_81 = arith.addi %mul3A_79, %add3A_80 : i32
      %mul3A_82 = arith.constant 8 : i32
      %mul3A_83 = arith.muli %scan3A_59, %mul3A_82 : i32
      %add3A_84 = arith.constant 1 : i32
      %add3A_85 = arith.addi %mul3A_83, %add3A_84 : i32
      %mul3A_86 = arith.constant 80 : i32
      %mul3A_87 = arith.muli %add3A_85, %mul3A_86 : i32
      %dma_start3A_88 = arith.constant 0 : i32
      %dma_start3A_89 = tpu.memref_slice %arg12[%mul3A_87, %dma_start3A_88] : memref<2560x16xf32, #tpu.memory_space<vmem>> -> memref<80x16xf32, #tpu.memory_space<vmem>>
      %dma_start3A_90 = arith.constant 0 : i32
      %dma_start3A_91 = tpu.memref_slice %arg11[%add3A_81, %dma_start3A_90] : memref<32x80xi32, #tpu.memory_space<vmem>> -> memref<1x80xi32, #tpu.memory_space<vmem>>
      %dma_start3A_92 = tpu.memref_squeeze %dma_start3A_91 : memref<1x80xi32, #tpu.memory_space<vmem>> -> memref<80xi32, #tpu.memory_space<vmem>>
      %dma_start3A_93 = arith.constant 0 : i32
      %dma_start3A_94 = arith.constant 0 : i32
      %dma_start3A_95 = tpu.memref_slice %arg4[%dma_start3A_93, %dma_start3A_94] : memref<8000x16xf32, #tpu.memory_space<hbm>> -> memref<8000x16xf32, #tpu.memory_space<hbm>>
      tpu.enqueue_indirect_dma source(%dma_start3A_95 : memref<8000x16xf32, #tpu.memory_space<hbm>>) target(%dma_start3A_89 : memref<80x16xf32, #tpu.memory_space<vmem>>) offsets(%dma_start3A_92 : memref<80xi32, #tpu.memory_space<vmem>>) semaphore(%arg16 : memref<!tpu.dma_semaphore, #tpu.memory_space<semaphore_mem>>)
      %mul3A_96 = arith.constant 8 : i32
      %mul3A_97 = arith.muli %scan3A_59, %mul3A_96 : i32
      %add3A_98 = arith.constant 2 : i32
      %add3A_99 = arith.addi %mul3A_97, %add3A_98 : i32
      %mul3A_100 = arith.constant 8 : i32
      %mul3A_101 = arith.muli %scan3A_59, %mul3A_100 : i32
      %add3A_102 = arith.constant 2 : i32
      %add3A_103 = arith.addi %mul3A_101, %add3A_102 : i32
      %mul3A_104 = arith.constant 80 : i32
      %mul3A_105 = arith.muli %add3A_103, %mul3A_104 : i32
      %dma_start3A_106 = arith.constant 0 : i32
      %dma_start3A_107 = tpu.memref_slice %arg12[%mul3A_105, %dma_start3A_106] : memref<2560x16xf32, #tpu.memory_space<vmem>> -> memref<80x16xf32, #tpu.memory_space<vmem>>
      %dma_start3A_108 = arith.constant 0 : i32
      %dma_start3A_109 = tpu.memref_slice %arg11[%add3A_99, %dma_start3A_108] : memref<32x80xi32, #tpu.memory_space<vmem>> -> memref<1x80xi32, #tpu.memory_space<vmem>>
      %dma_start3A_110 = tpu.memref_squeeze %dma_start3A_109 : memref<1x80xi32, #tpu.memory_space<vmem>> -> memref<80xi32, #tpu.memory_space<vmem>>
      %dma_start3A_111 = arith.constant 0 : i32
      %dma_start3A_112 = arith.constant 0 : i32
      %dma_start3A_113 = tpu.memref_slice %arg4[%dma_start3A_111, %dma_start3A_112] : memref<8000x16xf32, #tpu.memory_space<hbm>> -> memref<8000x16xf32, #tpu.memory_space<hbm>>
      tpu.enqueue_indirect_dma source(%dma_start3A_113 : memref<8000x16xf32, #tpu.memory_space<hbm>>) target(%dma_start3A_107 : memref<80x16xf32, #tpu.memory_space<vmem>>) offsets(%dma_start3A_110 : memref<80xi32, #tpu.memory_space<vmem>>) semaphore(%arg16 : memref<!tpu.dma_semaphore, #tpu.memory_space<semaphore_mem>>)
      %mul3A_114 = arith.constant 8 : i32
      %mul3A_115 = arith.muli %scan3A_59, %mul3A_114 : i32
      %add3A_116 = arith.constant 3 : i32
      %add3A_117 = arith.addi %mul3A_115, %add3A_116 : i32
      %mul3A_118 = arith.constant 8 : i32
      %mul3A_119 = arith.muli %scan3A_59, %mul3A_118 : i32
      %add3A_120 = arith.constant 3 : i32
      %add3A_121 = arith.addi %mul3A_119, %add3A_120 : i32
      %mul3A_122 = arith.constant 80 : i32
      %mul3A_123 = arith.muli %add3A_121, %mul3A_122 : i32
      %dma_start3A_124 = arith.constant 0 : i32
      %dma_start3A_125 = tpu.memref_slice %arg12[%mul3A_123, %dma_start3A_124] : memref<2560x16xf32, #tpu.memory_space<vmem>> -> memref<80x16xf32, #tpu.memory_space<vmem>>
      %dma_start3A_126 = arith.constant 0 : i32
      %dma_start3A_127 = tpu.memref_slice %arg11[%add3A_117, %dma_start3A_126] : memref<32x80xi32, #tpu.memory_space<vmem>> -> memref<1x80xi32, #tpu.memory_space<vmem>>
      %dma_start3A_128 = tpu.memref_squeeze %dma_start3A_127 : memref<1x80xi32, #tpu.memory_space<vmem>> -> memref<80xi32, #tpu.memory_space<vmem>>
      %dma_start3A_129 = arith.constant 0 : i32
      %dma_start3A_130 = arith.constant 0 : i32
      %dma_start3A_131 = tpu.memref_slice %arg4[%dma_start3A_129, %dma_start3A_130] : memref<8000x16xf32, #tpu.memory_space<hbm>> -> memref<8000x16xf32, #tpu.memory_space<hbm>>
      tpu.enqueue_indirect_dma source(%dma_start3A_131 : memref<8000x16xf32, #tpu.memory_space<hbm>>) target(%dma_start3A_125 : memref<80x16xf32, #tpu.memory_space<vmem>>) offsets(%dma_start3A_128 : memref<80xi32, #tpu.memory_space<vmem>>) semaphore(%arg16 : memref<!tpu.dma_semaphore, #tpu.memory_space<semaphore_mem>>)
      %mul3A_132 = arith.constant 8 : i32
      %mul3A_133 = arith.muli %scan3A_59, %mul3A_132 : i32
      %add3A_134 = arith.constant 4 : i32
      %add3A_135 = arith.addi %mul3A_133, %add3A_134 : i32
      %mul3A_136 = arith.constant 8 : i32
      %mul3A_137 = arith.muli %scan3A_59, %mul3A_136 : i32
      %add3A_138 = arith.constant 4 : i32
      %add3A_139 = arith.addi %mul3A_137, %add3A_138 : i32
      %mul3A_140 = arith.constant 80 : i32
      %mul3A_141 = arith.muli %add3A_139, %mul3A_140 : i32
      %dma_start3A_142 = arith.constant 0 : i32
      %dma_start3A_143 = tpu.memref_slice %arg12[%mul3A_141, %dma_start3A_142] : memref<2560x16xf32, #tpu.memory_space<vmem>> -> memref<80x16xf32, #tpu.memory_space<vmem>>
      %dma_start3A_144 = arith.constant 0 : i32
      %dma_start3A_145 = tpu.memref_slice %arg11[%add3A_135, %dma_start3A_144] : memref<32x80xi32, #tpu.memory_space<vmem>> -> memref<1x80xi32, #tpu.memory_space<vmem>>
      %dma_start3A_146 = tpu.memref_squeeze %dma_start3A_145 : memref<1x80xi32, #tpu.memory_space<vmem>> -> memref<80xi32, #tpu.memory_space<vmem>>
      %dma_start3A_147 = arith.constant 0 : i32
      %dma_start3A_148 = arith.constant 0 : i32
      %dma_start3A_149 = tpu.memref_slice %arg4[%dma_start3A_147, %dma_start3A_148] : memref<8000x16xf32, #tpu.memory_space<hbm>> -> memref<8000x16xf32, #tpu.memory_space<hbm>>
      tpu.enqueue_indirect_dma source(%dma_start3A_149 : memref<8000x16xf32, #tpu.memory_space<hbm>>) target(%dma_start3A_143 : memref<80x16xf32, #tpu.memory_space<vmem>>) offsets(%dma_start3A_146 : memref<80xi32, #tpu.memory_space<vmem>>) semaphore(%arg16 : memref<!tpu.dma_semaphore, #tpu.memory_space<semaphore_mem>>)
      %mul3A_150 = arith.constant 8 : i32
      %mul3A_151 = arith.muli %scan3A_59, %mul3A_150 : i32
      %add3A_152 = arith.constant 5 : i32
      %add3A_153 = arith.addi %mul3A_151, %add3A_152 : i32
      %mul3A_154 = arith.constant 8 : i32
      %mul3A_155 = arith.muli %scan3A_59, %mul3A_154 : i32
      %add3A_156 = arith.constant 5 : i32
      %add3A_157 = arith.addi %mul3A_155, %add3A_156 : i32
      %mul3A_158 = arith.constant 80 : i32
      %mul3A_159 = arith.muli %add3A_157, %mul3A_158 : i32
      %dma_start3A_160 = arith.constant 0 : i32
      %dma_start3A_161 = tpu.memref_slice %arg12[%mul3A_159, %dma_start3A_160] : memref<2560x16xf32, #tpu.memory_space<vmem>> -> memref<80x16xf32, #tpu.memory_space<vmem>>
      %dma_start3A_162 = arith.constant 0 : i32
      %dma_start3A_163 = tpu.memref_slice %arg11[%add3A_153, %dma_start3A_162] : memref<32x80xi32, #tpu.memory_space<vmem>> -> memref<1x80xi32, #tpu.memory_space<vmem>>
      %dma_start3A_164 = tpu.memref_squeeze %dma_start3A_163 : memref<1x80xi32, #tpu.memory_space<vmem>> -> memref<80xi32, #tpu.memory_space<vmem>>
      %dma_start3A_165 = arith.constant 0 : i32
      %dma_start3A_166 = arith.constant 0 : i32
      %dma_start3A_167 = tpu.memref_slice %arg4[%dma_start3A_165, %dma_start3A_166] : memref<8000x16xf32, #tpu.memory_space<hbm>> -> memref<8000x16xf32, #tpu.memory_space<hbm>>
      tpu.enqueue_indirect_dma source(%dma_start3A_167 : memref<8000x16xf32, #tpu.memory_space<hbm>>) target(%dma_start3A_161 : memref<80x16xf32, #tpu.memory_space<vmem>>) offsets(%dma_start3A_164 : memref<80xi32, #tpu.memory_space<vmem>>) semaphore(%arg16 : memref<!tpu.dma_semaphore, #tpu.memory_space<semaphore_mem>>)
      %mul3A_168 = arith.constant 8 : i32
      %mul3A_169 = arith.muli %scan3A_59, %mul3A_168 : i32
      %add3A_170 = arith.constant 6 : i32
      %add3A_171 = arith.addi %mul3A_169, %add3A_170 : i32
      %mul3A_172 = arith.constant 8 : i32
      %mul3A_173 = arith.muli %scan3A_59, %mul3A_172 : i32
      %add3A_174 = arith.constant 6 : i32
      %add3A_175 = arith.addi %mul3A_173, %add3A_174 : i32
      %mul3A_176 = arith.constant 80 : i32
      %mul3A_177 = arith.muli %add3A_175, %mul3A_176 : i32
      %dma_start3A_178 = arith.constant 0 : i32
      %dma_start3A_179 = tpu.memref_slice %arg12[%mul3A_177, %dma_start3A_178] : memref<2560x16xf32, #tpu.memory_space<vmem>> -> memref<80x16xf32, #tpu.memory_space<vmem>>
      %dma_start3A_180 = arith.constant 0 : i32
      %dma_start3A_181 = tpu.memref_slice %arg11[%add3A_171, %dma_start3A_180] : memref<32x80xi32, #tpu.memory_space<vmem>> -> memref<1x80xi32, #tpu.memory_space<vmem>>
      %dma_start3A_182 = tpu.memref_squeeze %dma_start3A_181 : memref<1x80xi32, #tpu.memory_space<vmem>> -> memref<80xi32, #tpu.memory_space<vmem>>
      %dma_start3A_183 = arith.constant 0 : i32
      %dma_start3A_184 = arith.constant 0 : i32
      %dma_start3A_185 = tpu.memref_slice %arg4[%dma_start3A_183, %dma_start3A_184] : memref<8000x16xf32, #tpu.memory_space<hbm>> -> memref<8000x16xf32, #tpu.memory_space<hbm>>
      tpu.enqueue_indirect_dma source(%dma_start3A_185 : memref<8000x16xf32, #tpu.memory_space<hbm>>) target(%dma_start3A_179 : memref<80x16xf32, #tpu.memory_space<vmem>>) offsets(%dma_start3A_182 : memref<80xi32, #tpu.memory_space<vmem>>) semaphore(%arg16 : memref<!tpu.dma_semaphore, #tpu.memory_space<semaphore_mem>>)
      %mul3A_186 = arith.constant 8 : i32
      %mul3A_187 = arith.muli %scan3A_59, %mul3A_186 : i32
      %add3A_188 = arith.constant 7 : i32
      %add3A_189 = arith.addi %mul3A_187, %add3A_188 : i32
      %mul3A_190 = arith.constant 8 : i32
      %mul3A_191 = arith.muli %scan3A_59, %mul3A_190 : i32
      %add3A_192 = arith.constant 7 : i32
      %add3A_193 = arith.addi %mul3A_191, %add3A_192 : i32
      %mul3A_194 = arith.constant 80 : i32
      %mul3A_195 = arith.muli %add3A_193, %mul3A_194 : i32
      %dma_start3A_196 = arith.constant 0 : i32
      %dma_start3A_197 = tpu.memref_slice %arg12[%mul3A_195, %dma_start3A_196] : memref<2560x16xf32, #tpu.memory_space<vmem>> -> memref<80x16xf32, #tpu.memory_space<vmem>>
      %dma_start3A_198 = arith.constant 0 : i32
      %dma_start3A_199 = tpu.memref_slice %arg11[%add3A_189, %dma_start3A_198] : memref<32x80xi32, #tpu.memory_space<vmem>> -> memref<1x80xi32, #tpu.memory_space<vmem>>
      %dma_start3A_200 = tpu.memref_squeeze %dma_start3A_199 : memref<1x80xi32, #tpu.memory_space<vmem>> -> memref<80xi32, #tpu.memory_space<vmem>>
      %dma_start3A_201 = arith.constant 0 : i32
      %dma_start3A_202 = arith.constant 0 : i32
      %dma_start3A_203 = tpu.memref_slice %arg4[%dma_start3A_201, %dma_start3A_202] : memref<8000x16xf32, #tpu.memory_space<hbm>> -> memref<8000x16xf32, #tpu.memory_space<hbm>>
      tpu.enqueue_indirect_dma source(%dma_start3A_203 : memref<8000x16xf32, #tpu.memory_space<hbm>>) target(%dma_start3A_197 : memref<80x16xf32, #tpu.memory_space<vmem>>) offsets(%dma_start3A_200 : memref<80xi32, #tpu.memory_space<vmem>>) semaphore(%arg16 : memref<!tpu.dma_semaphore, #tpu.memory_space<semaphore_mem>>)
      %mul3A_204 = arith.constant 31 : i32
      %mul3A_205 = arith.muli %scan3A_59, %mul3A_204 : i32
      %add3A_206 = arith.constant 0 : i32
      %add3A_207 = arith.addi %mul3A_205, %add3A_206 : i32
      %dma_start3A_208 = arith.constant 0 : i32
      %dma_start3A_209 = tpu.memref_slice %arg13[%add3A_207, %dma_start3A_208] : memref<125x80xi32, #tpu.memory_space<vmem>> -> memref<1x80xi32, #tpu.memory_space<vmem>>
      %dma_start3A_210 = tpu.memref_squeeze %dma_start3A_209 : memref<1x80xi32, #tpu.memory_space<vmem>> -> memref<80xi32, #tpu.memory_space<vmem>>
      %dma_start3A_211 = arith.constant 0 : i32
      %dma_start3A_212 = tpu.memref_slice %arg8[%dma_start3A_211] : memref<10240xf32, #tpu.memory_space<vmem_shared>> -> memref<10240xf32, #tpu.memory_space<vmem_shared>>
      tpu.enqueue_indirect_dma source(%arg14 : memref<80xf32, #tpu.memory_space<vmem>>) target(%dma_start3A_212 : memref<10240xf32, #tpu.memory_space<vmem_shared>>) offsets(%dma_start3A_210 : memref<80xi32, #tpu.memory_space<vmem>>) semaphore(%arg17 : memref<!tpu.dma_semaphore, #tpu.memory_space<semaphore_mem>>) {add = true}
      %mul3A_213 = arith.constant 31 : i32
      %mul3A_214 = arith.muli %scan3A_59, %mul3A_213 : i32
      %add3A_215 = arith.constant 1 : i32
      %add3A_216 = arith.addi %mul3A_214, %add3A_215 : i32
      %dma_start3A_217 = arith.constant 0 : i32
      %dma_start3A_218 = tpu.memref_slice %arg13[%add3A_216, %dma_start3A_217] : memref<125x80xi32, #tpu.memory_space<vmem>> -> memref<1x80xi32, #tpu.memory_space<vmem>>
      %dma_start3A_219 = tpu.memref_squeeze %dma_start3A_218 : memref<1x80xi32, #tpu.memory_space<vmem>> -> memref<80xi32, #tpu.memory_space<vmem>>
      %dma_start3A_220 = arith.constant 0 : i32
      %dma_start3A_221 = tpu.memref_slice %arg8[%dma_start3A_220] : memref<10240xf32, #tpu.memory_space<vmem_shared>> -> memref<10240xf32, #tpu.memory_space<vmem_shared>>
      tpu.enqueue_indirect_dma source(%arg14 : memref<80xf32, #tpu.memory_space<vmem>>) target(%dma_start3A_221 : memref<10240xf32, #tpu.memory_space<vmem_shared>>) offsets(%dma_start3A_219 : memref<80xi32, #tpu.memory_space<vmem>>) semaphore(%arg17 : memref<!tpu.dma_semaphore, #tpu.memory_space<semaphore_mem>>) {add = true}
      %mul3A_222 = arith.constant 31 : i32
      %mul3A_223 = arith.muli %scan3A_59, %mul3A_222 : i32
      %add3A_224 = arith.constant 2 : i32
      %add3A_225 = arith.addi %mul3A_223, %add3A_224 : i32
      %dma_start3A_226 = arith.constant 0 : i32
      %dma_start3A_227 = tpu.memref_slice %arg13[%add3A_225, %dma_start3A_226] : memref<125x80xi32, #tpu.memory_space<vmem>> -> memref<1x80xi32, #tpu.memory_space<vmem>>
      %dma_start3A_228 = tpu.memref_squeeze %dma_start3A_227 : memref<1x80xi32, #tpu.memory_space<vmem>> -> memref<80xi32, #tpu.memory_space<vmem>>
      %dma_start3A_229 = arith.constant 0 : i32
      %dma_start3A_230 = tpu.memref_slice %arg8[%dma_start3A_229] : memref<10240xf32, #tpu.memory_space<vmem_shared>> -> memref<10240xf32, #tpu.memory_space<vmem_shared>>
      tpu.enqueue_indirect_dma source(%arg14 : memref<80xf32, #tpu.memory_space<vmem>>) target(%dma_start3A_230 : memref<10240xf32, #tpu.memory_space<vmem_shared>>) offsets(%dma_start3A_228 : memref<80xi32, #tpu.memory_space<vmem>>) semaphore(%arg17 : memref<!tpu.dma_semaphore, #tpu.memory_space<semaphore_mem>>) {add = true}
      %mul3A_231 = arith.constant 31 : i32
      %mul3A_232 = arith.muli %scan3A_59, %mul3A_231 : i32
      %add3A_233 = arith.constant 3 : i32
      %add3A_234 = arith.addi %mul3A_232, %add3A_233 : i32
      %dma_start3A_235 = arith.constant 0 : i32
      %dma_start3A_236 = tpu.memref_slice %arg13[%add3A_234, %dma_start3A_235] : memref<125x80xi32, #tpu.memory_space<vmem>> -> memref<1x80xi32, #tpu.memory_space<vmem>>
      %dma_start3A_237 = tpu.memref_squeeze %dma_start3A_236 : memref<1x80xi32, #tpu.memory_space<vmem>> -> memref<80xi32, #tpu.memory_space<vmem>>
      %dma_start3A_238 = arith.constant 0 : i32
      %dma_start3A_239 = tpu.memref_slice %arg8[%dma_start3A_238] : memref<10240xf32, #tpu.memory_space<vmem_shared>> -> memref<10240xf32, #tpu.memory_space<vmem_shared>>
      tpu.enqueue_indirect_dma source(%arg14 : memref<80xf32, #tpu.memory_space<vmem>>) target(%dma_start3A_239 : memref<10240xf32, #tpu.memory_space<vmem_shared>>) offsets(%dma_start3A_237 : memref<80xi32, #tpu.memory_space<vmem>>) semaphore(%arg17 : memref<!tpu.dma_semaphore, #tpu.memory_space<semaphore_mem>>) {add = true}
      %mul3A_240 = arith.constant 31 : i32
      %mul3A_241 = arith.muli %scan3A_59, %mul3A_240 : i32
      %add3A_242 = arith.constant 4 : i32
      %add3A_243 = arith.addi %mul3A_241, %add3A_242 : i32
      %dma_start3A_244 = arith.constant 0 : i32
      %dma_start3A_245 = tpu.memref_slice %arg13[%add3A_243, %dma_start3A_244] : memref<125x80xi32, #tpu.memory_space<vmem>> -> memref<1x80xi32, #tpu.memory_space<vmem>>
      %dma_start3A_246 = tpu.memref_squeeze %dma_start3A_245 : memref<1x80xi32, #tpu.memory_space<vmem>> -> memref<80xi32, #tpu.memory_space<vmem>>
      %dma_start3A_247 = arith.constant 0 : i32
      %dma_start3A_248 = tpu.memref_slice %arg8[%dma_start3A_247] : memref<10240xf32, #tpu.memory_space<vmem_shared>> -> memref<10240xf32, #tpu.memory_space<vmem_shared>>
      tpu.enqueue_indirect_dma source(%arg14 : memref<80xf32, #tpu.memory_space<vmem>>) target(%dma_start3A_248 : memref<10240xf32, #tpu.memory_space<vmem_shared>>) offsets(%dma_start3A_246 : memref<80xi32, #tpu.memory_space<vmem>>) semaphore(%arg17 : memref<!tpu.dma_semaphore, #tpu.memory_space<semaphore_mem>>) {add = true}
      %mul3A_249 = arith.constant 31 : i32
      %mul3A_250 = arith.muli %scan3A_59, %mul3A_249 : i32
      %add3A_251 = arith.constant 5 : i32
      %add3A_252 = arith.addi %mul3A_250, %add3A_251 : i32
      %dma_start3A_253 = arith.constant 0 : i32
      %dma_start3A_254 = tpu.memref_slice %arg13[%add3A_252, %dma_start3A_253] : memref<125x80xi32, #tpu.memory_space<vmem>> -> memref<1x80xi32, #tpu.memory_space<vmem>>
      %dma_start3A_255 = tpu.memref_squeeze %dma_start3A_254 : memref<1x80xi32, #tpu.memory_space<vmem>> -> memref<80xi32, #tpu.memory_space<vmem>>
      %dma_start3A_256 = arith.constant 0 : i32
      %dma_start3A_257 = tpu.memref_slice %arg8[%dma_start3A_256] : memref<10240xf32, #tpu.memory_space<vmem_shared>> -> memref<10240xf32, #tpu.memory_space<vmem_shared>>
      tpu.enqueue_indirect_dma source(%arg14 : memref<80xf32, #tpu.memory_space<vmem>>) target(%dma_start3A_257 : memref<10240xf32, #tpu.memory_space<vmem_shared>>) offsets(%dma_start3A_255 : memref<80xi32, #tpu.memory_space<vmem>>) semaphore(%arg17 : memref<!tpu.dma_semaphore, #tpu.memory_space<semaphore_mem>>) {add = true}
      %mul3A_258 = arith.constant 31 : i32
      %mul3A_259 = arith.muli %scan3A_59, %mul3A_258 : i32
      %add3A_260 = arith.constant 6 : i32
      %add3A_261 = arith.addi %mul3A_259, %add3A_260 : i32
      %dma_start3A_262 = arith.constant 0 : i32
      %dma_start3A_263 = tpu.memref_slice %arg13[%add3A_261, %dma_start3A_262] : memref<125x80xi32, #tpu.memory_space<vmem>> -> memref<1x80xi32, #tpu.memory_space<vmem>>
      %dma_start3A_264 = tpu.memref_squeeze %dma_start3A_263 : memref<1x80xi32, #tpu.memory_space<vmem>> -> memref<80xi32, #tpu.memory_space<vmem>>
      %dma_start3A_265 = arith.constant 0 : i32
      %dma_start3A_266 = tpu.memref_slice %arg8[%dma_start3A_265] : memref<10240xf32, #tpu.memory_space<vmem_shared>> -> memref<10240xf32, #tpu.memory_space<vmem_shared>>
      tpu.enqueue_indirect_dma source(%arg14 : memref<80xf32, #tpu.memory_space<vmem>>) target(%dma_start3A_266 : memref<10240xf32, #tpu.memory_space<vmem_shared>>) offsets(%dma_start3A_264 : memref<80xi32, #tpu.memory_space<vmem>>) semaphore(%arg17 : memref<!tpu.dma_semaphore, #tpu.memory_space<semaphore_mem>>) {add = true}
      %mul3A_267 = arith.constant 31 : i32
      %mul3A_268 = arith.muli %scan3A_59, %mul3A_267 : i32
      %add3A_269 = arith.constant 7 : i32
      %add3A_270 = arith.addi %mul3A_268, %add3A_269 : i32
      %dma_start3A_271 = arith.constant 0 : i32
      %dma_start3A_272 = tpu.memref_slice %arg13[%add3A_270, %dma_start3A_271] : memref<125x80xi32, #tpu.memory_space<vmem>> -> memref<1x80xi32, #tpu.memory_space<vmem>>
      %dma_start3A_273 = tpu.memref_squeeze %dma_start3A_272 : memref<1x80xi32, #tpu.memory_space<vmem>> -> memref<80xi32, #tpu.memory_space<vmem>>
      %dma_start3A_274 = arith.constant 0 : i32
      %dma_start3A_275 = tpu.memref_slice %arg8[%dma_start3A_274] : memref<10240xf32, #tpu.memory_space<vmem_shared>> -> memref<10240xf32, #tpu.memory_space<vmem_shared>>
      tpu.enqueue_indirect_dma source(%arg14 : memref<80xf32, #tpu.memory_space<vmem>>) target(%dma_start3A_275 : memref<10240xf32, #tpu.memory_space<vmem_shared>>) offsets(%dma_start3A_273 : memref<80xi32, #tpu.memory_space<vmem>>) semaphore(%arg17 : memref<!tpu.dma_semaphore, #tpu.memory_space<semaphore_mem>>) {add = true}
      %mul3A_276 = arith.constant 31 : i32
      %mul3A_277 = arith.muli %scan3A_59, %mul3A_276 : i32
      %add3A_278 = arith.constant 8 : i32
      %add3A_279 = arith.addi %mul3A_277, %add3A_278 : i32
      %dma_start3A_280 = arith.constant 0 : i32
      %dma_start3A_281 = tpu.memref_slice %arg13[%add3A_279, %dma_start3A_280] : memref<125x80xi32, #tpu.memory_space<vmem>> -> memref<1x80xi32, #tpu.memory_space<vmem>>
      %dma_start3A_282 = tpu.memref_squeeze %dma_start3A_281 : memref<1x80xi32, #tpu.memory_space<vmem>> -> memref<80xi32, #tpu.memory_space<vmem>>
      %dma_start3A_283 = arith.constant 0 : i32
      %dma_start3A_284 = tpu.memref_slice %arg8[%dma_start3A_283] : memref<10240xf32, #tpu.memory_space<vmem_shared>> -> memref<10240xf32, #tpu.memory_space<vmem_shared>>
      tpu.enqueue_indirect_dma source(%arg14 : memref<80xf32, #tpu.memory_space<vmem>>) target(%dma_start3A_284 : memref<10240xf32, #tpu.memory_space<vmem_shared>>) offsets(%dma_start3A_282 : memref<80xi32, #tpu.memory_space<vmem>>) semaphore(%arg17 : memref<!tpu.dma_semaphore, #tpu.memory_space<semaphore_mem>>) {add = true}
      %mul3A_285 = arith.constant 31 : i32
      %mul3A_286 = arith.muli %scan3A_59, %mul3A_285 : i32
      %add3A_287 = arith.constant 9 : i32
      %add3A_288 = arith.addi %mul3A_286, %add3A_287 : i32
      %dma_start3A_289 = arith.constant 0 : i32
      %dma_start3A_290 = tpu.memref_slice %arg13[%add3A_288, %dma_start3A_289] : memref<125x80xi32, #tpu.memory_space<vmem>> -> memref<1x80xi32, #tpu.memory_space<vmem>>
      %dma_start3A_291 = tpu.memref_squeeze %dma_start3A_290 : memref<1x80xi32, #tpu.memory_space<vmem>> -> memref<80xi32, #tpu.memory_space<vmem>>
      %dma_start3A_292 = arith.constant 0 : i32
      %dma_start3A_293 = tpu.memref_slice %arg8[%dma_start3A_292] : memref<10240xf32, #tpu.memory_space<vmem_shared>> -> memref<10240xf32, #tpu.memory_space<vmem_shared>>
      tpu.enqueue_indirect_dma source(%arg14 : memref<80xf32, #tpu.memory_space<vmem>>) target(%dma_start3A_293 : memref<10240xf32, #tpu.memory_space<vmem_shared>>) offsets(%dma_start3A_291 : memref<80xi32, #tpu.memory_space<vmem>>) semaphore(%arg17 : memref<!tpu.dma_semaphore, #tpu.memory_space<semaphore_mem>>) {add = true}
      %mul3A_294 = arith.constant 31 : i32
      %mul3A_295 = arith.muli %scan3A_59, %mul3A_294 : i32
      %add3A_296 = arith.constant 10 : i32
      %add3A_297 = arith.addi %mul3A_295, %add3A_296 : i32
      %dma_start3A_298 = arith.constant 0 : i32
      %dma_start3A_299 = tpu.memref_slice %arg13[%add3A_297, %dma_start3A_298] : memref<125x80xi32, #tpu.memory_space<vmem>> -> memref<1x80xi32, #tpu.memory_space<vmem>>
      %dma_start3A_300 = tpu.memref_squeeze %dma_start3A_299 : memref<1x80xi32, #tpu.memory_space<vmem>> -> memref<80xi32, #tpu.memory_space<vmem>>
      %dma_start3A_301 = arith.constant 0 : i32
      %dma_start3A_302 = tpu.memref_slice %arg8[%dma_start3A_301] : memref<10240xf32, #tpu.memory_space<vmem_shared>> -> memref<10240xf32, #tpu.memory_space<vmem_shared>>
      tpu.enqueue_indirect_dma source(%arg14 : memref<80xf32, #tpu.memory_space<vmem>>) target(%dma_start3A_302 : memref<10240xf32, #tpu.memory_space<vmem_shared>>) offsets(%dma_start3A_300 : memref<80xi32, #tpu.memory_space<vmem>>) semaphore(%arg17 : memref<!tpu.dma_semaphore, #tpu.memory_space<semaphore_mem>>) {add = true}
      %mul3A_303 = arith.constant 31 : i32
      %mul3A_304 = arith.muli %scan3A_59, %mul3A_303 : i32
      %add3A_305 = arith.constant 11 : i32
      %add3A_306 = arith.addi %mul3A_304, %add3A_305 : i32
      %dma_start3A_307 = arith.constant 0 : i32
      %dma_start3A_308 = tpu.memref_slice %arg13[%add3A_306, %dma_start3A_307] : memref<125x80xi32, #tpu.memory_space<vmem>> -> memref<1x80xi32, #tpu.memory_space<vmem>>
      %dma_start3A_309 = tpu.memref_squeeze %dma_start3A_308 : memref<1x80xi32, #tpu.memory_space<vmem>> -> memref<80xi32, #tpu.memory_space<vmem>>
      %dma_start3A_310 = arith.constant 0 : i32
      %dma_start3A_311 = tpu.memref_slice %arg8[%dma_start3A_310] : memref<10240xf32, #tpu.memory_space<vmem_shared>> -> memref<10240xf32, #tpu.memory_space<vmem_shared>>
      tpu.enqueue_indirect_dma source(%arg14 : memref<80xf32, #tpu.memory_space<vmem>>) target(%dma_start3A_311 : memref<10240xf32, #tpu.memory_space<vmem_shared>>) offsets(%dma_start3A_309 : memref<80xi32, #tpu.memory_space<vmem>>) semaphore(%arg17 : memref<!tpu.dma_semaphore, #tpu.memory_space<semaphore_mem>>) {add = true}
      %mul3A_312 = arith.constant 31 : i32
      %mul3A_313 = arith.muli %scan3A_59, %mul3A_312 : i32
      %add3A_314 = arith.constant 12 : i32
      %add3A_315 = arith.addi %mul3A_313, %add3A_314 : i32
      %dma_start3A_316 = arith.constant 0 : i32
      %dma_start3A_317 = tpu.memref_slice %arg13[%add3A_315, %dma_start3A_316] : memref<125x80xi32, #tpu.memory_space<vmem>> -> memref<1x80xi32, #tpu.memory_space<vmem>>
      %dma_start3A_318 = tpu.memref_squeeze %dma_start3A_317 : memref<1x80xi32, #tpu.memory_space<vmem>> -> memref<80xi32, #tpu.memory_space<vmem>>
      %dma_start3A_319 = arith.constant 0 : i32
      %dma_start3A_320 = tpu.memref_slice %arg8[%dma_start3A_319] : memref<10240xf32, #tpu.memory_space<vmem_shared>> -> memref<10240xf32, #tpu.memory_space<vmem_shared>>
      tpu.enqueue_indirect_dma source(%arg14 : memref<80xf32, #tpu.memory_space<vmem>>) target(%dma_start3A_320 : memref<10240xf32, #tpu.memory_space<vmem_shared>>) offsets(%dma_start3A_318 : memref<80xi32, #tpu.memory_space<vmem>>) semaphore(%arg17 : memref<!tpu.dma_semaphore, #tpu.memory_space<semaphore_mem>>) {add = true}
      %mul3A_321 = arith.constant 31 : i32
      %mul3A_322 = arith.muli %scan3A_59, %mul3A_321 : i32
      %add3A_323 = arith.constant 13 : i32
      %add3A_324 = arith.addi %mul3A_322, %add3A_323 : i32
      %dma_start3A_325 = arith.constant 0 : i32
      %dma_start3A_326 = tpu.memref_slice %arg13[%add3A_324, %dma_start3A_325] : memref<125x80xi32, #tpu.memory_space<vmem>> -> memref<1x80xi32, #tpu.memory_space<vmem>>
      %dma_start3A_327 = tpu.memref_squeeze %dma_start3A_326 : memref<1x80xi32, #tpu.memory_space<vmem>> -> memref<80xi32, #tpu.memory_space<vmem>>
      %dma_start3A_328 = arith.constant 0 : i32
      %dma_start3A_329 = tpu.memref_slice %arg8[%dma_start3A_328] : memref<10240xf32, #tpu.memory_space<vmem_shared>> -> memref<10240xf32, #tpu.memory_space<vmem_shared>>
      tpu.enqueue_indirect_dma source(%arg14 : memref<80xf32, #tpu.memory_space<vmem>>) target(%dma_start3A_329 : memref<10240xf32, #tpu.memory_space<vmem_shared>>) offsets(%dma_start3A_327 : memref<80xi32, #tpu.memory_space<vmem>>) semaphore(%arg17 : memref<!tpu.dma_semaphore, #tpu.memory_space<semaphore_mem>>) {add = true}
      %mul3A_330 = arith.constant 31 : i32
      %mul3A_331 = arith.muli %scan3A_59, %mul3A_330 : i32
      %add3A_332 = arith.constant 14 : i32
      %add3A_333 = arith.addi %mul3A_331, %add3A_332 : i32
      %dma_start3A_334 = arith.constant 0 : i32
      %dma_start3A_335 = tpu.memref_slice %arg13[%add3A_333, %dma_start3A_334] : memref<125x80xi32, #tpu.memory_space<vmem>> -> memref<1x80xi32, #tpu.memory_space<vmem>>
      %dma_start3A_336 = tpu.memref_squeeze %dma_start3A_335 : memref<1x80xi32, #tpu.memory_space<vmem>> -> memref<80xi32, #tpu.memory_space<vmem>>
      %dma_start3A_337 = arith.constant 0 : i32
      %dma_start3A_338 = tpu.memref_slice %arg8[%dma_start3A_337] : memref<10240xf32, #tpu.memory_space<vmem_shared>> -> memref<10240xf32, #tpu.memory_space<vmem_shared>>
      tpu.enqueue_indirect_dma source(%arg14 : memref<80xf32, #tpu.memory_space<vmem>>) target(%dma_start3A_338 : memref<10240xf32, #tpu.memory_space<vmem_shared>>) offsets(%dma_start3A_336 : memref<80xi32, #tpu.memory_space<vmem>>) semaphore(%arg17 : memref<!tpu.dma_semaphore, #tpu.memory_space<semaphore_mem>>) {add = true}
      %mul3A_339 = arith.constant 31 : i32
      %mul3A_340 = arith.muli %scan3A_59, %mul3A_339 : i32
      %add3A_341 = arith.constant 15 : i32
      %add3A_342 = arith.addi %mul3A_340, %add3A_341 : i32
      %dma_start3A_343 = arith.constant 0 : i32
      %dma_start3A_344 = tpu.memref_slice %arg13[%add3A_342, %dma_start3A_343] : memref<125x80xi32, #tpu.memory_space<vmem>> -> memref<1x80xi32, #tpu.memory_space<vmem>>
      %dma_start3A_345 = tpu.memref_squeeze %dma_start3A_344 : memref<1x80xi32, #tpu.memory_space<vmem>> -> memref<80xi32, #tpu.memory_space<vmem>>
      %dma_start3A_346 = arith.constant 0 : i32
      %dma_start3A_347 = tpu.memref_slice %arg8[%dma_start3A_346] : memref<10240xf32, #tpu.memory_space<vmem_shared>> -> memref<10240xf32, #tpu.memory_space<vmem_shared>>
      tpu.enqueue_indirect_dma source(%arg14 : memref<80xf32, #tpu.memory_space<vmem>>) target(%dma_start3A_347 : memref<10240xf32, #tpu.memory_space<vmem_shared>>) offsets(%dma_start3A_345 : memref<80xi32, #tpu.memory_space<vmem>>) semaphore(%arg17 : memref<!tpu.dma_semaphore, #tpu.memory_space<semaphore_mem>>) {add = true}
      %mul3A_348 = arith.constant 31 : i32
      %mul3A_349 = arith.muli %scan3A_59, %mul3A_348 : i32
      %add3A_350 = arith.constant 16 : i32
      %add3A_351 = arith.addi %mul3A_349, %add3A_350 : i32
      %dma_start3A_352 = arith.constant 0 : i32
      %dma_start3A_353 = tpu.memref_slice %arg13[%add3A_351, %dma_start3A_352] : memref<125x80xi32, #tpu.memory_space<vmem>> -> memref<1x80xi32, #tpu.memory_space<vmem>>
      %dma_start3A_354 = tpu.memref_squeeze %dma_start3A_353 : memref<1x80xi32, #tpu.memory_space<vmem>> -> memref<80xi32, #tpu.memory_space<vmem>>
      %dma_start3A_355 = arith.constant 0 : i32
      %dma_start3A_356 = tpu.memref_slice %arg8[%dma_start3A_355] : memref<10240xf32, #tpu.memory_space<vmem_shared>> -> memref<10240xf32, #tpu.memory_space<vmem_shared>>
      tpu.enqueue_indirect_dma source(%arg14 : memref<80xf32, #tpu.memory_space<vmem>>) target(%dma_start3A_356 : memref<10240xf32, #tpu.memory_space<vmem_shared>>) offsets(%dma_start3A_354 : memref<80xi32, #tpu.memory_space<vmem>>) semaphore(%arg17 : memref<!tpu.dma_semaphore, #tpu.memory_space<semaphore_mem>>) {add = true}
      %mul3A_357 = arith.constant 31 : i32
      %mul3A_358 = arith.muli %scan3A_59, %mul3A_357 : i32
      %add3A_359 = arith.constant 17 : i32
      %add3A_360 = arith.addi %mul3A_358, %add3A_359 : i32
      %dma_start3A_361 = arith.constant 0 : i32
      %dma_start3A_362 = tpu.memref_slice %arg13[%add3A_360, %dma_start3A_361] : memref<125x80xi32, #tpu.memory_space<vmem>> -> memref<1x80xi32, #tpu.memory_space<vmem>>
      %dma_start3A_363 = tpu.memref_squeeze %dma_start3A_362 : memref<1x80xi32, #tpu.memory_space<vmem>> -> memref<80xi32, #tpu.memory_space<vmem>>
      %dma_start3A_364 = arith.constant 0 : i32
      %dma_start3A_365 = tpu.memref_slice %arg8[%dma_start3A_364] : memref<10240xf32, #tpu.memory_space<vmem_shared>> -> memref<10240xf32, #tpu.memory_space<vmem_shared>>
      tpu.enqueue_indirect_dma source(%arg14 : memref<80xf32, #tpu.memory_space<vmem>>) target(%dma_start3A_365 : memref<10240xf32, #tpu.memory_space<vmem_shared>>) offsets(%dma_start3A_363 : memref<80xi32, #tpu.memory_space<vmem>>) semaphore(%arg17 : memref<!tpu.dma_semaphore, #tpu.memory_space<semaphore_mem>>) {add = true}
      %mul3A_366 = arith.constant 31 : i32
      %mul3A_367 = arith.muli %scan3A_59, %mul3A_366 : i32
      %add3A_368 = arith.constant 18 : i32
      %add3A_369 = arith.addi %mul3A_367, %add3A_368 : i32
      %dma_start3A_370 = arith.constant 0 : i32
      %dma_start3A_371 = tpu.memref_slice %arg13[%add3A_369, %dma_start3A_370] : memref<125x80xi32, #tpu.memory_space<vmem>> -> memref<1x80xi32, #tpu.memory_space<vmem>>
      %dma_start3A_372 = tpu.memref_squeeze %dma_start3A_371 : memref<1x80xi32, #tpu.memory_space<vmem>> -> memref<80xi32, #tpu.memory_space<vmem>>
      %dma_start3A_373 = arith.constant 0 : i32
      %dma_start3A_374 = tpu.memref_slice %arg8[%dma_start3A_373] : memref<10240xf32, #tpu.memory_space<vmem_shared>> -> memref<10240xf32, #tpu.memory_space<vmem_shared>>
      tpu.enqueue_indirect_dma source(%arg14 : memref<80xf32, #tpu.memory_space<vmem>>) target(%dma_start3A_374 : memref<10240xf32, #tpu.memory_space<vmem_shared>>) offsets(%dma_start3A_372 : memref<80xi32, #tpu.memory_space<vmem>>) semaphore(%arg17 : memref<!tpu.dma_semaphore, #tpu.memory_space<semaphore_mem>>) {add = true}
      %mul3A_375 = arith.constant 31 : i32
      %mul3A_376 = arith.muli %scan3A_59, %mul3A_375 : i32
      %add3A_377 = arith.constant 19 : i32
      %add3A_378 = arith.addi %mul3A_376, %add3A_377 : i32
      %dma_start3A_379 = arith.constant 0 : i32
      %dma_start3A_380 = tpu.memref_slice %arg13[%add3A_378, %dma_start3A_379] : memref<125x80xi32, #tpu.memory_space<vmem>> -> memref<1x80xi32, #tpu.memory_space<vmem>>
      %dma_start3A_381 = tpu.memref_squeeze %dma_start3A_380 : memref<1x80xi32, #tpu.memory_space<vmem>> -> memref<80xi32, #tpu.memory_space<vmem>>
      %dma_start3A_382 = arith.constant 0 : i32
      %dma_start3A_383 = tpu.memref_slice %arg8[%dma_start3A_382] : memref<10240xf32, #tpu.memory_space<vmem_shared>> -> memref<10240xf32, #tpu.memory_space<vmem_shared>>
      tpu.enqueue_indirect_dma source(%arg14 : memref<80xf32, #tpu.memory_space<vmem>>) target(%dma_start3A_383 : memref<10240xf32, #tpu.memory_space<vmem_shared>>) offsets(%dma_start3A_381 : memref<80xi32, #tpu.memory_space<vmem>>) semaphore(%arg17 : memref<!tpu.dma_semaphore, #tpu.memory_space<semaphore_mem>>) {add = true}
      %mul3A_384 = arith.constant 31 : i32
      %mul3A_385 = arith.muli %scan3A_59, %mul3A_384 : i32
      %add3A_386 = arith.constant 20 : i32
      %add3A_387 = arith.addi %mul3A_385, %add3A_386 : i32
      %dma_start3A_388 = arith.constant 0 : i32
      %dma_start3A_389 = tpu.memref_slice %arg13[%add3A_387, %dma_start3A_388] : memref<125x80xi32, #tpu.memory_space<vmem>> -> memref<1x80xi32, #tpu.memory_space<vmem>>
      %dma_start3A_390 = tpu.memref_squeeze %dma_start3A_389 : memref<1x80xi32, #tpu.memory_space<vmem>> -> memref<80xi32, #tpu.memory_space<vmem>>
      %dma_start3A_391 = arith.constant 0 : i32
      %dma_start3A_392 = tpu.memref_slice %arg8[%dma_start3A_391] : memref<10240xf32, #tpu.memory_space<vmem_shared>> -> memref<10240xf32, #tpu.memory_space<vmem_shared>>
      tpu.enqueue_indirect_dma source(%arg14 : memref<80xf32, #tpu.memory_space<vmem>>) target(%dma_start3A_392 : memref<10240xf32, #tpu.memory_space<vmem_shared>>) offsets(%dma_start3A_390 : memref<80xi32, #tpu.memory_space<vmem>>) semaphore(%arg17 : memref<!tpu.dma_semaphore, #tpu.memory_space<semaphore_mem>>) {add = true}
      %mul3A_393 = arith.constant 31 : i32
      %mul3A_394 = arith.muli %scan3A_59, %mul3A_393 : i32
      %add3A_395 = arith.constant 21 : i32
      %add3A_396 = arith.addi %mul3A_394, %add3A_395 : i32
      %dma_start3A_397 = arith.constant 0 : i32
      %dma_start3A_398 = tpu.memref_slice %arg13[%add3A_396, %dma_start3A_397] : memref<125x80xi32, #tpu.memory_space<vmem>> -> memref<1x80xi32, #tpu.memory_space<vmem>>
      %dma_start3A_399 = tpu.memref_squeeze %dma_start3A_398 : memref<1x80xi32, #tpu.memory_space<vmem>> -> memref<80xi32, #tpu.memory_space<vmem>>
      %dma_start3A_400 = arith.constant 0 : i32
      %dma_start3A_401 = tpu.memref_slice %arg8[%dma_start3A_400] : memref<10240xf32, #tpu.memory_space<vmem_shared>> -> memref<10240xf32, #tpu.memory_space<vmem_shared>>
      tpu.enqueue_indirect_dma source(%arg14 : memref<80xf32, #tpu.memory_space<vmem>>) target(%dma_start3A_401 : memref<10240xf32, #tpu.memory_space<vmem_shared>>) offsets(%dma_start3A_399 : memref<80xi32, #tpu.memory_space<vmem>>) semaphore(%arg17 : memref<!tpu.dma_semaphore, #tpu.memory_space<semaphore_mem>>) {add = true}
      %mul3A_402 = arith.constant 31 : i32
      %mul3A_403 = arith.muli %scan3A_59, %mul3A_402 : i32
      %add3A_404 = arith.constant 22 : i32
      %add3A_405 = arith.addi %mul3A_403, %add3A_404 : i32
      %dma_start3A_406 = arith.constant 0 : i32
      %dma_start3A_407 = tpu.memref_slice %arg13[%add3A_405, %dma_start3A_406] : memref<125x80xi32, #tpu.memory_space<vmem>> -> memref<1x80xi32, #tpu.memory_space<vmem>>
      %dma_start3A_408 = tpu.memref_squeeze %dma_start3A_407 : memref<1x80xi32, #tpu.memory_space<vmem>> -> memref<80xi32, #tpu.memory_space<vmem>>
      %dma_start3A_409 = arith.constant 0 : i32
      %dma_start3A_410 = tpu.memref_slice %arg8[%dma_start3A_409] : memref<10240xf32, #tpu.memory_space<vmem_shared>> -> memref<10240xf32, #tpu.memory_space<vmem_shared>>
      tpu.enqueue_indirect_dma source(%arg14 : memref<80xf32, #tpu.memory_space<vmem>>) target(%dma_start3A_410 : memref<10240xf32, #tpu.memory_space<vmem_shared>>) offsets(%dma_start3A_408 : memref<80xi32, #tpu.memory_space<vmem>>) semaphore(%arg17 : memref<!tpu.dma_semaphore, #tpu.memory_space<semaphore_mem>>) {add = true}
      %mul3A_411 = arith.constant 31 : i32
      %mul3A_412 = arith.muli %scan3A_59, %mul3A_411 : i32
      %add3A_413 = arith.constant 23 : i32
      %add3A_414 = arith.addi %mul3A_412, %add3A_413 : i32
      %dma_start3A_415 = arith.constant 0 : i32
      %dma_start3A_416 = tpu.memref_slice %arg13[%add3A_414, %dma_start3A_415] : memref<125x80xi32, #tpu.memory_space<vmem>> -> memref<1x80xi32, #tpu.memory_space<vmem>>
      %dma_start3A_417 = tpu.memref_squeeze %dma_start3A_416 : memref<1x80xi32, #tpu.memory_space<vmem>> -> memref<80xi32, #tpu.memory_space<vmem>>
      %dma_start3A_418 = arith.constant 0 : i32
      %dma_start3A_419 = tpu.memref_slice %arg8[%dma_start3A_418] : memref<10240xf32, #tpu.memory_space<vmem_shared>> -> memref<10240xf32, #tpu.memory_space<vmem_shared>>
      tpu.enqueue_indirect_dma source(%arg14 : memref<80xf32, #tpu.memory_space<vmem>>) target(%dma_start3A_419 : memref<10240xf32, #tpu.memory_space<vmem_shared>>) offsets(%dma_start3A_417 : memref<80xi32, #tpu.memory_space<vmem>>) semaphore(%arg17 : memref<!tpu.dma_semaphore, #tpu.memory_space<semaphore_mem>>) {add = true}
      %mul3A_420 = arith.constant 31 : i32
      %mul3A_421 = arith.muli %scan3A_59, %mul3A_420 : i32
      %add3A_422 = arith.constant 24 : i32
      %add3A_423 = arith.addi %mul3A_421, %add3A_422 : i32
      %dma_start3A_424 = arith.constant 0 : i32
      %dma_start3A_425 = tpu.memref_slice %arg13[%add3A_423, %dma_start3A_424] : memref<125x80xi32, #tpu.memory_space<vmem>> -> memref<1x80xi32, #tpu.memory_space<vmem>>
      %dma_start3A_426 = tpu.memref_squeeze %dma_start3A_425 : memref<1x80xi32, #tpu.memory_space<vmem>> -> memref<80xi32, #tpu.memory_space<vmem>>
      %dma_start3A_427 = arith.constant 0 : i32
      %dma_start3A_428 = tpu.memref_slice %arg8[%dma_start3A_427] : memref<10240xf32, #tpu.memory_space<vmem_shared>> -> memref<10240xf32, #tpu.memory_space<vmem_shared>>
      tpu.enqueue_indirect_dma source(%arg14 : memref<80xf32, #tpu.memory_space<vmem>>) target(%dma_start3A_428 : memref<10240xf32, #tpu.memory_space<vmem_shared>>) offsets(%dma_start3A_426 : memref<80xi32, #tpu.memory_space<vmem>>) semaphore(%arg17 : memref<!tpu.dma_semaphore, #tpu.memory_space<semaphore_mem>>) {add = true}
      %mul3A_429 = arith.constant 31 : i32
      %mul3A_430 = arith.muli %scan3A_59, %mul3A_429 : i32
      %add3A_431 = arith.constant 25 : i32
      %add3A_432 = arith.addi %mul3A_430, %add3A_431 : i32
      %dma_start3A_433 = arith.constant 0 : i32
      %dma_start3A_434 = tpu.memref_slice %arg13[%add3A_432, %dma_start3A_433] : memref<125x80xi32, #tpu.memory_space<vmem>> -> memref<1x80xi32, #tpu.memory_space<vmem>>
      %dma_start3A_435 = tpu.memref_squeeze %dma_start3A_434 : memref<1x80xi32, #tpu.memory_space<vmem>> -> memref<80xi32, #tpu.memory_space<vmem>>
      %dma_start3A_436 = arith.constant 0 : i32
      %dma_start3A_437 = tpu.memref_slice %arg8[%dma_start3A_436] : memref<10240xf32, #tpu.memory_space<vmem_shared>> -> memref<10240xf32, #tpu.memory_space<vmem_shared>>
      tpu.enqueue_indirect_dma source(%arg14 : memref<80xf32, #tpu.memory_space<vmem>>) target(%dma_start3A_437 : memref<10240xf32, #tpu.memory_space<vmem_shared>>) offsets(%dma_start3A_435 : memref<80xi32, #tpu.memory_space<vmem>>) semaphore(%arg17 : memref<!tpu.dma_semaphore, #tpu.memory_space<semaphore_mem>>) {add = true}
      %mul3A_438 = arith.constant 31 : i32
      %mul3A_439 = arith.muli %scan3A_59, %mul3A_438 : i32
      %add3A_440 = arith.constant 26 : i32
      %add3A_441 = arith.addi %mul3A_439, %add3A_440 : i32
      %dma_start3A_442 = arith.constant 0 : i32
      %dma_start3A_443 = tpu.memref_slice %arg13[%add3A_441, %dma_start3A_442] : memref<125x80xi32, #tpu.memory_space<vmem>> -> memref<1x80xi32, #tpu.memory_space<vmem>>
      %dma_start3A_444 = tpu.memref_squeeze %dma_start3A_443 : memref<1x80xi32, #tpu.memory_space<vmem>> -> memref<80xi32, #tpu.memory_space<vmem>>
      %dma_start3A_445 = arith.constant 0 : i32
      %dma_start3A_446 = tpu.memref_slice %arg8[%dma_start3A_445] : memref<10240xf32, #tpu.memory_space<vmem_shared>> -> memref<10240xf32, #tpu.memory_space<vmem_shared>>
      tpu.enqueue_indirect_dma source(%arg14 : memref<80xf32, #tpu.memory_space<vmem>>) target(%dma_start3A_446 : memref<10240xf32, #tpu.memory_space<vmem_shared>>) offsets(%dma_start3A_444 : memref<80xi32, #tpu.memory_space<vmem>>) semaphore(%arg17 : memref<!tpu.dma_semaphore, #tpu.memory_space<semaphore_mem>>) {add = true}
      %mul3A_447 = arith.constant 31 : i32
      %mul3A_448 = arith.muli %scan3A_59, %mul3A_447 : i32
      %add3A_449 = arith.constant 27 : i32
      %add3A_450 = arith.addi %mul3A_448, %add3A_449 : i32
      %dma_start3A_451 = arith.constant 0 : i32
      %dma_start3A_452 = tpu.memref_slice %arg13[%add3A_450, %dma_start3A_451] : memref<125x80xi32, #tpu.memory_space<vmem>> -> memref<1x80xi32, #tpu.memory_space<vmem>>
      %dma_start3A_453 = tpu.memref_squeeze %dma_start3A_452 : memref<1x80xi32, #tpu.memory_space<vmem>> -> memref<80xi32, #tpu.memory_space<vmem>>
      %dma_start3A_454 = arith.constant 0 : i32
      %dma_start3A_455 = tpu.memref_slice %arg8[%dma_start3A_454] : memref<10240xf32, #tpu.memory_space<vmem_shared>> -> memref<10240xf32, #tpu.memory_space<vmem_shared>>
      tpu.enqueue_indirect_dma source(%arg14 : memref<80xf32, #tpu.memory_space<vmem>>) target(%dma_start3A_455 : memref<10240xf32, #tpu.memory_space<vmem_shared>>) offsets(%dma_start3A_453 : memref<80xi32, #tpu.memory_space<vmem>>) semaphore(%arg17 : memref<!tpu.dma_semaphore, #tpu.memory_space<semaphore_mem>>) {add = true}
      %mul3A_456 = arith.constant 31 : i32
      %mul3A_457 = arith.muli %scan3A_59, %mul3A_456 : i32
      %add3A_458 = arith.constant 28 : i32
      %add3A_459 = arith.addi %mul3A_457, %add3A_458 : i32
      %dma_start3A_460 = arith.constant 0 : i32
      %dma_start3A_461 = tpu.memref_slice %arg13[%add3A_459, %dma_start3A_460] : memref<125x80xi32, #tpu.memory_space<vmem>> -> memref<1x80xi32, #tpu.memory_space<vmem>>
      %dma_start3A_462 = tpu.memref_squeeze %dma_start3A_461 : memref<1x80xi32, #tpu.memory_space<vmem>> -> memref<80xi32, #tpu.memory_space<vmem>>
      %dma_start3A_463 = arith.constant 0 : i32
      %dma_start3A_464 = tpu.memref_slice %arg8[%dma_start3A_463] : memref<10240xf32, #tpu.memory_space<vmem_shared>> -> memref<10240xf32, #tpu.memory_space<vmem_shared>>
      tpu.enqueue_indirect_dma source(%arg14 : memref<80xf32, #tpu.memory_space<vmem>>) target(%dma_start3A_464 : memref<10240xf32, #tpu.memory_space<vmem_shared>>) offsets(%dma_start3A_462 : memref<80xi32, #tpu.memory_space<vmem>>) semaphore(%arg17 : memref<!tpu.dma_semaphore, #tpu.memory_space<semaphore_mem>>) {add = true}
      %mul3A_465 = arith.constant 31 : i32
      %mul3A_466 = arith.muli %scan3A_59, %mul3A_465 : i32
      %add3A_467 = arith.constant 29 : i32
      %add3A_468 = arith.addi %mul3A_466, %add3A_467 : i32
      %dma_start3A_469 = arith.constant 0 : i32
      %dma_start3A_470 = tpu.memref_slice %arg13[%add3A_468, %dma_start3A_469] : memref<125x80xi32, #tpu.memory_space<vmem>> -> memref<1x80xi32, #tpu.memory_space<vmem>>
      %dma_start3A_471 = tpu.memref_squeeze %dma_start3A_470 : memref<1x80xi32, #tpu.memory_space<vmem>> -> memref<80xi32, #tpu.memory_space<vmem>>
      %dma_start3A_472 = arith.constant 0 : i32
      %dma_start3A_473 = tpu.memref_slice %arg8[%dma_start3A_472] : memref<10240xf32, #tpu.memory_space<vmem_shared>> -> memref<10240xf32, #tpu.memory_space<vmem_shared>>
      tpu.enqueue_indirect_dma source(%arg14 : memref<80xf32, #tpu.memory_space<vmem>>) target(%dma_start3A_473 : memref<10240xf32, #tpu.memory_space<vmem_shared>>) offsets(%dma_start3A_471 : memref<80xi32, #tpu.memory_space<vmem>>) semaphore(%arg17 : memref<!tpu.dma_semaphore, #tpu.memory_space<semaphore_mem>>) {add = true}
      %mul3A_474 = arith.constant 31 : i32
      %mul3A_475 = arith.muli %scan3A_59, %mul3A_474 : i32
      %add3A_476 = arith.constant 30 : i32
      %add3A_477 = arith.addi %mul3A_475, %add3A_476 : i32
      %dma_start3A_478 = arith.constant 0 : i32
      %dma_start3A_479 = tpu.memref_slice %arg13[%add3A_477, %dma_start3A_478] : memref<125x80xi32, #tpu.memory_space<vmem>> -> memref<1x80xi32, #tpu.memory_space<vmem>>
      %dma_start3A_480 = tpu.memref_squeeze %dma_start3A_479 : memref<1x80xi32, #tpu.memory_space<vmem>> -> memref<80xi32, #tpu.memory_space<vmem>>
      %dma_start3A_481 = arith.constant 0 : i32
      %dma_start3A_482 = tpu.memref_slice %arg8[%dma_start3A_481] : memref<10240xf32, #tpu.memory_space<vmem_shared>> -> memref<10240xf32, #tpu.memory_space<vmem_shared>>
      tpu.enqueue_indirect_dma source(%arg14 : memref<80xf32, #tpu.memory_space<vmem>>) target(%dma_start3A_482 : memref<10240xf32, #tpu.memory_space<vmem_shared>>) offsets(%dma_start3A_480 : memref<80xi32, #tpu.memory_space<vmem>>) semaphore(%arg17 : memref<!tpu.dma_semaphore, #tpu.memory_space<semaphore_mem>>) {add = true}
      %mul3A_483 = arith.constant 8 : i32
      %mul3A_484 = arith.muli %scan3A_59, %mul3A_483 : i32
      %add3A_485 = arith.constant 0 : i32
      %add3A_486 = arith.addi %mul3A_484, %add3A_485 : i32
      %mul3A_487 = arith.constant 8 : i32
      %mul3A_488 = arith.muli %scan3A_59, %mul3A_487 : i32
      %add3A_489 = arith.constant 0 : i32
      %add3A_490 = arith.addi %mul3A_488, %add3A_489 : i32
      %mul3A_491 = arith.constant 80 : i32
      %mul3A_492 = arith.muli %add3A_490, %mul3A_491 : i32
      %dma_wait3A_493 = arith.constant 0 : i32
      %dma_wait3A_494 = tpu.memref_slice %arg12[%mul3A_492, %dma_wait3A_493] : memref<2560x16xf32, #tpu.memory_space<vmem>> -> memref<80x16xf32, #tpu.memory_space<vmem>>
      %dma_wait3A_495 = arith.constant 0 : i32
      %dma_wait3A_496 = tpu.memref_slice %arg11[%add3A_486, %dma_wait3A_495] : memref<32x80xi32, #tpu.memory_space<vmem>> -> memref<1x80xi32, #tpu.memory_space<vmem>>
      %dma_wait3A_497 = tpu.memref_squeeze %dma_wait3A_496 : memref<1x80xi32, #tpu.memory_space<vmem>> -> memref<80xi32, #tpu.memory_space<vmem>>
      %dma_wait3A_498 = arith.constant 0 : i32
      %dma_wait3A_499 = arith.constant 0 : i32
      %dma_wait3A_500 = tpu.memref_slice %arg4[%dma_wait3A_498, %dma_wait3A_499] : memref<8000x16xf32, #tpu.memory_space<hbm>> -> memref<8000x16xf32, #tpu.memory_space<hbm>>
      tpu.wait_indirect_dma semaphore(%arg16 : memref<!tpu.dma_semaphore, #tpu.memory_space<semaphore_mem>>) src(%dma_wait3A_500 : memref<8000x16xf32, #tpu.memory_space<hbm>>) dst(%dma_wait3A_494 : memref<80x16xf32, #tpu.memory_space<vmem>>)
      %mul3A_501 = arith.constant 8 : i32
      %mul3A_502 = arith.muli %scan3A_59, %mul3A_501 : i32
      %add3A_503 = arith.constant 1 : i32
      %add3A_504 = arith.addi %mul3A_502, %add3A_503 : i32
      %mul3A_505 = arith.constant 8 : i32
      %mul3A_506 = arith.muli %scan3A_59, %mul3A_505 : i32
      %add3A_507 = arith.constant 1 : i32
      %add3A_508 = arith.addi %mul3A_506, %add3A_507 : i32
      %mul3A_509 = arith.constant 80 : i32
      %mul3A_510 = arith.muli %add3A_508, %mul3A_509 : i32
      %dma_wait3A_511 = arith.constant 0 : i32
      %dma_wait3A_512 = tpu.memref_slice %arg12[%mul3A_510, %dma_wait3A_511] : memref<2560x16xf32, #tpu.memory_space<vmem>> -> memref<80x16xf32, #tpu.memory_space<vmem>>
      %dma_wait3A_513 = arith.constant 0 : i32
      %dma_wait3A_514 = tpu.memref_slice %arg11[%add3A_504, %dma_wait3A_513] : memref<32x80xi32, #tpu.memory_space<vmem>> -> memref<1x80xi32, #tpu.memory_space<vmem>>
      %dma_wait3A_515 = tpu.memref_squeeze %dma_wait3A_514 : memref<1x80xi32, #tpu.memory_space<vmem>> -> memref<80xi32, #tpu.memory_space<vmem>>
      %dma_wait3A_516 = arith.constant 0 : i32
      %dma_wait3A_517 = arith.constant 0 : i32
      %dma_wait3A_518 = tpu.memref_slice %arg4[%dma_wait3A_516, %dma_wait3A_517] : memref<8000x16xf32, #tpu.memory_space<hbm>> -> memref<8000x16xf32, #tpu.memory_space<hbm>>
      tpu.wait_indirect_dma semaphore(%arg16 : memref<!tpu.dma_semaphore, #tpu.memory_space<semaphore_mem>>) src(%dma_wait3A_518 : memref<8000x16xf32, #tpu.memory_space<hbm>>) dst(%dma_wait3A_512 : memref<80x16xf32, #tpu.memory_space<vmem>>)
      %mul3A_519 = arith.constant 8 : i32
      %mul3A_520 = arith.muli %scan3A_59, %mul3A_519 : i32
      %add3A_521 = arith.constant 2 : i32
      %add3A_522 = arith.addi %mul3A_520, %add3A_521 : i32
      %mul3A_523 = arith.constant 8 : i32
      %mul3A_524 = arith.muli %scan3A_59, %mul3A_523 : i32
      %add3A_525 = arith.constant 2 : i32
      %add3A_526 = arith.addi %mul3A_524, %add3A_525 : i32
      %mul3A_527 = arith.constant 80 : i32
      %mul3A_528 = arith.muli %add3A_526, %mul3A_527 : i32
      %dma_wait3A_529 = arith.constant 0 : i32
      %dma_wait3A_530 = tpu.memref_slice %arg12[%mul3A_528, %dma_wait3A_529] : memref<2560x16xf32, #tpu.memory_space<vmem>> -> memref<80x16xf32, #tpu.memory_space<vmem>>
      %dma_wait3A_531 = arith.constant 0 : i32
      %dma_wait3A_532 = tpu.memref_slice %arg11[%add3A_522, %dma_wait3A_531] : memref<32x80xi32, #tpu.memory_space<vmem>> -> memref<1x80xi32, #tpu.memory_space<vmem>>
      %dma_wait3A_533 = tpu.memref_squeeze %dma_wait3A_532 : memref<1x80xi32, #tpu.memory_space<vmem>> -> memref<80xi32, #tpu.memory_space<vmem>>
      %dma_wait3A_534 = arith.constant 0 : i32
      %dma_wait3A_535 = arith.constant 0 : i32
      %dma_wait3A_536 = tpu.memref_slice %arg4[%dma_wait3A_534, %dma_wait3A_535] : memref<8000x16xf32, #tpu.memory_space<hbm>> -> memref<8000x16xf32, #tpu.memory_space<hbm>>
      tpu.wait_indirect_dma semaphore(%arg16 : memref<!tpu.dma_semaphore, #tpu.memory_space<semaphore_mem>>) src(%dma_wait3A_536 : memref<8000x16xf32, #tpu.memory_space<hbm>>) dst(%dma_wait3A_530 : memref<80x16xf32, #tpu.memory_space<vmem>>)
      %mul3A_537 = arith.constant 8 : i32
      %mul3A_538 = arith.muli %scan3A_59, %mul3A_537 : i32
      %add3A_539 = arith.constant 3 : i32
      %add3A_540 = arith.addi %mul3A_538, %add3A_539 : i32
      %mul3A_541 = arith.constant 8 : i32
      %mul3A_542 = arith.muli %scan3A_59, %mul3A_541 : i32
      %add3A_543 = arith.constant 3 : i32
      %add3A_544 = arith.addi %mul3A_542, %add3A_543 : i32
      %mul3A_545 = arith.constant 80 : i32
      %mul3A_546 = arith.muli %add3A_544, %mul3A_545 : i32
      %dma_wait3A_547 = arith.constant 0 : i32
      %dma_wait3A_548 = tpu.memref_slice %arg12[%mul3A_546, %dma_wait3A_547] : memref<2560x16xf32, #tpu.memory_space<vmem>> -> memref<80x16xf32, #tpu.memory_space<vmem>>
      %dma_wait3A_549 = arith.constant 0 : i32
      %dma_wait3A_550 = tpu.memref_slice %arg11[%add3A_540, %dma_wait3A_549] : memref<32x80xi32, #tpu.memory_space<vmem>> -> memref<1x80xi32, #tpu.memory_space<vmem>>
      %dma_wait3A_551 = tpu.memref_squeeze %dma_wait3A_550 : memref<1x80xi32, #tpu.memory_space<vmem>> -> memref<80xi32, #tpu.memory_space<vmem>>
      %dma_wait3A_552 = arith.constant 0 : i32
      %dma_wait3A_553 = arith.constant 0 : i32
      %dma_wait3A_554 = tpu.memref_slice %arg4[%dma_wait3A_552, %dma_wait3A_553] : memref<8000x16xf32, #tpu.memory_space<hbm>> -> memref<8000x16xf32, #tpu.memory_space<hbm>>
      tpu.wait_indirect_dma semaphore(%arg16 : memref<!tpu.dma_semaphore, #tpu.memory_space<semaphore_mem>>) src(%dma_wait3A_554 : memref<8000x16xf32, #tpu.memory_space<hbm>>) dst(%dma_wait3A_548 : memref<80x16xf32, #tpu.memory_space<vmem>>)
      %mul3A_555 = arith.constant 8 : i32
      %mul3A_556 = arith.muli %scan3A_59, %mul3A_555 : i32
      %add3A_557 = arith.constant 4 : i32
      %add3A_558 = arith.addi %mul3A_556, %add3A_557 : i32
      %mul3A_559 = arith.constant 8 : i32
      %mul3A_560 = arith.muli %scan3A_59, %mul3A_559 : i32
      %add3A_561 = arith.constant 4 : i32
      %add3A_562 = arith.addi %mul3A_560, %add3A_561 : i32
      %mul3A_563 = arith.constant 80 : i32
      %mul3A_564 = arith.muli %add3A_562, %mul3A_563 : i32
      %dma_wait3A_565 = arith.constant 0 : i32
      %dma_wait3A_566 = tpu.memref_slice %arg12[%mul3A_564, %dma_wait3A_565] : memref<2560x16xf32, #tpu.memory_space<vmem>> -> memref<80x16xf32, #tpu.memory_space<vmem>>
      %dma_wait3A_567 = arith.constant 0 : i32
      %dma_wait3A_568 = tpu.memref_slice %arg11[%add3A_558, %dma_wait3A_567] : memref<32x80xi32, #tpu.memory_space<vmem>> -> memref<1x80xi32, #tpu.memory_space<vmem>>
      %dma_wait3A_569 = tpu.memref_squeeze %dma_wait3A_568 : memref<1x80xi32, #tpu.memory_space<vmem>> -> memref<80xi32, #tpu.memory_space<vmem>>
      %dma_wait3A_570 = arith.constant 0 : i32
      %dma_wait3A_571 = arith.constant 0 : i32
      %dma_wait3A_572 = tpu.memref_slice %arg4[%dma_wait3A_570, %dma_wait3A_571] : memref<8000x16xf32, #tpu.memory_space<hbm>> -> memref<8000x16xf32, #tpu.memory_space<hbm>>
      tpu.wait_indirect_dma semaphore(%arg16 : memref<!tpu.dma_semaphore, #tpu.memory_space<semaphore_mem>>) src(%dma_wait3A_572 : memref<8000x16xf32, #tpu.memory_space<hbm>>) dst(%dma_wait3A_566 : memref<80x16xf32, #tpu.memory_space<vmem>>)
      %mul3A_573 = arith.constant 8 : i32
      %mul3A_574 = arith.muli %scan3A_59, %mul3A_573 : i32
      %add3A_575 = arith.constant 5 : i32
      %add3A_576 = arith.addi %mul3A_574, %add3A_575 : i32
      %mul3A_577 = arith.constant 8 : i32
      %mul3A_578 = arith.muli %scan3A_59, %mul3A_577 : i32
      %add3A_579 = arith.constant 5 : i32
      %add3A_580 = arith.addi %mul3A_578, %add3A_579 : i32
      %mul3A_581 = arith.constant 80 : i32
      %mul3A_582 = arith.muli %add3A_580, %mul3A_581 : i32
      %dma_wait3A_583 = arith.constant 0 : i32
      %dma_wait3A_584 = tpu.memref_slice %arg12[%mul3A_582, %dma_wait3A_583] : memref<2560x16xf32, #tpu.memory_space<vmem>> -> memref<80x16xf32, #tpu.memory_space<vmem>>
      %dma_wait3A_585 = arith.constant 0 : i32
      %dma_wait3A_586 = tpu.memref_slice %arg11[%add3A_576, %dma_wait3A_585] : memref<32x80xi32, #tpu.memory_space<vmem>> -> memref<1x80xi32, #tpu.memory_space<vmem>>
      %dma_wait3A_587 = tpu.memref_squeeze %dma_wait3A_586 : memref<1x80xi32, #tpu.memory_space<vmem>> -> memref<80xi32, #tpu.memory_space<vmem>>
      %dma_wait3A_588 = arith.constant 0 : i32
      %dma_wait3A_589 = arith.constant 0 : i32
      %dma_wait3A_590 = tpu.memref_slice %arg4[%dma_wait3A_588, %dma_wait3A_589] : memref<8000x16xf32, #tpu.memory_space<hbm>> -> memref<8000x16xf32, #tpu.memory_space<hbm>>
      tpu.wait_indirect_dma semaphore(%arg16 : memref<!tpu.dma_semaphore, #tpu.memory_space<semaphore_mem>>) src(%dma_wait3A_590 : memref<8000x16xf32, #tpu.memory_space<hbm>>) dst(%dma_wait3A_584 : memref<80x16xf32, #tpu.memory_space<vmem>>)
      %mul3A_591 = arith.constant 8 : i32
      %mul3A_592 = arith.muli %scan3A_59, %mul3A_591 : i32
      %add3A_593 = arith.constant 6 : i32
      %add3A_594 = arith.addi %mul3A_592, %add3A_593 : i32
      %mul3A_595 = arith.constant 8 : i32
      %mul3A_596 = arith.muli %scan3A_59, %mul3A_595 : i32
      %add3A_597 = arith.constant 6 : i32
      %add3A_598 = arith.addi %mul3A_596, %add3A_597 : i32
      %mul3A_599 = arith.constant 80 : i32
      %mul3A_600 = arith.muli %add3A_598, %mul3A_599 : i32
      %dma_wait3A_601 = arith.constant 0 : i32
      %dma_wait3A_602 = tpu.memref_slice %arg12[%mul3A_600, %dma_wait3A_601] : memref<2560x16xf32, #tpu.memory_space<vmem>> -> memref<80x16xf32, #tpu.memory_space<vmem>>
      %dma_wait3A_603 = arith.constant 0 : i32
      %dma_wait3A_604 = tpu.memref_slice %arg11[%add3A_594, %dma_wait3A_603] : memref<32x80xi32, #tpu.memory_space<vmem>> -> memref<1x80xi32, #tpu.memory_space<vmem>>
      %dma_wait3A_605 = tpu.memref_squeeze %dma_wait3A_604 : memref<1x80xi32, #tpu.memory_space<vmem>> -> memref<80xi32, #tpu.memory_space<vmem>>
      %dma_wait3A_606 = arith.constant 0 : i32
      %dma_wait3A_607 = arith.constant 0 : i32
      %dma_wait3A_608 = tpu.memref_slice %arg4[%dma_wait3A_606, %dma_wait3A_607] : memref<8000x16xf32, #tpu.memory_space<hbm>> -> memref<8000x16xf32, #tpu.memory_space<hbm>>
      tpu.wait_indirect_dma semaphore(%arg16 : memref<!tpu.dma_semaphore, #tpu.memory_space<semaphore_mem>>) src(%dma_wait3A_608 : memref<8000x16xf32, #tpu.memory_space<hbm>>) dst(%dma_wait3A_602 : memref<80x16xf32, #tpu.memory_space<vmem>>)
      %mul3A_609 = arith.constant 8 : i32
      %mul3A_610 = arith.muli %scan3A_59, %mul3A_609 : i32
      %add3A_611 = arith.constant 7 : i32
      %add3A_612 = arith.addi %mul3A_610, %add3A_611 : i32
      %mul3A_613 = arith.constant 8 : i32
      %mul3A_614 = arith.muli %scan3A_59, %mul3A_613 : i32
      %add3A_615 = arith.constant 7 : i32
      %add3A_616 = arith.addi %mul3A_614, %add3A_615 : i32
      %mul3A_617 = arith.constant 80 : i32
      %mul3A_618 = arith.muli %add3A_616, %mul3A_617 : i32
      %dma_wait3A_619 = arith.constant 0 : i32
      %dma_wait3A_620 = tpu.memref_slice %arg12[%mul3A_618, %dma_wait3A_619] : memref<2560x16xf32, #tpu.memory_space<vmem>> -> memref<80x16xf32, #tpu.memory_space<vmem>>
      %dma_wait3A_621 = arith.constant 0 : i32
      %dma_wait3A_622 = tpu.memref_slice %arg11[%add3A_612, %dma_wait3A_621] : memref<32x80xi32, #tpu.memory_space<vmem>> -> memref<1x80xi32, #tpu.memory_space<vmem>>
      %dma_wait3A_623 = tpu.memref_squeeze %dma_wait3A_622 : memref<1x80xi32, #tpu.memory_space<vmem>> -> memref<80xi32, #tpu.memory_space<vmem>>
      %dma_wait3A_624 = arith.constant 0 : i32
      %dma_wait3A_625 = arith.constant 0 : i32
      %dma_wait3A_626 = tpu.memref_slice %arg4[%dma_wait3A_624, %dma_wait3A_625] : memref<8000x16xf32, #tpu.memory_space<hbm>> -> memref<8000x16xf32, #tpu.memory_space<hbm>>
      tpu.wait_indirect_dma semaphore(%arg16 : memref<!tpu.dma_semaphore, #tpu.memory_space<semaphore_mem>>) src(%dma_wait3A_626 : memref<8000x16xf32, #tpu.memory_space<hbm>>) dst(%dma_wait3A_620 : memref<80x16xf32, #tpu.memory_space<vmem>>)
    }
    %scan3A_39 = arith.constant 4 : i32
    %dma_start3A_40 = arith.constant 124 : i32
    %dma_start3A_41 = arith.constant 0 : i32
    %dma_start3A_42 = tpu.memref_slice %arg13[%dma_start3A_40, %dma_start3A_41] : memref<125x80xi32, #tpu.memory_space<vmem>> -> memref<1x80xi32, #tpu.memory_space<vmem>>
    %dma_start3A_43 = tpu.memref_squeeze %dma_start3A_42 : memref<1x80xi32, #tpu.memory_space<vmem>> -> memref<80xi32, #tpu.memory_space<vmem>>
    %dma_start3A_44 = arith.constant 0 : i32
    %dma_start3A_45 = tpu.memref_slice %arg8[%dma_start3A_44] : memref<10240xf32, #tpu.memory_space<vmem_shared>> -> memref<10240xf32, #tpu.memory_space<vmem_shared>>
    tpu.enqueue_indirect_dma source(%arg14 : memref<80xf32, #tpu.memory_space<vmem>>) target(%dma_start3A_45 : memref<10240xf32, #tpu.memory_space<vmem_shared>>) offsets(%dma_start3A_43 : memref<80xi32, #tpu.memory_space<vmem>>) semaphore(%arg17 : memref<!tpu.dma_semaphore, #tpu.memory_space<semaphore_mem>>) {add = true}
    %mul3A_46 = arith.constant 2500 : i32
    %mul3A_47 = arith.muli %add3A, %mul3A_46 : i32
    "tpu.region"() ({
      %run_scoped3A = tpu.sem_alloc : memref<!tpu.dma_semaphore, #tpu.memory_space<semaphore_mem>>
      %dma_start3A_59 = arith.constant 0 : i32
      %dma_start3A_60 = arith.constant 0 : i32
      %dma_start3A_61 = tpu.memref_slice %arg12[%dma_start3A_59, %dma_start3A_60] : memref<2560x16xf32, #tpu.memory_space<vmem>> -> memref<2500x16xf32, #tpu.memory_space<vmem>>
      %dma_start3A_62 = arith.constant 0 : i32
      %dma_start3A_63 = tpu.memref_slice %arg6[%mul3A_47, %dma_start3A_62] : memref<80000x16xf32, #tpu.memory_space<hbm>> -> memref<2500x16xf32, #tpu.memory_space<hbm>>
      %dma_start3A_64 = arith.constant 0 : i32
      %dma_start3A_65 = tpu.memref_slice %arg6[%mul3A_47, %dma_start3A_64] : memref<80000x16xf32, #tpu.memory_space<hbm>> -> memref<2500x16xf32, #tpu.memory_space<hbm>>
      %dma_start3A_66 = arith.constant 0 : i32
      %dma_start3A_67 = arith.constant 0 : i32
      %dma_start3A_68 = tpu.memref_slice %arg12[%dma_start3A_66, %dma_start3A_67] : memref<2560x16xf32, #tpu.memory_space<vmem>> -> memref<2500x16xf32, #tpu.memory_space<vmem>>
      tpu.enqueue_dma source(%dma_start3A_68 : memref<2500x16xf32, #tpu.memory_space<vmem>>) target(%dma_start3A_65 : memref<2500x16xf32, #tpu.memory_space<hbm>>) target_semaphore(%run_scoped3A : memref<!tpu.dma_semaphore, #tpu.memory_space<semaphore_mem>>)
      %dma_wait3A_69 = arith.constant 0 : i32
      %dma_wait3A_70 = arith.constant 0 : i32
      %dma_wait3A_71 = tpu.memref_slice %arg12[%dma_wait3A_69, %dma_wait3A_70] : memref<2560x16xf32, #tpu.memory_space<vmem>> -> memref<2500x16xf32, #tpu.memory_space<vmem>>
      %dma_wait3A_72 = arith.constant 0 : i32
      %dma_wait3A_73 = tpu.memref_slice %arg6[%mul3A_47, %dma_wait3A_72] : memref<80000x16xf32, #tpu.memory_space<hbm>> -> memref<2500x16xf32, #tpu.memory_space<hbm>>
      %dma_wait3A_74 = arith.constant 0 : i32
      %dma_wait3A_75 = tpu.memref_slice %arg6[%mul3A_47, %dma_wait3A_74] : memref<80000x16xf32, #tpu.memory_space<hbm>> -> memref<2500x16xf32, #tpu.memory_space<hbm>>
      %dma_wait3A_76 = arith.constant 0 : i32
      %dma_wait3A_77 = arith.constant 0 : i32
      %dma_wait3A_78 = tpu.memref_slice %arg12[%dma_wait3A_76, %dma_wait3A_77] : memref<2560x16xf32, #tpu.memory_space<vmem>> -> memref<2500x16xf32, #tpu.memory_space<vmem>>
      tpu.wait_dma2 semaphore(%run_scoped3A : memref<!tpu.dma_semaphore, #tpu.memory_space<semaphore_mem>>) src(%dma_wait3A_78 : memref<2500x16xf32, #tpu.memory_space<vmem>>) dst(%dma_wait3A_75 : memref<2500x16xf32, #tpu.memory_space<hbm>>)
      tpu.yield
    }) : () -> ()
    %scan3A_48 = arith.constant 0 : i32
    %scan3A_49 = arith.constant 0 : i32
    %scan3A_50 = arith.constant 125 : i32
    %scan3A_51 = arith.addi %scan3A_49, %scan3A_50 : i32
    %scan3A_52 = arith.constant 1 : i32
    scf.for %scan3A_59 = %scan3A_49 to %scan3A_51 step %scan3A_52  : i32 {
      %dma_wait3A_60 = arith.constant 0 : i32
      %dma_wait3A_61 = tpu.memref_slice %arg13[%scan3A_59, %dma_wait3A_60] : memref<125x80xi32, #tpu.memory_space<vmem>> -> memref<1x80xi32, #tpu.memory_space<vmem>>
      %dma_wait3A_62 = tpu.memref_squeeze %dma_wait3A_61 : memref<1x80xi32, #tpu.memory_space<vmem>> -> memref<80xi32, #tpu.memory_space<vmem>>
      %dma_wait3A_63 = arith.constant 0 : i32
      %dma_wait3A_64 = tpu.memref_slice %arg8[%dma_wait3A_63] : memref<10240xf32, #tpu.memory_space<vmem_shared>> -> memref<10240xf32, #tpu.memory_space<vmem_shared>>
      tpu.wait_indirect_dma semaphore(%arg17 : memref<!tpu.dma_semaphore, #tpu.memory_space<semaphore_mem>>) src(%arg14 : memref<80xf32, #tpu.memory_space<vmem>>) dst(%dma_wait3A_64 : memref<10240xf32, #tpu.memory_space<vmem_shared>>)
    }
    %scan3A_53 = arith.constant 125 : i32
    %barrier3A_54 = arith.constant 0 : index
    tpu.barrier barrier_id(%barrier3A_54)
    %mul3A_55 = arith.constant 640 : i32
    %mul3A_56 = arith.muli %arg1, %mul3A_55 : i32
    %mul3A_57 = arith.constant 640 : i32
    %mul3A_58 = arith.muli %arg1, %mul3A_57 : i32
    "tpu.region"() ({
      %run_scoped3A = tpu.sem_alloc : memref<!tpu.dma_semaphore, #tpu.memory_space<semaphore_mem>>
      %dma_start3A_59 = tpu.memref_slice %arg7[%arg0, %mul3A_58] : memref<2x10240xf32, #tpu.memory_space<hbm>> -> memref<1x640xf32, #tpu.memory_space<hbm>>
      %dma_start3A_60 = tpu.memref_squeeze %dma_start3A_59 : memref<1x640xf32, #tpu.memory_space<hbm>> -> memref<640xf32, #tpu.memory_space<hbm>>
      %dma_start3A_61 = tpu.memref_slice %arg8[%mul3A_56] : memref<10240xf32, #tpu.memory_space<vmem_shared>> -> memref<640xf32, #tpu.memory_space<vmem_shared>>
      tpu.enqueue_dma source(%dma_start3A_61 : memref<640xf32, #tpu.memory_space<vmem_shared>>) target(%dma_start3A_60 : memref<640xf32, #tpu.memory_space<hbm>>) target_semaphore(%run_scoped3A : memref<!tpu.dma_semaphore, #tpu.memory_space<semaphore_mem>>)
      %dma_wait3A_62 = tpu.memref_slice %arg7[%arg0, %mul3A_58] : memref<2x10240xf32, #tpu.memory_space<hbm>> -> memref<1x640xf32, #tpu.memory_space<hbm>>
      %dma_wait3A_63 = tpu.memref_squeeze %dma_wait3A_62 : memref<1x640xf32, #tpu.memory_space<hbm>> -> memref<640xf32, #tpu.memory_space<hbm>>
      %dma_wait3A_64 = tpu.memref_slice %arg8[%mul3A_56] : memref<10240xf32, #tpu.memory_space<vmem_shared>> -> memref<640xf32, #tpu.memory_space<vmem_shared>>
      tpu.wait_dma2 semaphore(%run_scoped3A : memref<!tpu.dma_semaphore, #tpu.memory_space<semaphore_mem>>) src(%dma_wait3A_64 : memref<640xf32, #tpu.memory_space<vmem_shared>>) dst(%dma_wait3A_63 : memref<640xf32, #tpu.memory_space<hbm>>)
      tpu.yield
    }) : () -> ()
    return
  }
}

#map = affine_map<(d0, d1) -> (0, 0)>
#map1 = affine_map<(d0, d1) -> (0, 0, 0, 0)>
#map2 = affine_map<(d0, d1) -> (0, 0, 0)>
module attributes {stable_mosaic.version = 14 : i64} {
  func.func @_agg_body(%arg0: i32, %arg1: i32, %arg2: memref<10000x128xf32, #tpu.memory_space<hbm>>, %arg3: memref<2x32x125x80xi32, #tpu.memory_space<hbm>>, %arg4: memref<2x10000x128xf32, #tpu.memory_space<hbm>>, %arg5: memref<10000x128xf32, #tpu.memory_space<vmem_shared>>, %arg6: memref<125x80xi32, #tpu.memory_space<vmem>>, %arg7: memref<125x80xi32, #tpu.memory_space<vmem>>, %arg8: memref<80x128xf32, #tpu.memory_space<vmem>>, %arg9: memref<80x128xf32, #tpu.memory_space<vmem>>, %arg10: memref<80x128xf32, #tpu.memory_space<vmem>>, %arg11: memref<!tpu.dma_semaphore, #tpu.memory_space<semaphore_mem>>, %arg12: memref<!tpu.dma_semaphore, #tpu.memory_space<semaphore_mem>>, %arg13: memref<!tpu.dma_semaphore, #tpu.memory_space<semaphore_mem>>) attributes {dimension_semantics = [#tpu.dimension_semantics<core_parallel>, #tpu.dimension_semantics<subcore_parallel>], iteration_bounds = array<i64: 2, 16>, scalar_prefetch = 0 : i64, scratch_operands = 9 : i64, tpu.core_type = #tpu.core_type<sc_vector_subcore>, window_params = [{transform_indices = #map}, {transform_indices = #map1}, {transform_indices = #map2}]} {
    %mul3A = arith.constant 16 : i32
    %mul3A_0 = arith.muli %arg0, %mul3A : i32
    %add3A = arith.addi %mul3A_0, %arg1 : i32
    %scan3A = arith.constant 0 : i32
    %scan3A_1 = arith.constant 0 : i32
    %scan3A_2 = arith.constant 640 : i32
    %scan3A_3 = arith.addi %scan3A_1, %scan3A_2 : i32
    %scan3A_4 = arith.constant 1 : i32
    scf.for %scan3A_120 = %scan3A_1 to %scan3A_3 step %scan3A_4  : i32 {
      %jit3A = arith.constant 8 : i32
      %div3A = arith.divsi %scan3A_120, %jit3A : i32
      %sign3A = arith.constant 0 : i32
      %sign3A_121 = arith.cmpi sgt, %scan3A_120, %sign3A : i32
      %sign3A_122 = arith.extui %sign3A_121 : i1 to i32
      %sign3A_123 = arith.constant 0 : i32
      %sign3A_124 = arith.cmpi slt, %scan3A_120, %sign3A_123 : i32
      %sign3A_125 = arith.extui %sign3A_124 : i1 to i32
      %sign3A_126 = arith.subi %sign3A_122, %sign3A_125 : i32
      %sign3A_127 = arith.constant 0 : i32
      %sign3A_128 = arith.cmpi sgt, %jit3A, %sign3A_127 : i32
      %sign3A_129 = arith.extui %sign3A_128 : i1 to i32
      %sign3A_130 = arith.constant 0 : i32
      %sign3A_131 = arith.cmpi slt, %jit3A, %sign3A_130 : i32
      %sign3A_132 = arith.extui %sign3A_131 : i1 to i32
      %sign3A_133 = arith.subi %sign3A_129, %sign3A_132 : i32
      %ne3A = arith.cmpi ne, %sign3A_126, %sign3A_133 : i32
      %rem3A = arith.remsi %scan3A_120, %jit3A : i32
      %ne3A_134 = arith.constant 0 : i32
      %ne3A_135 = arith.cmpi ne, %rem3A, %ne3A_134 : i32
      %and3A = arith.andi %ne3A, %ne3A_135 : i1
      %sub3A = arith.constant 1 : i32
      %sub3A_136 = arith.subi %div3A, %sub3A : i32
      %select_n3A = arith.select %and3A, %sub3A_136, %div3A : i32
      %jit3A_137 = arith.constant 8 : i32
      %eq3A = arith.constant 0 : i32
      %eq3A_138 = arith.cmpi eq, %jit3A_137, %eq3A : i32
      %jit3A_139 = arith.constant 1 : i32
      %select_n3A_140 = arith.select %eq3A_138, %jit3A_139, %jit3A_137 : i32
      %rem3A_141 = arith.remsi %scan3A_120, %select_n3A_140 : i32
      %ne3A_142 = arith.constant 0 : i32
      %ne3A_143 = arith.cmpi ne, %rem3A_141, %ne3A_142 : i32
      %lt3A = arith.constant 0 : i32
      %lt3A_144 = arith.cmpi slt, %rem3A_141, %lt3A : i32
      %lt3A_145 = arith.constant 0 : i32
      %lt3A_146 = arith.cmpi slt, %select_n3A_140, %lt3A_145 : i32
      %ne3A_147 = arith.xori %lt3A_144, %lt3A_146 : i1
      %and3A_148 = arith.andi %ne3A_147, %ne3A_143 : i1
      %add3A_149 = arith.addi %rem3A_141, %select_n3A_140 : i32
      %select_n3A_150 = arith.select %and3A_148, %add3A_149, %rem3A_141 : i32
      %broadcast_in_dim3A = arith.constant 0.000000e+00 : f32
      %broadcast_in_dim3A_151 = vector.broadcast %broadcast_in_dim3A : f32 to vector<16xf32>
      %mul3A_152 = arith.constant 16 : i32
      %mul3A_153 = arith.muli %select_n3A_150, %mul3A_152 : i32
      %swap3A = arith.index_cast %select_n3A : i32 to index
      %swap3A_154 = arith.index_cast %mul3A_153 : i32 to index
      %swap3A_155 = tpu.vector_load %arg8[%swap3A, %swap3A_154] {strides = array<i32>} : memref<80x128xf32, #tpu.memory_space<vmem>>, vector<1x16xf32>,
      %swap3A_156 = vector.shape_cast %swap3A_155 : vector<1x16xf32> to vector<16xf32>
      %swap3A_157 = vector.shape_cast %broadcast_in_dim3A_151 : vector<16xf32> to vector<1x16xf32>
      tpu.vector_store %arg8[%swap3A, %swap3A_154], %swap3A_157 {strides = array<i32>} : memref<80x128xf32, #tpu.memory_space<vmem>>, vector<1x16xf32>,
    }
    %scan3A_5 = arith.constant 640 : i32
    %scan3A_6 = arith.constant 0 : i32
    %scan3A_7 = arith.constant 0 : i32
    %scan3A_8 = arith.constant 7 : i32
    %scan3A_9 = arith.addi %scan3A_7, %scan3A_8 : i32
    %scan3A_10 = arith.constant 1 : i32
    scf.for %scan3A_120 = %scan3A_7 to %scan3A_9 step %scan3A_10  : i32 {
      %mul3A_121 = arith.constant 625 : i32
      %mul3A_122 = arith.muli %arg1, %mul3A_121 : i32
      %mul3A_123 = arith.constant 80 : i32
      %mul3A_124 = arith.muli %scan3A_120, %mul3A_123 : i32
      %add3A_125 = arith.addi %mul3A_122, %mul3A_124 : i32
      %dma_start3A_126 = arith.constant 0 : i32
      %dma_start3A_127 = tpu.memref_slice %arg5[%add3A_125, %dma_start3A_126] : memref<10000x128xf32, #tpu.memory_space<vmem_shared>> -> memref<80x128xf32, #tpu.memory_space<vmem_shared>>
      %dma_start3A_128 = arith.constant 0 : i32
      %dma_start3A_129 = tpu.memref_slice %arg5[%add3A_125, %dma_start3A_128] : memref<10000x128xf32, #tpu.memory_space<vmem_shared>> -> memref<80x128xf32, #tpu.memory_space<vmem_shared>>
      tpu.enqueue_dma source(%arg8 : memref<80x128xf32, #tpu.memory_space<vmem>>) target(%dma_start3A_129 : memref<80x128xf32, #tpu.memory_space<vmem_shared>>) target_semaphore(%arg12 : memref<!tpu.dma_semaphore, #tpu.memory_space<semaphore_mem>>)
    }
    %scan3A_11 = arith.constant 7 : i32
    %mul3A_12 = arith.constant 625 : i32
    %mul3A_13 = arith.muli %arg1, %mul3A_12 : i32
    %add3A_14 = arith.constant 560 : i32
    %add3A_15 = arith.addi %mul3A_13, %add3A_14 : i32
    %dma_start3A = arith.constant 0 : i32
    %dma_start3A_16 = arith.constant 0 : i32
    %dma_start3A_17 = tpu.memref_slice %arg8[%dma_start3A, %dma_start3A_16] : memref<80x128xf32, #tpu.memory_space<vmem>> -> memref<65x128xf32, #tpu.memory_space<vmem>>
    %dma_start3A_18 = arith.constant 0 : i32
    %dma_start3A_19 = tpu.memref_slice %arg5[%add3A_15, %dma_start3A_18] : memref<10000x128xf32, #tpu.memory_space<vmem_shared>> -> memref<65x128xf32, #tpu.memory_space<vmem_shared>>
    %dma_start3A_20 = arith.constant 0 : i32
    %dma_start3A_21 = tpu.memref_slice %arg5[%add3A_15, %dma_start3A_20] : memref<10000x128xf32, #tpu.memory_space<vmem_shared>> -> memref<65x128xf32, #tpu.memory_space<vmem_shared>>
    %dma_start3A_22 = arith.constant 0 : i32
    %dma_start3A_23 = arith.constant 0 : i32
    %dma_start3A_24 = tpu.memref_slice %arg8[%dma_start3A_22, %dma_start3A_23] : memref<80x128xf32, #tpu.memory_space<vmem>> -> memref<65x128xf32, #tpu.memory_space<vmem>>
    tpu.enqueue_dma source(%dma_start3A_24 : memref<65x128xf32, #tpu.memory_space<vmem>>) target(%dma_start3A_21 : memref<65x128xf32, #tpu.memory_space<vmem_shared>>) target_semaphore(%arg12 : memref<!tpu.dma_semaphore, #tpu.memory_space<semaphore_mem>>)
    %dma_start3A_25 = arith.constant 0 : i32
    %dma_start3A_26 = arith.constant 0 : i32
    %dma_start3A_27 = arith.constant 0 : i32
    %dma_start3A_28 = tpu.memref_slice %arg3[%dma_start3A_25, %add3A, %dma_start3A_26, %dma_start3A_27] : memref<2x32x125x80xi32, #tpu.memory_space<hbm>> -> memref<1x1x125x80xi32, #tpu.memory_space<hbm>>
    %dma_start3A_29 = tpu.memref_squeeze %dma_start3A_28 : memref<1x1x125x80xi32, #tpu.memory_space<hbm>> -> memref<125x80xi32, #tpu.memory_space<hbm>>
    %dma_start3A_30 = arith.constant 0 : i32
    %dma_start3A_31 = arith.constant 0 : i32
    %dma_start3A_32 = tpu.memref_slice %arg3[%dma_start3A_25, %add3A, %dma_start3A_30, %dma_start3A_31] : memref<2x32x125x80xi32, #tpu.memory_space<hbm>> -> memref<1x1x125x80xi32, #tpu.memory_space<hbm>>
    %dma_start3A_33 = tpu.memref_squeeze %dma_start3A_32 : memref<1x1x125x80xi32, #tpu.memory_space<hbm>> -> memref<125x80xi32, #tpu.memory_space<hbm>>
    tpu.enqueue_dma source(%dma_start3A_33 : memref<125x80xi32, #tpu.memory_space<hbm>>) target(%arg6 : memref<125x80xi32, #tpu.memory_space<vmem>>) target_semaphore(%arg13 : memref<!tpu.dma_semaphore, #tpu.memory_space<semaphore_mem>>)
    %dma_start3A_34 = arith.constant 1 : i32
    %dma_start3A_35 = arith.constant 0 : i32
    %dma_start3A_36 = arith.constant 0 : i32
    %dma_start3A_37 = tpu.memref_slice %arg3[%dma_start3A_34, %add3A, %dma_start3A_35, %dma_start3A_36] : memref<2x32x125x80xi32, #tpu.memory_space<hbm>> -> memref<1x1x125x80xi32, #tpu.memory_space<hbm>>
    %dma_start3A_38 = tpu.memref_squeeze %dma_start3A_37 : memref<1x1x125x80xi32, #tpu.memory_space<hbm>> -> memref<125x80xi32, #tpu.memory_space<hbm>>
    %dma_start3A_39 = arith.constant 0 : i32
    %dma_start3A_40 = arith.constant 0 : i32
    %dma_start3A_41 = tpu.memref_slice %arg3[%dma_start3A_34, %add3A, %dma_start3A_39, %dma_start3A_40] : memref<2x32x125x80xi32, #tpu.memory_space<hbm>> -> memref<1x1x125x80xi32, #tpu.memory_space<hbm>>
    %dma_start3A_42 = tpu.memref_squeeze %dma_start3A_41 : memref<1x1x125x80xi32, #tpu.memory_space<hbm>> -> memref<125x80xi32, #tpu.memory_space<hbm>>
    tpu.enqueue_dma source(%dma_start3A_42 : memref<125x80xi32, #tpu.memory_space<hbm>>) target(%arg7 : memref<125x80xi32, #tpu.memory_space<vmem>>) target_semaphore(%arg13 : memref<!tpu.dma_semaphore, #tpu.memory_space<semaphore_mem>>)
    %dma_wait3A = arith.constant 0 : i32
    %dma_wait3A_43 = arith.constant 0 : i32
    %dma_wait3A_44 = arith.constant 0 : i32
    %dma_wait3A_45 = tpu.memref_slice %arg3[%dma_wait3A, %add3A, %dma_wait3A_43, %dma_wait3A_44] : memref<2x32x125x80xi32, #tpu.memory_space<hbm>> -> memref<1x1x125x80xi32, #tpu.memory_space<hbm>>
    %dma_wait3A_46 = tpu.memref_squeeze %dma_wait3A_45 : memref<1x1x125x80xi32, #tpu.memory_space<hbm>> -> memref<125x80xi32, #tpu.memory_space<hbm>>
    %dma_wait3A_47 = arith.constant 0 : i32
    %dma_wait3A_48 = arith.constant 0 : i32
    %dma_wait3A_49 = tpu.memref_slice %arg3[%dma_wait3A, %add3A, %dma_wait3A_47, %dma_wait3A_48] : memref<2x32x125x80xi32, #tpu.memory_space<hbm>> -> memref<1x1x125x80xi32, #tpu.memory_space<hbm>>
    %dma_wait3A_50 = tpu.memref_squeeze %dma_wait3A_49 : memref<1x1x125x80xi32, #tpu.memory_space<hbm>> -> memref<125x80xi32, #tpu.memory_space<hbm>>
    tpu.wait_dma2 semaphore(%arg13 : memref<!tpu.dma_semaphore, #tpu.memory_space<semaphore_mem>>) src(%dma_wait3A_50 : memref<125x80xi32, #tpu.memory_space<hbm>>) dst(%arg6 : memref<125x80xi32, #tpu.memory_space<vmem>>)
    %dma_wait3A_51 = arith.constant 1 : i32
    %dma_wait3A_52 = arith.constant 0 : i32
    %dma_wait3A_53 = arith.constant 0 : i32
    %dma_wait3A_54 = tpu.memref_slice %arg3[%dma_wait3A_51, %add3A, %dma_wait3A_52, %dma_wait3A_53] : memref<2x32x125x80xi32, #tpu.memory_space<hbm>> -> memref<1x1x125x80xi32, #tpu.memory_space<hbm>>
    %dma_wait3A_55 = tpu.memref_squeeze %dma_wait3A_54 : memref<1x1x125x80xi32, #tpu.memory_space<hbm>> -> memref<125x80xi32, #tpu.memory_space<hbm>>
    %dma_wait3A_56 = arith.constant 0 : i32
    %dma_wait3A_57 = arith.constant 0 : i32
    %dma_wait3A_58 = tpu.memref_slice %arg3[%dma_wait3A_51, %add3A, %dma_wait3A_56, %dma_wait3A_57] : memref<2x32x125x80xi32, #tpu.memory_space<hbm>> -> memref<1x1x125x80xi32, #tpu.memory_space<hbm>>
    %dma_wait3A_59 = tpu.memref_squeeze %dma_wait3A_58 : memref<1x1x125x80xi32, #tpu.memory_space<hbm>> -> memref<125x80xi32, #tpu.memory_space<hbm>>
    tpu.wait_dma2 semaphore(%arg13 : memref<!tpu.dma_semaphore, #tpu.memory_space<semaphore_mem>>) src(%dma_wait3A_59 : memref<125x80xi32, #tpu.memory_space<hbm>>) dst(%arg7 : memref<125x80xi32, #tpu.memory_space<vmem>>)
    %scan3A_60 = arith.constant 0 : i32
    %scan3A_61 = arith.constant 0 : i32
    %scan3A_62 = arith.constant 7 : i32
    %scan3A_63 = arith.addi %scan3A_61, %scan3A_62 : i32
    %scan3A_64 = arith.constant 1 : i32
    scf.for %scan3A_120 = %scan3A_61 to %scan3A_63 step %scan3A_64  : i32 {
      %mul3A_121 = arith.constant 625 : i32
      %mul3A_122 = arith.muli %arg1, %mul3A_121 : i32
      %mul3A_123 = arith.constant 80 : i32
      %mul3A_124 = arith.muli %scan3A_120, %mul3A_123 : i32
      %add3A_125 = arith.addi %mul3A_122, %mul3A_124 : i32
      %dma_wait3A_126 = arith.constant 0 : i32
      %dma_wait3A_127 = tpu.memref_slice %arg5[%add3A_125, %dma_wait3A_126] : memref<10000x128xf32, #tpu.memory_space<vmem_shared>> -> memref<80x128xf32, #tpu.memory_space<vmem_shared>>
      %dma_wait3A_128 = arith.constant 0 : i32
      %dma_wait3A_129 = tpu.memref_slice %arg5[%add3A_125, %dma_wait3A_128] : memref<10000x128xf32, #tpu.memory_space<vmem_shared>> -> memref<80x128xf32, #tpu.memory_space<vmem_shared>>
      tpu.wait_dma2 semaphore(%arg12 : memref<!tpu.dma_semaphore, #tpu.memory_space<semaphore_mem>>) src(%arg8 : memref<80x128xf32, #tpu.memory_space<vmem>>) dst(%dma_wait3A_129 : memref<80x128xf32, #tpu.memory_space<vmem_shared>>)
    }
    %scan3A_65 = arith.constant 7 : i32
    %mul3A_66 = arith.constant 625 : i32
    %mul3A_67 = arith.muli %arg1, %mul3A_66 : i32
    %add3A_68 = arith.constant 560 : i32
    %add3A_69 = arith.addi %mul3A_67, %add3A_68 : i32
    %dma_wait3A_70 = arith.constant 0 : i32
    %dma_wait3A_71 = arith.constant 0 : i32
    %dma_wait3A_72 = tpu.memref_slice %arg8[%dma_wait3A_70, %dma_wait3A_71] : memref<80x128xf32, #tpu.memory_space<vmem>> -> memref<65x128xf32, #tpu.memory_space<vmem>>
    %dma_wait3A_73 = arith.constant 0 : i32
    %dma_wait3A_74 = tpu.memref_slice %arg5[%add3A_69, %dma_wait3A_73] : memref<10000x128xf32, #tpu.memory_space<vmem_shared>> -> memref<65x128xf32, #tpu.memory_space<vmem_shared>>
    %dma_wait3A_75 = arith.constant 0 : i32
    %dma_wait3A_76 = tpu.memref_slice %arg5[%add3A_69, %dma_wait3A_75] : memref<10000x128xf32, #tpu.memory_space<vmem_shared>> -> memref<65x128xf32, #tpu.memory_space<vmem_shared>>
    %dma_wait3A_77 = arith.constant 0 : i32
    %dma_wait3A_78 = arith.constant 0 : i32
    %dma_wait3A_79 = tpu.memref_slice %arg8[%dma_wait3A_77, %dma_wait3A_78] : memref<80x128xf32, #tpu.memory_space<vmem>> -> memref<65x128xf32, #tpu.memory_space<vmem>>
    tpu.wait_dma2 semaphore(%arg12 : memref<!tpu.dma_semaphore, #tpu.memory_space<semaphore_mem>>) src(%dma_wait3A_79 : memref<65x128xf32, #tpu.memory_space<vmem>>) dst(%dma_wait3A_76 : memref<65x128xf32, #tpu.memory_space<vmem_shared>>)
    %dma_start3A_80 = arith.constant 0 : i32
    %dma_start3A_81 = arith.constant 0 : i32
    %dma_start3A_82 = tpu.memref_slice %arg6[%dma_start3A_80, %dma_start3A_81] : memref<125x80xi32, #tpu.memory_space<vmem>> -> memref<1x80xi32, #tpu.memory_space<vmem>>
    %dma_start3A_83 = tpu.memref_squeeze %dma_start3A_82 : memref<1x80xi32, #tpu.memory_space<vmem>> -> memref<80xi32, #tpu.memory_space<vmem>>
    %dma_start3A_84 = arith.constant 0 : i32
    %dma_start3A_85 = arith.constant 0 : i32
    %dma_start3A_86 = tpu.memref_slice %arg2[%dma_start3A_84, %dma_start3A_85] : memref<10000x128xf32, #tpu.memory_space<hbm>> -> memref<10000x128xf32, #tpu.memory_space<hbm>>
    tpu.enqueue_indirect_dma source(%dma_start3A_86 : memref<10000x128xf32, #tpu.memory_space<hbm>>) target(%arg8 : memref<80x128xf32, #tpu.memory_space<vmem>>) offsets(%dma_start3A_83 : memref<80xi32, #tpu.memory_space<vmem>>) semaphore(%arg11 : memref<!tpu.dma_semaphore, #tpu.memory_space<semaphore_mem>>)
    %dma_start3A_87 = arith.constant 1 : i32
    %dma_start3A_88 = arith.constant 0 : i32
    %dma_start3A_89 = tpu.memref_slice %arg6[%dma_start3A_87, %dma_start3A_88] : memref<125x80xi32, #tpu.memory_space<vmem>> -> memref<1x80xi32, #tpu.memory_space<vmem>>
    %dma_start3A_90 = tpu.memref_squeeze %dma_start3A_89 : memref<1x80xi32, #tpu.memory_space<vmem>> -> memref<80xi32, #tpu.memory_space<vmem>>
    %dma_start3A_91 = arith.constant 0 : i32
    %dma_start3A_92 = arith.constant 0 : i32
    %dma_start3A_93 = tpu.memref_slice %arg2[%dma_start3A_91, %dma_start3A_92] : memref<10000x128xf32, #tpu.memory_space<hbm>> -> memref<10000x128xf32, #tpu.memory_space<hbm>>
    tpu.enqueue_indirect_dma source(%dma_start3A_93 : memref<10000x128xf32, #tpu.memory_space<hbm>>) target(%arg9 : memref<80x128xf32, #tpu.memory_space<vmem>>) offsets(%dma_start3A_90 : memref<80xi32, #tpu.memory_space<vmem>>) semaphore(%arg12 : memref<!tpu.dma_semaphore, #tpu.memory_space<semaphore_mem>>)
    %barrier3A = arith.constant 0 : index
    tpu.barrier barrier_id(%barrier3A)
    %scan3A_94 = arith.constant 0 : i32
    %scan3A_95 = arith.constant 0 : i32
    %scan3A_96 = arith.constant 41 : i32
    %scan3A_97 = arith.addi %scan3A_95, %scan3A_96 : i32
    %scan3A_98 = arith.constant 1 : i32
    scf.for %scan3A_120 = %scan3A_95 to %scan3A_97 step %scan3A_98  : i32 {
      %mul3A_121 = arith.constant 3 : i32
      %mul3A_122 = arith.muli %mul3A_121, %scan3A_120 : i32
      %add3A_123 = arith.constant 2 : i32
      %add3A_124 = arith.addi %mul3A_122, %add3A_123 : i32
      %dma_start3A_125 = arith.constant 0 : i32
      %dma_start3A_126 = tpu.memref_slice %arg6[%add3A_124, %dma_start3A_125] : memref<125x80xi32, #tpu.memory_space<vmem>> -> memref<1x80xi32, #tpu.memory_space<vmem>>
      %dma_start3A_127 = tpu.memref_squeeze %dma_start3A_126 : memref<1x80xi32, #tpu.memory_space<vmem>> -> memref<80xi32, #tpu.memory_space<vmem>>
      %dma_start3A_128 = arith.constant 0 : i32
      %dma_start3A_129 = arith.constant 0 : i32
      %dma_start3A_130 = tpu.memref_slice %arg2[%dma_start3A_128, %dma_start3A_129] : memref<10000x128xf32, #tpu.memory_space<hbm>> -> memref<10000x128xf32, #tpu.memory_space<hbm>>
      tpu.enqueue_indirect_dma source(%dma_start3A_130 : memref<10000x128xf32, #tpu.memory_space<hbm>>) target(%arg10 : memref<80x128xf32, #tpu.memory_space<vmem>>) offsets(%dma_start3A_127 : memref<80xi32, #tpu.memory_space<vmem>>) semaphore(%arg13 : memref<!tpu.dma_semaphore, #tpu.memory_space<semaphore_mem>>)
      %dma_wait3A_131 = arith.constant 0 : i32
      %dma_wait3A_132 = tpu.memref_slice %arg6[%mul3A_122, %dma_wait3A_131] : memref<125x80xi32, #tpu.memory_space<vmem>> -> memref<1x80xi32, #tpu.memory_space<vmem>>
      %dma_wait3A_133 = tpu.memref_squeeze %dma_wait3A_132 : memref<1x80xi32, #tpu.memory_space<vmem>> -> memref<80xi32, #tpu.memory_space<vmem>>
      %dma_wait3A_134 = arith.constant 0 : i32
      %dma_wait3A_135 = arith.constant 0 : i32
      %dma_wait3A_136 = tpu.memref_slice %arg2[%dma_wait3A_134, %dma_wait3A_135] : memref<10000x128xf32, #tpu.memory_space<hbm>> -> memref<10000x128xf32, #tpu.memory_space<hbm>>
      tpu.wait_indirect_dma semaphore(%arg11 : memref<!tpu.dma_semaphore, #tpu.memory_space<semaphore_mem>>) src(%dma_wait3A_136 : memref<10000x128xf32, #tpu.memory_space<hbm>>) dst(%arg8 : memref<80x128xf32, #tpu.memory_space<vmem>>)
      "tpu.region"() ({
        %run_scoped3A_173 = tpu.sem_alloc : memref<!tpu.dma_semaphore, #tpu.memory_space<semaphore_mem>>
        %dma_start3A_174 = arith.constant 0 : i32
        %dma_start3A_175 = tpu.memref_slice %arg7[%mul3A_122, %dma_start3A_174] : memref<125x80xi32, #tpu.memory_space<vmem>> -> memref<1x80xi32, #tpu.memory_space<vmem>>
        %dma_start3A_176 = tpu.memref_squeeze %dma_start3A_175 : memref<1x80xi32, #tpu.memory_space<vmem>> -> memref<80xi32, #tpu.memory_space<vmem>>
        %dma_start3A_177 = arith.constant 0 : i32
        %dma_start3A_178 = arith.constant 0 : i32
        %dma_start3A_179 = tpu.memref_slice %arg5[%dma_start3A_177, %dma_start3A_178] : memref<10000x128xf32, #tpu.memory_space<vmem_shared>> -> memref<10000x128xf32, #tpu.memory_space<vmem_shared>>
        tpu.enqueue_indirect_dma source(%arg8 : memref<80x128xf32, #tpu.memory_space<vmem>>) target(%dma_start3A_179 : memref<10000x128xf32, #tpu.memory_space<vmem_shared>>) offsets(%dma_start3A_176 : memref<80xi32, #tpu.memory_space<vmem>>) semaphore(%run_scoped3A_173 : memref<!tpu.dma_semaphore, #tpu.memory_space<semaphore_mem>>) {add = true}
        %dma_wait3A_180 = arith.constant 0 : i32
        %dma_wait3A_181 = tpu.memref_slice %arg7[%mul3A_122, %dma_wait3A_180] : memref<125x80xi32, #tpu.memory_space<vmem>> -> memref<1x80xi32, #tpu.memory_space<vmem>>
        %dma_wait3A_182 = tpu.memref_squeeze %dma_wait3A_181 : memref<1x80xi32, #tpu.memory_space<vmem>> -> memref<80xi32, #tpu.memory_space<vmem>>
        %dma_wait3A_183 = arith.constant 0 : i32
        %dma_wait3A_184 = arith.constant 0 : i32
        %dma_wait3A_185 = tpu.memref_slice %arg5[%dma_wait3A_183, %dma_wait3A_184] : memref<10000x128xf32, #tpu.memory_space<vmem_shared>> -> memref<10000x128xf32, #tpu.memory_space<vmem_shared>>
        tpu.wait_indirect_dma semaphore(%run_scoped3A_173 : memref<!tpu.dma_semaphore, #tpu.memory_space<semaphore_mem>>) src(%arg8 : memref<80x128xf32, #tpu.memory_space<vmem>>) dst(%dma_wait3A_185 : memref<10000x128xf32, #tpu.memory_space<vmem_shared>>)
        tpu.yield
      }) : () -> ()
      %add3A_137 = arith.constant 3 : i32
      %add3A_138 = arith.addi %mul3A_122, %add3A_137 : i32
      %dma_start3A_139 = arith.constant 0 : i32
      %dma_start3A_140 = tpu.memref_slice %arg6[%add3A_138, %dma_start3A_139] : memref<125x80xi32, #tpu.memory_space<vmem>> -> memref<1x80xi32, #tpu.memory_space<vmem>>
      %dma_start3A_141 = tpu.memref_squeeze %dma_start3A_140 : memref<1x80xi32, #tpu.memory_space<vmem>> -> memref<80xi32, #tpu.memory_space<vmem>>
      %dma_start3A_142 = arith.constant 0 : i32
      %dma_start3A_143 = arith.constant 0 : i32
      %dma_start3A_144 = tpu.memref_slice %arg2[%dma_start3A_142, %dma_start3A_143] : memref<10000x128xf32, #tpu.memory_space<hbm>> -> memref<10000x128xf32, #tpu.memory_space<hbm>>
      tpu.enqueue_indirect_dma source(%dma_start3A_144 : memref<10000x128xf32, #tpu.memory_space<hbm>>) target(%arg8 : memref<80x128xf32, #tpu.memory_space<vmem>>) offsets(%dma_start3A_141 : memref<80xi32, #tpu.memory_space<vmem>>) semaphore(%arg11 : memref<!tpu.dma_semaphore, #tpu.memory_space<semaphore_mem>>)
      %add3A_145 = arith.constant 1 : i32
      %add3A_146 = arith.addi %mul3A_122, %add3A_145 : i32
      %dma_wait3A_147 = arith.constant 0 : i32
      %dma_wait3A_148 = tpu.memref_slice %arg6[%add3A_146, %dma_wait3A_147] : memref<125x80xi32, #tpu.memory_space<vmem>> -> memref<1x80xi32, #tpu.memory_space<vmem>>
      %dma_wait3A_149 = tpu.memref_squeeze %dma_wait3A_148 : memref<1x80xi32, #tpu.memory_space<vmem>> -> memref<80xi32, #tpu.memory_space<vmem>>
      %dma_wait3A_150 = arith.constant 0 : i32
      %dma_wait3A_151 = arith.constant 0 : i32
      %dma_wait3A_152 = tpu.memref_slice %arg2[%dma_wait3A_150, %dma_wait3A_151] : memref<10000x128xf32, #tpu.memory_space<hbm>> -> memref<10000x128xf32, #tpu.memory_space<hbm>>
      tpu.wait_indirect_dma semaphore(%arg12 : memref<!tpu.dma_semaphore, #tpu.memory_space<semaphore_mem>>) src(%dma_wait3A_152 : memref<10000x128xf32, #tpu.memory_space<hbm>>) dst(%arg9 : memref<80x128xf32, #tpu.memory_space<vmem>>)
      %add3A_153 = arith.constant 1 : i32
      %add3A_154 = arith.addi %mul3A_122, %add3A_153 : i32
      "tpu.region"() ({
        %run_scoped3A_173 = tpu.sem_alloc : memref<!tpu.dma_semaphore, #tpu.memory_space<semaphore_mem>>
        %dma_start3A_174 = arith.constant 0 : i32
        %dma_start3A_175 = tpu.memref_slice %arg7[%add3A_154, %dma_start3A_174] : memref<125x80xi32, #tpu.memory_space<vmem>> -> memref<1x80xi32, #tpu.memory_space<vmem>>
        %dma_start3A_176 = tpu.memref_squeeze %dma_start3A_175 : memref<1x80xi32, #tpu.memory_space<vmem>> -> memref<80xi32, #tpu.memory_space<vmem>>
        %dma_start3A_177 = arith.constant 0 : i32
        %dma_start3A_178 = arith.constant 0 : i32
        %dma_start3A_179 = tpu.memref_slice %arg5[%dma_start3A_177, %dma_start3A_178] : memref<10000x128xf32, #tpu.memory_space<vmem_shared>> -> memref<10000x128xf32, #tpu.memory_space<vmem_shared>>
        tpu.enqueue_indirect_dma source(%arg9 : memref<80x128xf32, #tpu.memory_space<vmem>>) target(%dma_start3A_179 : memref<10000x128xf32, #tpu.memory_space<vmem_shared>>) offsets(%dma_start3A_176 : memref<80xi32, #tpu.memory_space<vmem>>) semaphore(%run_scoped3A_173 : memref<!tpu.dma_semaphore, #tpu.memory_space<semaphore_mem>>) {add = true}
        %dma_wait3A_180 = arith.constant 0 : i32
        %dma_wait3A_181 = tpu.memref_slice %arg7[%add3A_154, %dma_wait3A_180] : memref<125x80xi32, #tpu.memory_space<vmem>> -> memref<1x80xi32, #tpu.memory_space<vmem>>
        %dma_wait3A_182 = tpu.memref_squeeze %dma_wait3A_181 : memref<1x80xi32, #tpu.memory_space<vmem>> -> memref<80xi32, #tpu.memory_space<vmem>>
        %dma_wait3A_183 = arith.constant 0 : i32
        %dma_wait3A_184 = arith.constant 0 : i32
        %dma_wait3A_185 = tpu.memref_slice %arg5[%dma_wait3A_183, %dma_wait3A_184] : memref<10000x128xf32, #tpu.memory_space<vmem_shared>> -> memref<10000x128xf32, #tpu.memory_space<vmem_shared>>
        tpu.wait_indirect_dma semaphore(%run_scoped3A_173 : memref<!tpu.dma_semaphore, #tpu.memory_space<semaphore_mem>>) src(%arg9 : memref<80x128xf32, #tpu.memory_space<vmem>>) dst(%dma_wait3A_185 : memref<10000x128xf32, #tpu.memory_space<vmem_shared>>)
        tpu.yield
      }) : () -> ()
      %add3A_155 = arith.constant 4 : i32
      %add3A_156 = arith.addi %mul3A_122, %add3A_155 : i32
      %dma_start3A_157 = arith.constant 0 : i32
      %dma_start3A_158 = tpu.memref_slice %arg6[%add3A_156, %dma_start3A_157] : memref<125x80xi32, #tpu.memory_space<vmem>> -> memref<1x80xi32, #tpu.memory_space<vmem>>
      %dma_start3A_159 = tpu.memref_squeeze %dma_start3A_158 : memref<1x80xi32, #tpu.memory_space<vmem>> -> memref<80xi32, #tpu.memory_space<vmem>>
      %dma_start3A_160 = arith.constant 0 : i32
      %dma_start3A_161 = arith.constant 0 : i32
      %dma_start3A_162 = tpu.memref_slice %arg2[%dma_start3A_160, %dma_start3A_161] : memref<10000x128xf32, #tpu.memory_space<hbm>> -> memref<10000x128xf32, #tpu.memory_space<hbm>>
      tpu.enqueue_indirect_dma source(%dma_start3A_162 : memref<10000x128xf32, #tpu.memory_space<hbm>>) target(%arg9 : memref<80x128xf32, #tpu.memory_space<vmem>>) offsets(%dma_start3A_159 : memref<80xi32, #tpu.memory_space<vmem>>) semaphore(%arg12 : memref<!tpu.dma_semaphore, #tpu.memory_space<semaphore_mem>>)
      %add3A_163 = arith.constant 2 : i32
      %add3A_164 = arith.addi %mul3A_122, %add3A_163 : i32
      %dma_wait3A_165 = arith.constant 0 : i32
      %dma_wait3A_166 = tpu.memref_slice %arg6[%add3A_164, %dma_wait3A_165] : memref<125x80xi32, #tpu.memory_space<vmem>> -> memref<1x80xi32, #tpu.memory_space<vmem>>
      %dma_wait3A_167 = tpu.memref_squeeze %dma_wait3A_166 : memref<1x80xi32, #tpu.memory_space<vmem>> -> memref<80xi32, #tpu.memory_space<vmem>>
      %dma_wait3A_168 = arith.constant 0 : i32
      %dma_wait3A_169 = arith.constant 0 : i32
      %dma_wait3A_170 = tpu.memref_slice %arg2[%dma_wait3A_168, %dma_wait3A_169] : memref<10000x128xf32, #tpu.memory_space<hbm>> -> memref<10000x128xf32, #tpu.memory_space<hbm>>
      tpu.wait_indirect_dma semaphore(%arg13 : memref<!tpu.dma_semaphore, #tpu.memory_space<semaphore_mem>>) src(%dma_wait3A_170 : memref<10000x128xf32, #tpu.memory_space<hbm>>) dst(%arg10 : memref<80x128xf32, #tpu.memory_space<vmem>>)
      %add3A_171 = arith.constant 2 : i32
      %add3A_172 = arith.addi %mul3A_122, %add3A_171 : i32
      "tpu.region"() ({
        %run_scoped3A_173 = tpu.sem_alloc : memref<!tpu.dma_semaphore, #tpu.memory_space<semaphore_mem>>
        %dma_start3A_174 = arith.constant 0 : i32
        %dma_start3A_175 = tpu.memref_slice %arg7[%add3A_172, %dma_start3A_174] : memref<125x80xi32, #tpu.memory_space<vmem>> -> memref<1x80xi32, #tpu.memory_space<vmem>>
        %dma_start3A_176 = tpu.memref_squeeze %dma_start3A_175 : memref<1x80xi32, #tpu.memory_space<vmem>> -> memref<80xi32, #tpu.memory_space<vmem>>
        %dma_start3A_177 = arith.constant 0 : i32
        %dma_start3A_178 = arith.constant 0 : i32
        %dma_start3A_179 = tpu.memref_slice %arg5[%dma_start3A_177, %dma_start3A_178] : memref<10000x128xf32, #tpu.memory_space<vmem_shared>> -> memref<10000x128xf32, #tpu.memory_space<vmem_shared>>
        tpu.enqueue_indirect_dma source(%arg10 : memref<80x128xf32, #tpu.memory_space<vmem>>) target(%dma_start3A_179 : memref<10000x128xf32, #tpu.memory_space<vmem_shared>>) offsets(%dma_start3A_176 : memref<80xi32, #tpu.memory_space<vmem>>) semaphore(%run_scoped3A_173 : memref<!tpu.dma_semaphore, #tpu.memory_space<semaphore_mem>>) {add = true}
        %dma_wait3A_180 = arith.constant 0 : i32
        %dma_wait3A_181 = tpu.memref_slice %arg7[%add3A_172, %dma_wait3A_180] : memref<125x80xi32, #tpu.memory_space<vmem>> -> memref<1x80xi32, #tpu.memory_space<vmem>>
        %dma_wait3A_182 = tpu.memref_squeeze %dma_wait3A_181 : memref<1x80xi32, #tpu.memory_space<vmem>> -> memref<80xi32, #tpu.memory_space<vmem>>
        %dma_wait3A_183 = arith.constant 0 : i32
        %dma_wait3A_184 = arith.constant 0 : i32
        %dma_wait3A_185 = tpu.memref_slice %arg5[%dma_wait3A_183, %dma_wait3A_184] : memref<10000x128xf32, #tpu.memory_space<vmem_shared>> -> memref<10000x128xf32, #tpu.memory_space<vmem_shared>>
        tpu.wait_indirect_dma semaphore(%run_scoped3A_173 : memref<!tpu.dma_semaphore, #tpu.memory_space<semaphore_mem>>) src(%arg10 : memref<80x128xf32, #tpu.memory_space<vmem>>) dst(%dma_wait3A_185 : memref<10000x128xf32, #tpu.memory_space<vmem_shared>>)
        tpu.yield
      }) : () -> ()
    }
    %scan3A_99 = arith.constant 41 : i32
    %dma_wait3A_100 = arith.constant 123 : i32
    %dma_wait3A_101 = arith.constant 0 : i32
    %dma_wait3A_102 = tpu.memref_slice %arg6[%dma_wait3A_100, %dma_wait3A_101] : memref<125x80xi32, #tpu.memory_space<vmem>> -> memref<1x80xi32, #tpu.memory_space<vmem>>
    %dma_wait3A_103 = tpu.memref_squeeze %dma_wait3A_102 : memref<1x80xi32, #tpu.memory_space<vmem>> -> memref<80xi32, #tpu.memory_space<vmem>>
    %dma_wait3A_104 = arith.constant 0 : i32
    %dma_wait3A_105 = arith.constant 0 : i32
    %dma_wait3A_106 = tpu.memref_slice %arg2[%dma_wait3A_104, %dma_wait3A_105] : memref<10000x128xf32, #tpu.memory_space<hbm>> -> memref<10000x128xf32, #tpu.memory_space<hbm>>
    tpu.wait_indirect_dma semaphore(%arg11 : memref<!tpu.dma_semaphore, #tpu.memory_space<semaphore_mem>>) src(%dma_wait3A_106 : memref<10000x128xf32, #tpu.memory_space<hbm>>) dst(%arg8 : memref<80x128xf32, #tpu.memory_space<vmem>>)
    %run_scoped3A = arith.constant 123 : i32
    "tpu.region"() ({
      %run_scoped3A_120 = tpu.sem_alloc : memref<!tpu.dma_semaphore, #tpu.memory_space<semaphore_mem>>
      %dma_start3A_121 = arith.constant 0 : i32
      %dma_start3A_122 = tpu.memref_slice %arg7[%run_scoped3A, %dma_start3A_121] : memref<125x80xi32, #tpu.memory_space<vmem>> -> memref<1x80xi32, #tpu.memory_space<vmem>>
      %dma_start3A_123 = tpu.memref_squeeze %dma_start3A_122 : memref<1x80xi32, #tpu.memory_space<vmem>> -> memref<80xi32, #tpu.memory_space<vmem>>
      %dma_start3A_124 = arith.constant 0 : i32
      %dma_start3A_125 = arith.constant 0 : i32
      %dma_start3A_126 = tpu.memref_slice %arg5[%dma_start3A_124, %dma_start3A_125] : memref<10000x128xf32, #tpu.memory_space<vmem_shared>> -> memref<10000x128xf32, #tpu.memory_space<vmem_shared>>
      tpu.enqueue_indirect_dma source(%arg8 : memref<80x128xf32, #tpu.memory_space<vmem>>) target(%dma_start3A_126 : memref<10000x128xf32, #tpu.memory_space<vmem_shared>>) offsets(%dma_start3A_123 : memref<80xi32, #tpu.memory_space<vmem>>) semaphore(%run_scoped3A_120 : memref<!tpu.dma_semaphore, #tpu.memory_space<semaphore_mem>>) {add = true}
      %dma_wait3A_127 = arith.constant 0 : i32
      %dma_wait3A_128 = tpu.memref_slice %arg7[%run_scoped3A, %dma_wait3A_127] : memref<125x80xi32, #tpu.memory_space<vmem>> -> memref<1x80xi32, #tpu.memory_space<vmem>>
      %dma_wait3A_129 = tpu.memref_squeeze %dma_wait3A_128 : memref<1x80xi32, #tpu.memory_space<vmem>> -> memref<80xi32, #tpu.memory_space<vmem>>
      %dma_wait3A_130 = arith.constant 0 : i32
      %dma_wait3A_131 = arith.constant 0 : i32
      %dma_wait3A_132 = tpu.memref_slice %arg5[%dma_wait3A_130, %dma_wait3A_131] : memref<10000x128xf32, #tpu.memory_space<vmem_shared>> -> memref<10000x128xf32, #tpu.memory_space<vmem_shared>>
      tpu.wait_indirect_dma semaphore(%run_scoped3A_120 : memref<!tpu.dma_semaphore, #tpu.memory_space<semaphore_mem>>) src(%arg8 : memref<80x128xf32, #tpu.memory_space<vmem>>) dst(%dma_wait3A_132 : memref<10000x128xf32, #tpu.memory_space<vmem_shared>>)
      tpu.yield
    }) : () -> ()
    %dma_wait3A_107 = arith.constant 124 : i32
    %dma_wait3A_108 = arith.constant 0 : i32
    %dma_wait3A_109 = tpu.memref_slice %arg6[%dma_wait3A_107, %dma_wait3A_108] : memref<125x80xi32, #tpu.memory_space<vmem>> -> memref<1x80xi32, #tpu.memory_space<vmem>>
    %dma_wait3A_110 = tpu.memref_squeeze %dma_wait3A_109 : memref<1x80xi32, #tpu.memory_space<vmem>> -> memref<80xi32, #tpu.memory_space<vmem>>
    %dma_wait3A_111 = arith.constant 0 : i32
    %dma_wait3A_112 = arith.constant 0 : i32
    %dma_wait3A_113 = tpu.memref_slice %arg2[%dma_wait3A_111, %dma_wait3A_112] : memref<10000x128xf32, #tpu.memory_space<hbm>> -> memref<10000x128xf32, #tpu.memory_space<hbm>>
    tpu.wait_indirect_dma semaphore(%arg12 : memref<!tpu.dma_semaphore, #tpu.memory_space<semaphore_mem>>) src(%dma_wait3A_113 : memref<10000x128xf32, #tpu.memory_space<hbm>>) dst(%arg9 : memref<80x128xf32, #tpu.memory_space<vmem>>)
    %run_scoped3A_114 = arith.constant 124 : i32
    "tpu.region"() ({
      %run_scoped3A_120 = tpu.sem_alloc : memref<!tpu.dma_semaphore, #tpu.memory_space<semaphore_mem>>
      %dma_start3A_121 = arith.constant 0 : i32
      %dma_start3A_122 = tpu.memref_slice %arg7[%run_scoped3A_114, %dma_start3A_121] : memref<125x80xi32, #tpu.memory_space<vmem>> -> memref<1x80xi32, #tpu.memory_space<vmem>>
      %dma_start3A_123 = tpu.memref_squeeze %dma_start3A_122 : memref<1x80xi32, #tpu.memory_space<vmem>> -> memref<80xi32, #tpu.memory_space<vmem>>
      %dma_start3A_124 = arith.constant 0 : i32
      %dma_start3A_125 = arith.constant 0 : i32
      %dma_start3A_126 = tpu.memref_slice %arg5[%dma_start3A_124, %dma_start3A_125] : memref<10000x128xf32, #tpu.memory_space<vmem_shared>> -> memref<10000x128xf32, #tpu.memory_space<vmem_shared>>
      tpu.enqueue_indirect_dma source(%arg9 : memref<80x128xf32, #tpu.memory_space<vmem>>) target(%dma_start3A_126 : memref<10000x128xf32, #tpu.memory_space<vmem_shared>>) offsets(%dma_start3A_123 : memref<80xi32, #tpu.memory_space<vmem>>) semaphore(%run_scoped3A_120 : memref<!tpu.dma_semaphore, #tpu.memory_space<semaphore_mem>>) {add = true}
      %dma_wait3A_127 = arith.constant 0 : i32
      %dma_wait3A_128 = tpu.memref_slice %arg7[%run_scoped3A_114, %dma_wait3A_127] : memref<125x80xi32, #tpu.memory_space<vmem>> -> memref<1x80xi32, #tpu.memory_space<vmem>>
      %dma_wait3A_129 = tpu.memref_squeeze %dma_wait3A_128 : memref<1x80xi32, #tpu.memory_space<vmem>> -> memref<80xi32, #tpu.memory_space<vmem>>
      %dma_wait3A_130 = arith.constant 0 : i32
      %dma_wait3A_131 = arith.constant 0 : i32
      %dma_wait3A_132 = tpu.memref_slice %arg5[%dma_wait3A_130, %dma_wait3A_131] : memref<10000x128xf32, #tpu.memory_space<vmem_shared>> -> memref<10000x128xf32, #tpu.memory_space<vmem_shared>>
      tpu.wait_indirect_dma semaphore(%run_scoped3A_120 : memref<!tpu.dma_semaphore, #tpu.memory_space<semaphore_mem>>) src(%arg9 : memref<80x128xf32, #tpu.memory_space<vmem>>) dst(%dma_wait3A_132 : memref<10000x128xf32, #tpu.memory_space<vmem_shared>>)
      tpu.yield
    }) : () -> ()
    %barrier3A_115 = arith.constant 0 : index
    tpu.barrier barrier_id(%barrier3A_115)
    %mul3A_116 = arith.constant 625 : i32
    %mul3A_117 = arith.muli %arg1, %mul3A_116 : i32
    %mul3A_118 = arith.constant 625 : i32
    %mul3A_119 = arith.muli %arg1, %mul3A_118 : i32
    "tpu.region"() ({
      %run_scoped3A_120 = tpu.sem_alloc : memref<!tpu.dma_semaphore, #tpu.memory_space<semaphore_mem>>
      %dma_start3A_121 = arith.constant 0 : i32
      %dma_start3A_122 = tpu.memref_slice %arg4[%arg0, %mul3A_119, %dma_start3A_121] : memref<2x10000x128xf32, #tpu.memory_space<hbm>> -> memref<1x625x128xf32, #tpu.memory_space<hbm>>
      %dma_start3A_123 = tpu.memref_squeeze %dma_start3A_122 : memref<1x625x128xf32, #tpu.memory_space<hbm>> -> memref<625x128xf32, #tpu.memory_space<hbm>>
      %dma_start3A_124 = arith.constant 0 : i32
      %dma_start3A_125 = tpu.memref_slice %arg5[%mul3A_117, %dma_start3A_124] : memref<10000x128xf32, #tpu.memory_space<vmem_shared>> -> memref<625x128xf32, #tpu.memory_space<vmem_shared>>
      tpu.enqueue_dma source(%dma_start3A_125 : memref<625x128xf32, #tpu.memory_space<vmem_shared>>) target(%dma_start3A_123 : memref<625x128xf32, #tpu.memory_space<hbm>>) target_semaphore(%run_scoped3A_120 : memref<!tpu.dma_semaphore, #tpu.memory_space<semaphore_mem>>)
      %dma_wait3A_126 = arith.constant 0 : i32
      %dma_wait3A_127 = tpu.memref_slice %arg4[%arg0, %mul3A_119, %dma_wait3A_126] : memref<2x10000x128xf32, #tpu.memory_space<hbm>> -> memref<1x625x128xf32, #tpu.memory_space<hbm>>
      %dma_wait3A_128 = tpu.memref_squeeze %dma_wait3A_127 : memref<1x625x128xf32, #tpu.memory_space<hbm>> -> memref<625x128xf32, #tpu.memory_space<hbm>>
      %dma_wait3A_129 = arith.constant 0 : i32
      %dma_wait3A_130 = tpu.memref_slice %arg5[%mul3A_117, %dma_wait3A_129] : memref<10000x128xf32, #tpu.memory_space<vmem_shared>> -> memref<625x128xf32, #tpu.memory_space<vmem_shared>>
      tpu.wait_dma2 semaphore(%run_scoped3A_120 : memref<!tpu.dma_semaphore, #tpu.memory_space<semaphore_mem>>) src(%dma_wait3A_130 : memref<625x128xf32, #tpu.memory_space<vmem_shared>>) dst(%dma_wait3A_128 : memref<625x128xf32, #tpu.memory_space<hbm>>)
      tpu.yield
    }) : () -> ()
    return
  }
}

module attributes {stable_mosaic.version = 14 : i64} {
  func.func @_tab_body(%arg0: i32, %arg1: memref<2000x16xf32, #tpu.memory_space<vmem>>, %arg2: memref<2000x128xf32, #tpu.memory_space<vmem>>, %arg3: memref<16x256xf32, #tpu.memory_space<vmem>>, %arg4: memref<128x256xf32, #tpu.memory_space<vmem>>, %arg5: memref<1x256xf32, #tpu.memory_space<vmem>>, %arg6: memref<256x128xf32, #tpu.memory_space<vmem>>, %arg7: memref<1x128xf32, #tpu.memory_space<vmem>>, %arg8: memref<2000x128xf32, #tpu.memory_space<vmem>>) attributes {dimension_semantics = [#tpu.dimension_semantics<arbitrary>], iteration_bounds = array<i64: 5>, scalar_prefetch = 0 : i64, scratch_operands = 0 : i64, tpu.core_type = #tpu.core_type<tc>, window_params = [{transform_indices = @transform_0, window_bounds = array<i64: 2000, 16>}, {transform_indices = @transform_1, window_bounds = array<i64: 2000, 128>}, {pipeline_mode = #tpu.pipeline_mode<synchronous>, transform_indices = @transform_2, window_bounds = array<i64: 16, 256>}, {pipeline_mode = #tpu.pipeline_mode<synchronous>, transform_indices = @transform_3, window_bounds = array<i64: 128, 256>}, {pipeline_mode = #tpu.pipeline_mode<synchronous>, transform_indices = @transform_4, window_bounds = array<i64: 1, 256>}, {pipeline_mode = #tpu.pipeline_mode<synchronous>, transform_indices = @transform_5, window_bounds = array<i64: 256, 128>}, {pipeline_mode = #tpu.pipeline_mode<synchronous>, transform_indices = @transform_6, window_bounds = array<i64: 1, 128>}, {transform_indices = @transform_7, window_bounds = array<i64: 2000, 128>}]} {
    %get3A = arith.constant 0 : index
    %get3A_0 = arith.constant 0 : index
    %get3A_1 = vector.load %arg1[%get3A, %get3A_0] : memref<2000x16xf32, #tpu.memory_space<vmem>>, vector<2000x16xf32>
    %get3A_2 = arith.constant 0 : index
    %get3A_3 = arith.constant 0 : index
    %get3A_4 = vector.load %arg3[%get3A_2, %get3A_3] : memref<16x256xf32, #tpu.memory_space<vmem>>, vector<16x256xf32>
    %dot_general3A = arith.constant dense<0.000000e+00> : vector<2000x256xf32>
    %dot_general3A_5 = tpu.matmul %get3A_1, %get3A_4, %dot_general3A {dimension_numbers = #tpu.dot_dimension_numbers<[1], [0], [0], [1], [0, 0, 1, 1], [], []>, transpose_lhs_hint = false} : vector<2000x16xf32>, vector<16x256xf32>, vector<2000x256xf32> -> vector<2000x256xf32>
    %get3A_6 = arith.constant 0 : index
    %get3A_7 = arith.constant 0 : index
    %get3A_8 = vector.load %arg2[%get3A_6, %get3A_7] : memref<2000x128xf32, #tpu.memory_space<vmem>>, vector<2000x128xf32>
    %get3A_9 = arith.constant 0 : index
    %get3A_10 = arith.constant 0 : index
    %get3A_11 = vector.load %arg4[%get3A_9, %get3A_10] : memref<128x256xf32, #tpu.memory_space<vmem>>, vector<128x256xf32>
    %dot_general3A_12 = arith.constant dense<0.000000e+00> : vector<2000x256xf32>
    %dot_general3A_13 = tpu.matmul %get3A_8, %get3A_11, %dot_general3A_12 {dimension_numbers = #tpu.dot_dimension_numbers<[1], [0], [0], [1], [0, 0, 1, 1], [], []>, transpose_lhs_hint = false} : vector<2000x128xf32>, vector<128x256xf32>, vector<2000x256xf32> -> vector<2000x256xf32>
    %add3A = arith.addf %dot_general3A_5, %dot_general3A_13 : vector<2000x256xf32>
    %get3A_14 = arith.constant 0 : index
    %get3A_15 = arith.constant 0 : index
    %get3A_16 = vector.load %arg5[%get3A_14, %get3A_15] : memref<1x256xf32, #tpu.memory_space<vmem>>, vector<1x256xf32>
    %add3A_17 = vector.broadcast %get3A_16 : vector<1x256xf32> to vector<2000x256xf32>
    %add3A_18 = arith.addf %add3A, %add3A_17 : vector<2000x256xf32>
    %max3A = arith.constant 0.000000e+00 : f32
    %max3A_19 = vector.broadcast %max3A : f32 to vector<2000x256xf32>
    %max3A_20 = arith.maximumf %add3A_18, %max3A_19 : vector<2000x256xf32>
    %get3A_21 = arith.constant 0 : index
    %get3A_22 = arith.constant 0 : index
    %get3A_23 = vector.load %arg6[%get3A_21, %get3A_22] : memref<256x128xf32, #tpu.memory_space<vmem>>, vector<256x128xf32>
    %dot_general3A_24 = arith.constant dense<0.000000e+00> : vector<2000x128xf32>
    %dot_general3A_25 = tpu.matmul %max3A_20, %get3A_23, %dot_general3A_24 {dimension_numbers = #tpu.dot_dimension_numbers<[1], [0], [0], [1], [0, 0, 1, 1], [], []>, transpose_lhs_hint = false} : vector<2000x256xf32>, vector<256x128xf32>, vector<2000x128xf32> -> vector<2000x128xf32>
    %get3A_26 = arith.constant 0 : index
    %get3A_27 = arith.constant 0 : index
    %get3A_28 = vector.load %arg7[%get3A_26, %get3A_27] : memref<1x128xf32, #tpu.memory_space<vmem>>, vector<1x128xf32>
    %add3A_29 = vector.broadcast %get3A_28 : vector<1x128xf32> to vector<2000x128xf32>
    %add3A_30 = arith.addf %dot_general3A_25, %add3A_29 : vector<2000x128xf32>
    %max3A_31 = arith.constant 0.000000e+00 : f32
    %max3A_32 = vector.broadcast %max3A_31 : f32 to vector<2000x128xf32>
    %max3A_33 = arith.maximumf %add3A_30, %max3A_32 : vector<2000x128xf32>
    %swap3A = arith.constant 0 : index
    %swap3A_34 = arith.constant 0 : index
    %swap3A_35 = vector.load %arg8[%swap3A, %swap3A_34] : memref<2000x128xf32, #tpu.memory_space<vmem>>, vector<2000x128xf32>
    tpu.vector_store %arg8[%swap3A, %swap3A_34], %max3A_33 {strides = array<i32>} : memref<2000x128xf32, #tpu.memory_space<vmem>>, vector<2000x128xf32>,
    return
  }
  func.func @transform_0(%arg0: i32) -> (i32, i32) {
    %c0_i32 = arith.constant 0 : i32
    %c0_i32_0 = arith.constant 0 : i32
    return %arg0, %c0_i32 : i32, i32
  }
  func.func @transform_1(%arg0: i32) -> (i32, i32) {
    %c0_i32 = arith.constant 0 : i32
    %c0_i32_0 = arith.constant 0 : i32
    return %arg0, %c0_i32 : i32, i32
  }
  func.func @transform_2(%arg0: i32) -> (i32, i32) {
    %c0_i32 = arith.constant 0 : i32
    %c0_i32_0 = arith.constant 0 : i32
    %c0_i32_1 = arith.constant 0 : i32
    return %c0_i32, %c0_i32_0 : i32, i32
  }
  func.func @transform_3(%arg0: i32) -> (i32, i32) {
    %c0_i32 = arith.constant 0 : i32
    %c0_i32_0 = arith.constant 0 : i32
    %c0_i32_1 = arith.constant 0 : i32
    return %c0_i32, %c0_i32_0 : i32, i32
  }
  func.func @transform_4(%arg0: i32) -> (i32, i32) {
    %c0_i32 = arith.constant 0 : i32
    %c0_i32_0 = arith.constant 0 : i32
    %c0_i32_1 = arith.constant 0 : i32
    return %c0_i32, %c0_i32_0 : i32, i32
  }
  func.func @transform_5(%arg0: i32) -> (i32, i32) {
    %c0_i32 = arith.constant 0 : i32
    %c0_i32_0 = arith.constant 0 : i32
    %c0_i32_1 = arith.constant 0 : i32
    return %c0_i32, %c0_i32_0 : i32, i32
  }
  func.func @transform_6(%arg0: i32) -> (i32, i32) {
    %c0_i32 = arith.constant 0 : i32
    %c0_i32_0 = arith.constant 0 : i32
    %c0_i32_1 = arith.constant 0 : i32
    return %c0_i32, %c0_i32_0 : i32, i32
  }
  func.func @transform_7(%arg0: i32) -> (i32, i32) {
    %c0_i32 = arith.constant 0 : i32
    %c0_i32_0 = arith.constant 0 : i32
    return %arg0, %c0_i32 : i32, i32
  }
}

module attributes {stable_mosaic.version = 14 : i64} {
  func.func @_sage_body(%arg0: i32, %arg1: memref<2000x128xf32, #tpu.memory_space<vmem>>, %arg2: memref<2x2000x128xf32, #tpu.memory_space<vmem>>, %arg3: memref<2x2000x1xf32, #tpu.memory_space<vmem>>, %arg4: memref<128x128xf32, #tpu.memory_space<vmem>>, %arg5: memref<128x128xf32, #tpu.memory_space<vmem>>, %arg6: memref<1x128xf32, #tpu.memory_space<vmem>>, %arg7: memref<2000x128xf32, #tpu.memory_space<vmem>>) attributes {dimension_semantics = [#tpu.dimension_semantics<arbitrary>], iteration_bounds = array<i64: 5>, scalar_prefetch = 0 : i64, scratch_operands = 0 : i64, tpu.core_type = #tpu.core_type<tc>, window_params = [{transform_indices = @transform_0, window_bounds = array<i64: 2000, 128>}, {transform_indices = @transform_1, window_bounds = array<i64: 2, 2000, 128>}, {transform_indices = @transform_2, window_bounds = array<i64: 2, 2000, 1>}, {pipeline_mode = #tpu.pipeline_mode<synchronous>, transform_indices = @transform_3, window_bounds = array<i64: 128, 128>}, {pipeline_mode = #tpu.pipeline_mode<synchronous>, transform_indices = @transform_4, window_bounds = array<i64: 128, 128>}, {pipeline_mode = #tpu.pipeline_mode<synchronous>, transform_indices = @transform_5, window_bounds = array<i64: 1, 128>}, {transform_indices = @transform_6, window_bounds = array<i64: 2000, 128>}]} {
    %get3A = arith.constant 0 : index
    %get3A_0 = arith.constant 0 : index
    %get3A_1 = arith.constant 0 : index
    %get3A_2 = vector.load %arg2[%get3A, %get3A_0, %get3A_1] : memref<2x2000x128xf32, #tpu.memory_space<vmem>>, vector<2x2000x128xf32>
    %get3A_3 = arith.constant 0 : index
    %get3A_4 = arith.constant 0 : index
    %get3A_5 = arith.constant 0 : index
    %get3A_6 = vector.load %arg3[%get3A_3, %get3A_4, %get3A_5] : memref<2x2000x1xf32, #tpu.memory_space<vmem>>, vector<2x2000x1xf32>
    %slice3A = vector.extract_strided_slice %get3A_6 {offsets = [0, 0, 0], sizes = [1, 2000, 1], strides = [1, 1, 1]} : vector<2x2000x1xf32> to vector<1x2000x1xf32>
    %squeeze3A = vector.shape_cast %slice3A : vector<1x2000x1xf32> to vector<2000x1xf32>
    %slice3A_7 = vector.extract_strided_slice %get3A_6 {offsets = [1, 0, 0], sizes = [1, 2000, 1], strides = [1, 1, 1]} : vector<2x2000x1xf32> to vector<1x2000x1xf32>
    %squeeze3A_8 = vector.shape_cast %slice3A_7 : vector<1x2000x1xf32> to vector<2000x1xf32>
    %add3A = arith.addf %squeeze3A, %squeeze3A_8 : vector<2000x1xf32>
    %max3A = arith.constant 1.000000e+00 : f32
    %max3A_9 = vector.broadcast %max3A : f32 to vector<2000x1xf32>
    %max3A_10 = arith.maximumf %add3A, %max3A_9 : vector<2000x1xf32>
    %div3A = arith.constant 1.000000e+00 : f32
    %div3A_11 = vector.broadcast %div3A : f32 to vector<2000x1xf32>
    %div3A_12 = arith.divf %div3A_11, %max3A_10 : vector<2000x1xf32>
    %slice3A_13 = vector.extract_strided_slice %get3A_2 {offsets = [0, 0, 0], sizes = [1, 2000, 128], strides = [1, 1, 1]} : vector<2x2000x128xf32> to vector<1x2000x128xf32>
    %squeeze3A_14 = vector.shape_cast %slice3A_13 : vector<1x2000x128xf32> to vector<2000x128xf32>
    %slice3A_15 = vector.extract_strided_slice %get3A_2 {offsets = [1, 0, 0], sizes = [1, 2000, 128], strides = [1, 1, 1]} : vector<2x2000x128xf32> to vector<1x2000x128xf32>
    %squeeze3A_16 = vector.shape_cast %slice3A_15 : vector<1x2000x128xf32> to vector<2000x128xf32>
    %add3A_17 = arith.addf %squeeze3A_14, %squeeze3A_16 : vector<2000x128xf32>
    %mul3A = vector.broadcast %div3A_12 : vector<2000x1xf32> to vector<2000x128xf32>
    %mul3A_18 = arith.mulf %add3A_17, %mul3A : vector<2000x128xf32>
    %get3A_19 = arith.constant 0 : index
    %get3A_20 = arith.constant 0 : index
    %get3A_21 = vector.load %arg1[%get3A_19, %get3A_20] : memref<2000x128xf32, #tpu.memory_space<vmem>>, vector<2000x128xf32>
    %get3A_22 = arith.constant 0 : index
    %get3A_23 = arith.constant 0 : index
    %get3A_24 = vector.load %arg4[%get3A_22, %get3A_23] : memref<128x128xf32, #tpu.memory_space<vmem>>, vector<128x128xf32>
    %dot_general3A = arith.constant dense<0.000000e+00> : vector<2000x128xf32>
    %dot_general3A_25 = tpu.matmul %get3A_21, %get3A_24, %dot_general3A {dimension_numbers = #tpu.dot_dimension_numbers<[1], [0], [0], [1], [0, 0, 1, 1], [], []>, transpose_lhs_hint = false} : vector<2000x128xf32>, vector<128x128xf32>, vector<2000x128xf32> -> vector<2000x128xf32>
    %get3A_26 = arith.constant 0 : index
    %get3A_27 = arith.constant 0 : index
    %get3A_28 = vector.load %arg5[%get3A_26, %get3A_27] : memref<128x128xf32, #tpu.memory_space<vmem>>, vector<128x128xf32>
    %dot_general3A_29 = arith.constant dense<0.000000e+00> : vector<2000x128xf32>
    %dot_general3A_30 = tpu.matmul %mul3A_18, %get3A_28, %dot_general3A_29 {dimension_numbers = #tpu.dot_dimension_numbers<[1], [0], [0], [1], [0, 0, 1, 1], [], []>, transpose_lhs_hint = false} : vector<2000x128xf32>, vector<128x128xf32>, vector<2000x128xf32> -> vector<2000x128xf32>
    %add3A_31 = arith.addf %dot_general3A_25, %dot_general3A_30 : vector<2000x128xf32>
    %get3A_32 = arith.constant 0 : index
    %get3A_33 = arith.constant 0 : index
    %get3A_34 = vector.load %arg6[%get3A_32, %get3A_33] : memref<1x128xf32, #tpu.memory_space<vmem>>, vector<1x128xf32>
    %add3A_35 = vector.broadcast %get3A_34 : vector<1x128xf32> to vector<2000x128xf32>
    %add3A_36 = arith.addf %add3A_31, %add3A_35 : vector<2000x128xf32>
    %max3A_37 = arith.constant 0.000000e+00 : f32
    %max3A_38 = vector.broadcast %max3A_37 : f32 to vector<2000x128xf32>
    %max3A_39 = arith.maximumf %add3A_36, %max3A_38 : vector<2000x128xf32>
    %swap3A = arith.constant 0 : index
    %swap3A_40 = arith.constant 0 : index
    %swap3A_41 = vector.load %arg7[%swap3A, %swap3A_40] : memref<2000x128xf32, #tpu.memory_space<vmem>>, vector<2000x128xf32>
    tpu.vector_store %arg7[%swap3A, %swap3A_40], %max3A_39 {strides = array<i32>} : memref<2000x128xf32, #tpu.memory_space<vmem>>, vector<2000x128xf32>,
    return
  }
  func.func @transform_0(%arg0: i32) -> (i32, i32) {
    %c0_i32 = arith.constant 0 : i32
    %c0_i32_0 = arith.constant 0 : i32
    return %arg0, %c0_i32 : i32, i32
  }
  func.func @transform_1(%arg0: i32) -> (i32, i32, i32) {
    %c0_i32 = arith.constant 0 : i32
    %c0_i32_0 = arith.constant 0 : i32
    %c0_i32_1 = arith.constant 0 : i32
    return %c0_i32, %arg0, %c0_i32_0 : i32, i32, i32
  }
  func.func @transform_2(%arg0: i32) -> (i32, i32, i32) {
    %c0_i32 = arith.constant 0 : i32
    %c0_i32_0 = arith.constant 0 : i32
    %c0_i32_1 = arith.constant 0 : i32
    return %c0_i32, %arg0, %c0_i32_0 : i32, i32, i32
  }
  func.func @transform_3(%arg0: i32) -> (i32, i32) {
    %c0_i32 = arith.constant 0 : i32
    %c0_i32_0 = arith.constant 0 : i32
    %c0_i32_1 = arith.constant 0 : i32
    return %c0_i32, %c0_i32_0 : i32, i32
  }
  func.func @transform_4(%arg0: i32) -> (i32, i32) {
    %c0_i32 = arith.constant 0 : i32
    %c0_i32_0 = arith.constant 0 : i32
    %c0_i32_1 = arith.constant 0 : i32
    return %c0_i32, %c0_i32_0 : i32, i32
  }
  func.func @transform_5(%arg0: i32) -> (i32, i32) {
    %c0_i32 = arith.constant 0 : i32
    %c0_i32_0 = arith.constant 0 : i32
    %c0_i32_1 = arith.constant 0 : i32
    return %c0_i32, %c0_i32_0 : i32, i32
  }
  func.func @transform_6(%arg0: i32) -> (i32, i32) {
    %c0_i32 = arith.constant 0 : i32
    %c0_i32_0 = arith.constant 0 : i32
    return %arg0, %c0_i32 : i32, i32
  }
}

module attributes {stable_mosaic.version = 14 : i64} {
  func.func @_sage_body(%arg0: i32, %arg1: memref<2000x128xf32, #tpu.memory_space<vmem>>, %arg2: memref<2x2000x128xf32, #tpu.memory_space<vmem>>, %arg3: memref<2x2000x1xf32, #tpu.memory_space<vmem>>, %arg4: memref<128x128xf32, #tpu.memory_space<vmem>>, %arg5: memref<128x128xf32, #tpu.memory_space<vmem>>, %arg6: memref<1x128xf32, #tpu.memory_space<vmem>>, %arg7: memref<2000x128xf32, #tpu.memory_space<vmem>>) attributes {dimension_semantics = [#tpu.dimension_semantics<arbitrary>], iteration_bounds = array<i64: 5>, scalar_prefetch = 0 : i64, scratch_operands = 0 : i64, tpu.core_type = #tpu.core_type<tc>, window_params = [{transform_indices = @transform_0, window_bounds = array<i64: 2000, 128>}, {transform_indices = @transform_1, window_bounds = array<i64: 2, 2000, 128>}, {transform_indices = @transform_2, window_bounds = array<i64: 2, 2000, 1>}, {pipeline_mode = #tpu.pipeline_mode<synchronous>, transform_indices = @transform_3, window_bounds = array<i64: 128, 128>}, {pipeline_mode = #tpu.pipeline_mode<synchronous>, transform_indices = @transform_4, window_bounds = array<i64: 128, 128>}, {pipeline_mode = #tpu.pipeline_mode<synchronous>, transform_indices = @transform_5, window_bounds = array<i64: 1, 128>}, {transform_indices = @transform_6, window_bounds = array<i64: 2000, 128>}]} {
    %get3A = arith.constant 0 : index
    %get3A_0 = arith.constant 0 : index
    %get3A_1 = arith.constant 0 : index
    %get3A_2 = vector.load %arg2[%get3A, %get3A_0, %get3A_1] : memref<2x2000x128xf32, #tpu.memory_space<vmem>>, vector<2x2000x128xf32>
    %get3A_3 = arith.constant 0 : index
    %get3A_4 = arith.constant 0 : index
    %get3A_5 = arith.constant 0 : index
    %get3A_6 = vector.load %arg3[%get3A_3, %get3A_4, %get3A_5] : memref<2x2000x1xf32, #tpu.memory_space<vmem>>, vector<2x2000x1xf32>
    %slice3A = vector.extract_strided_slice %get3A_6 {offsets = [0, 0, 0], sizes = [1, 2000, 1], strides = [1, 1, 1]} : vector<2x2000x1xf32> to vector<1x2000x1xf32>
    %squeeze3A = vector.shape_cast %slice3A : vector<1x2000x1xf32> to vector<2000x1xf32>
    %slice3A_7 = vector.extract_strided_slice %get3A_6 {offsets = [1, 0, 0], sizes = [1, 2000, 1], strides = [1, 1, 1]} : vector<2x2000x1xf32> to vector<1x2000x1xf32>
    %squeeze3A_8 = vector.shape_cast %slice3A_7 : vector<1x2000x1xf32> to vector<2000x1xf32>
    %add3A = arith.addf %squeeze3A, %squeeze3A_8 : vector<2000x1xf32>
    %max3A = arith.constant 1.000000e+00 : f32
    %max3A_9 = vector.broadcast %max3A : f32 to vector<2000x1xf32>
    %max3A_10 = arith.maximumf %add3A, %max3A_9 : vector<2000x1xf32>
    %div3A = arith.constant 1.000000e+00 : f32
    %div3A_11 = vector.broadcast %div3A : f32 to vector<2000x1xf32>
    %div3A_12 = arith.divf %div3A_11, %max3A_10 : vector<2000x1xf32>
    %slice3A_13 = vector.extract_strided_slice %get3A_2 {offsets = [0, 0, 0], sizes = [1, 2000, 128], strides = [1, 1, 1]} : vector<2x2000x128xf32> to vector<1x2000x128xf32>
    %squeeze3A_14 = vector.shape_cast %slice3A_13 : vector<1x2000x128xf32> to vector<2000x128xf32>
    %slice3A_15 = vector.extract_strided_slice %get3A_2 {offsets = [1, 0, 0], sizes = [1, 2000, 128], strides = [1, 1, 1]} : vector<2x2000x128xf32> to vector<1x2000x128xf32>
    %squeeze3A_16 = vector.shape_cast %slice3A_15 : vector<1x2000x128xf32> to vector<2000x128xf32>
    %add3A_17 = arith.addf %squeeze3A_14, %squeeze3A_16 : vector<2000x128xf32>
    %mul3A = vector.broadcast %div3A_12 : vector<2000x1xf32> to vector<2000x128xf32>
    %mul3A_18 = arith.mulf %add3A_17, %mul3A : vector<2000x128xf32>
    %get3A_19 = arith.constant 0 : index
    %get3A_20 = arith.constant 0 : index
    %get3A_21 = vector.load %arg1[%get3A_19, %get3A_20] : memref<2000x128xf32, #tpu.memory_space<vmem>>, vector<2000x128xf32>
    %get3A_22 = arith.constant 0 : index
    %get3A_23 = arith.constant 0 : index
    %get3A_24 = vector.load %arg4[%get3A_22, %get3A_23] : memref<128x128xf32, #tpu.memory_space<vmem>>, vector<128x128xf32>
    %dot_general3A = arith.constant dense<0.000000e+00> : vector<2000x128xf32>
    %dot_general3A_25 = tpu.matmul %get3A_21, %get3A_24, %dot_general3A {dimension_numbers = #tpu.dot_dimension_numbers<[1], [0], [0], [1], [0, 0, 1, 1], [], []>, transpose_lhs_hint = false} : vector<2000x128xf32>, vector<128x128xf32>, vector<2000x128xf32> -> vector<2000x128xf32>
    %get3A_26 = arith.constant 0 : index
    %get3A_27 = arith.constant 0 : index
    %get3A_28 = vector.load %arg5[%get3A_26, %get3A_27] : memref<128x128xf32, #tpu.memory_space<vmem>>, vector<128x128xf32>
    %dot_general3A_29 = arith.constant dense<0.000000e+00> : vector<2000x128xf32>
    %dot_general3A_30 = tpu.matmul %mul3A_18, %get3A_28, %dot_general3A_29 {dimension_numbers = #tpu.dot_dimension_numbers<[1], [0], [0], [1], [0, 0, 1, 1], [], []>, transpose_lhs_hint = false} : vector<2000x128xf32>, vector<128x128xf32>, vector<2000x128xf32> -> vector<2000x128xf32>
    %add3A_31 = arith.addf %dot_general3A_25, %dot_general3A_30 : vector<2000x128xf32>
    %get3A_32 = arith.constant 0 : index
    %get3A_33 = arith.constant 0 : index
    %get3A_34 = vector.load %arg6[%get3A_32, %get3A_33] : memref<1x128xf32, #tpu.memory_space<vmem>>, vector<1x128xf32>
    %add3A_35 = vector.broadcast %get3A_34 : vector<1x128xf32> to vector<2000x128xf32>
    %add3A_36 = arith.addf %add3A_31, %add3A_35 : vector<2000x128xf32>
    %swap3A = arith.constant 0 : index
    %swap3A_37 = arith.constant 0 : index
    %swap3A_38 = vector.load %arg7[%swap3A, %swap3A_37] : memref<2000x128xf32, #tpu.memory_space<vmem>>, vector<2000x128xf32>
    tpu.vector_store %arg7[%swap3A, %swap3A_37], %add3A_36 {strides = array<i32>} : memref<2000x128xf32, #tpu.memory_space<vmem>>, vector<2000x128xf32>,
    return
  }
  func.func @transform_0(%arg0: i32) -> (i32, i32) {
    %c0_i32 = arith.constant 0 : i32
    %c0_i32_0 = arith.constant 0 : i32
    return %arg0, %c0_i32 : i32, i32
  }
  func.func @transform_1(%arg0: i32) -> (i32, i32, i32) {
    %c0_i32 = arith.constant 0 : i32
    %c0_i32_0 = arith.constant 0 : i32
    %c0_i32_1 = arith.constant 0 : i32
    return %c0_i32, %arg0, %c0_i32_0 : i32, i32, i32
  }
  func.func @transform_2(%arg0: i32) -> (i32, i32, i32) {
    %c0_i32 = arith.constant 0 : i32
    %c0_i32_0 = arith.constant 0 : i32
    %c0_i32_1 = arith.constant 0 : i32
    return %c0_i32, %arg0, %c0_i32_0 : i32, i32, i32
  }
  func.func @transform_3(%arg0: i32) -> (i32, i32) {
    %c0_i32 = arith.constant 0 : i32
    %c0_i32_0 = arith.constant 0 : i32
    %c0_i32_1 = arith.constant 0 : i32
    return %c0_i32, %c0_i32_0 : i32, i32
  }
  func.func @transform_4(%arg0: i32) -> (i32, i32) {
    %c0_i32 = arith.constant 0 : i32
    %c0_i32_0 = arith.constant 0 : i32
    %c0_i32_1 = arith.constant 0 : i32
    return %c0_i32, %c0_i32_0 : i32, i32
  }
  func.func @transform_5(%arg0: i32) -> (i32, i32) {
    %c0_i32 = arith.constant 0 : i32
    %c0_i32_0 = arith.constant 0 : i32
    %c0_i32_1 = arith.constant 0 : i32
    return %c0_i32, %c0_i32_0 : i32, i32
  }
  func.func @transform_6(%arg0: i32) -> (i32, i32) {
    %c0_i32 = arith.constant 0 : i32
    %c0_i32_0 = arith.constant 0 : i32
    return %arg0, %c0_i32 : i32, i32
  }
}

</mosaic_0001>

<sc_bundles>
// kernel: kernel.11.cloned.1.call-start
scs
__scs_entry_jumppad:
0x0: {  	(pc) =	sbr.rel $0x88, $3  }
0x1: {  	(tag) =	ssettag $0x0;
	lr =	simm.s32 $0x1  }
0x2: {  	[smem:$0x3F93] =	sst lr;
	_ =	strace $0xD0000000  }
0x3: {  	_ = 	snop  }
0x4: {  	_ = 	snop  }
0x5: {  	_ = 	snop  }
0x6: {  	_ = 	snop  }
0x7: {  	_ = 	snop  }
__scs_overlays_trampoline_lowered:
0x8: {  	[smem:$0x3FA2] =	sst s0  }
0x9: {  	[smem:$0x3FA3] =	sst s1  }
0xa: {  	[smem:$0x3FA4] =	sst s2  }
0xb: {  	[smem:$0x3FA5] =	sst s3  }
0xc: {  	[smem:$0x3FA6] =	sst s4  }
0xd: {  	[smem:$0x3FA7] =	sst s5  }
0xe: {  	[smem:$0x3FA8] =	sst s6  }
0xf: {  	[smem:$0x3FA9] =	sst s7  }
0x10: {  	[smem:$0x3FAA] =	sst s8  }
0x11: {  	[smem:$0x3FAB] =	sst s9;
	s0 =	simm.s32 @!p0 $0x0  }
0x12: {  	s1 =	sld [smem:$0x3F91];
	s0 =	simm.s32 @p0 $0x1  }
0x13: {  	[smem:$0x3FAC] =	sst s0;
	s0 =	simm.s32 @!p1 $0x0  }
0x14: {  	s2 =	sld [smem:$0x3F90];
	s0 =	simm.s32 @p1 $0x1  }
0x15: {  	[smem:$0x3FAD] =	sst s0;
	s0 =	simm.s32 @!p2 $0x0  }
0x16: {  	s3 =	sld [smem:$0x3FDB];
	s0 =	simm.s32 @p2 $0x1  }
0x17: {  	s4 =	simm.s32 $0x1BF5;
	[smem:$0x3FAF] =	sst s0  }
0x18: {  	s0 =	sld [smem:$0x3F92];
	_ =	swait.ge [sflag:s4], $0x0  }
0x19: {  	s7 =	sld [smem:$0x3F93]  }
0x1a: {  	s8 =	sadd.s32 $0xFFFFE003, lr  }
0x1b: {  	s9 =	sadd.s32 $0xFFFFFEF7, lr;
	s5 =	simm.s32 $0xFFFFFFFF;
	p2 =	slt.u32 s8, $0xFFFFF086  }
0x1c: {  	p1 =	slt.u32 s9, $0xF7A;
	s5 =	simm.s32 @!p2 $0x0  }
0x1d: {  	s5 =	simm.s32 @p1 $0x1;
	p0 =	seq.s32 s7, s2  }
0x1e: {  	s7 =	smul.u32 @!p0 $0xF7A, s2;
	p2 =	seq.s32 @!p0 s5, $0x0  }
0x1f: {  	s9 =	smul.u32 $0xF7A, s1;
	s8 =	simm.s32 @!p0 $0x1BF5;
	p2 =	por !p2, p0  }
0x20: {  	[sflag:s8] =	ssyncset.s32 @!p0 $0xFFFFF086;
	s6 =	sadd.s32 @!p0 s3, s7;
	s7 =	simm.s32 @!p0 $0x108  }
0x21: {  	s3 =	sadd.s32 s3, s9;
	s6 =	sadd.s32 @!p0 $0x88, s6;
	s7 =	simm.s32 @p2 $0x1082  }
0x22: {  	[simem:s7], [sflag:s8] =	dma.local @!p0 [hbm:s6], $0xF7A  }
0x23: {  	s9 =	sor.u32 $0xD0000000, s2;
	s6 =	simm.s32 $0x108;
	_ =	swait.ge @!p0 [sflag:s8], $0x0  }
0x24: {  	s3 =	sadd.s32 $0x88, s3;
	s6 =	simm.s32 @!p1 $0x1082;
	[sflag:s4] =	ssyncset.s32 $0xFFFFF086  }
0x25: {  	[simem:s6], [sflag:s4] =	dma.local [hbm:s3], $0xF7A  }
0x26: {  	[smem:$0x3F93] =	sst s1;
	(tag) =	ssettag s2;
	_ =	strace s9  }
0x27: {  	s1 =	sld [smem:$0x3FA3]  }
0x28: {  	s2 =	sld [smem:$0x3FA4]  }
0x29: {  	s4 =	sld [smem:$0x3FA6]  }
0x2a: {  	p0 =	seq.s32 s5, $0x0;
	s5 =	sld [smem:$0x3FA7]  }
0x2b: {  	s6 =	sld [smem:$0x3FA8]  }
0x2c: {  	s7 =	sld [smem:$0x3FA9]  }
0x2d: {  	s3 =	simm.s32 $0x108;
	s8 =	sld [smem:$0x3FAA]  }
0x2e: {  	s3 =	simm.s32 @!p0 $0x1082;
	s9 =	sld [smem:$0x3FAB]  }
0x2f: {  	lr =	sadd.s32 s0, s3;
	s0 =	sld [smem:$0x3FA2]  }
0x30: {  	s3 =	sld [smem:$0x3FA5]  }
0x31: {  	[smem:$0x3FAE] =	sst s10  }
0x32: {  	s10 =	sld [smem:$0x3FAC];
	_ =	sdelay $0x3  }
0x33: {  	p0 =	seq.s32 s10, $0x1;
	s10 =	sld [smem:$0x3FAE];
	_ =	sdelay $0x3  }
0x34: {  	[smem:$0x3FAE] =	sst s10  }
0x35: {  	s10 =	sld [smem:$0x3FAD];
	_ =	sdelay $0x3  }
0x36: {  	p1 =	seq.s32 s10, $0x1;
	s10 =	sld [smem:$0x3FAE];
	_ =	sdelay $0x3  }
0x37: {  	[smem:$0x3FAE] =	sst s10  }
0x38: {  	s10 =	sld [smem:$0x3FAF]  }
0x39: {  	_ = 	snop;
	(pc) =	sbr.ind lr, $3  }
0x3a: {  	_ = 	snop  }
0x3b: {  	_ = 	snop  }
0x3c: {  	p2 =	seq.s32 s10, $0x1;
	s10 =	sld [smem:$0x3FAE]  }
0x3d: {  	_ =	shalt  }
0x3e: {  	_ =	shalt  }
0x3f: {  	_ =	shalt  }
0x40: {  	_ =	shalt  }
0x41: {  	_ =	shalt  }
0x42: {  	_ =	shalt  }
0x43: {  	_ =	shalt  }
0x44: {  	_ =	shalt  }
0x45: {  	_ =	shalt  }
0x46: {  	_ =	shalt  }
0x47: {  	_ =	shalt  }
0x48: {  	_ =	shalt  }
0x49: {  	_ =	shalt  }
0x4a: {  	_ =	shalt  }
0x4b: {  	_ =	shalt  }
0x4c: {  	_ =	shalt  }
0x4d: {  	_ =	shalt  }
0x4e: {  	_ =	shalt  }
0x4f: {  	_ =	shalt  }
0x50: {  	_ =	shalt  }
0x51: {  	_ =	shalt  }
0x52: {  	_ =	shalt  }
0x53: {  	_ =	shalt  }
0x54: {  	_ =	shalt  }
0x55: {  	_ =	shalt  }
0x56: {  	_ =	shalt  }
0x57: {  	_ =	shalt  }
0x58: {  	_ =	shalt  }
0x59: {  	_ =	shalt  }
0x5a: {  	_ =	shalt  }
0x5b: {  	_ =	shalt  }
0x5c: {  	_ =	shalt  }
0x5d: {  	_ =	shalt  }
0x5e: {  	_ =	shalt  }
0x5f: {  	_ =	shalt  }
0x60: {  	_ =	shalt  }
0x61: {  	_ =	shalt  }
0x62: {  	_ =	shalt  }
0x63: {  	_ =	shalt  }
0x64: {  	_ =	shalt  }
0x65: {  	_ =	shalt  }
0x66: {  	_ =	shalt  }
0x67: {  	_ =	shalt  }
0x68: {  	_ =	shalt  }
0x69: {  	_ =	shalt  }
0x6a: {  	_ =	shalt  }
0x6b: {  	_ =	shalt  }
0x6c: {  	_ =	shalt  }
0x6d: {  	_ =	shalt  }
0x6e: {  	_ =	shalt  }
0x6f: {  	_ =	shalt  }
0x70: {  	_ =	shalt  }
0x71: {  	_ =	shalt  }
0x72: {  	_ =	shalt  }
0x73: {  	_ =	shalt  }
0x74: {  	_ =	shalt  }
0x75: {  	_ =	shalt  }
0x76: {  	_ =	shalt  }
0x77: {  	_ =	shalt  }
0x78: {  	_ =	shalt  }
0x79: {  	_ =	shalt  }
0x7a: {  	_ =	shalt  }
0x7b: {  	_ =	shalt  }
0x7c: {  	_ =	shalt  }
0x7d: {  	_ =	shalt  }
0x7e: {  	_ =	shalt  }
0x7f: {  	_ =	shalt  }
0x80: {  	_ =	shalt  }
0x81: {  	_ =	shalt  }
0x82: {  	_ =	shalt  }
0x83: {  	_ =	shalt  }
0x84: {  	_ =	shalt  }
0x85: {  	_ =	shalt  }
0x86: {  	_ =	shalt  }
0x87: {  	_ =	shalt  }
.Lfunc_end0:
.L_simem_size_0:
called_computation.1_lowered:
.L_overlay_start_0:
0x88: {  	s2 =	sld [smem:$0x3FD9]  }
0x89: {  	s3 =	sld [smem:$0x3FFE];
	_ =	sdelay $0x1  }
0x8a: {  	s1 =	srdreg.scid  }
0x8b: {  	s0 =	sand.u32 $0x1, s1  }
0x8c: {  	s17 =	sshll.u32 s0, $0xA;
	s2 =	sadd.s32 s3, s2  }
0x8d: {  	s2 =	sadd.s32 s2, s17  }
0x8e: {  	[smem:$0x3FBA] =	sst s2  }
0x8f: {  	_ = 	snop  }
0x90: {  	s2 =	sld [smem:$0x3FD0];
	(tm) =	ssettm $0x1  }
0x91: {  	s18 =	sld [smem:$0x3FFB];
	_ =	sdelay $0x3  }
0x92: {  	_ =	strace s18  }
0x93: {  	s3 =	sld [smem:$0x3FFC];
	_ =	sdelay $0x3  }
0x94: {  	_ =	strace s3  }
0x95: {  	s3 =	sld [smem:$0x3FFD];
	_ =	sdelay $0x3  }
0x96: {  	_ =	strace s3  }
0x97: {  	_ =	strace $0x8FFFFFFF  }
0x98: {  	s19 =	sld [smem:$0x3FDB];
	_ =	sdelay $0x1  }
0x99: {  	s4 =	simm.s32 $_scs_section_size  }
0x9a: {  	s5 =	simm.s32 $_size__tile_overlayer_lowered;
	s6 =	simm.s32 $_tile_overlayer_lowered  }
0x9b: {  	s22 =	simm.s32 $0x1BFF;
	s21 =	sshll.u32 s6, $0x1;
	s3 =	sadd.s32 s4, s19  }
0x9c: {  	s7 =	simm.s32 $0x0;
	s20 =	sshll.u32 s5, $0x1;
	s5 =	sadd.s32 s21, s3  }
0x9d: {  	[timem:s7], [sflag:s22] =	dma.local [hbm:s5], s20  }
0x9e: {  	_ =	swait.ge [sflag:s22], s20  }
0x9f: {  	s4 =	ssub.s32 $0x0, s20;
	[sflag:s22] =	ssyncset.done $0x0  }
0xa0: {  	[sflag:s22] =	ssyncadd.s32 s4;
	_ =	sdelay $0x1  }
0xa1: {  	s23 =	simm.s32 $0x1B8B  }
0xa2: {  	_ =	swait.ge [sflag:s23], $0x1  }
0xa3: {  	[sflag:s23] =	ssyncset.done $0x0  }
0xa4: {  	s25 =	simm.s32 $0x1B8E;
	s24 =	sld [smem:$0x3FFE];
	[sflag:s23] =	ssyncadd.s32 $0xFFFFFFFF  }
0xa5: {  	s26 =	simm.s32 $execute0_lowered;
	[smem:$0x3FD2] =	sst s25  }
0xa6: {  	s5 =	sshll.u32 s26, $0x1;
	_ =	strace $0x80000049;
	[dreg:$0x1] =	wrdreg $0xFFFFFFFF  }
0xa7: {  	s28 =	simm.s32 $_size_execute0_lowered;
	s3 =	sadd.s32 s3, s5;
	[dreg:$0x0] =	wrdreg $0x0  }
0xa8: {  	s5 =	sshll.u32 s28, $0x1;
	[dreg:$0x2] =	wrdreg s3  }
0xa9: {  	[dreg:$0x3] =	wrdreg s5  }
0xaa: {  	[dreg:$0x4] =	wrdreg $0xC0  }
0xab: {  	_ =	task [dreg:s7], $0x5FFFF  }
0xac: {  	[dreg:$0x1] =	wrdreg $0xFFFFFFFF  }
0xad: {  	[dreg:$0x0] =	wrdreg $0x60  }
0xae: {  	[dreg:$0x2] =	wrdreg s2  }
0xaf: {  	[dreg:$0x3] =	wrdreg s24  }
0xb0: {  	[dreg:$0x4] =	wrdreg $0x0  }
0xb1: {  	[dreg:$0x5] =	wrdreg $0x9  }
0xb2: {  	_ =	task.clear_ibuf [dreg:s7], $0x6FFFF;
	_ =	strace $0x90000049  }
0xb3: {  	s29 =	simm.s32 $0x9;
	_ =	strace $0x8000004B  }
0xb4: {  	_ =	swait.ge [sflag:s29], $0x1  }
0xb5: {  	[sflag:s29] =	ssyncadd.s32 $0xFFFFFFFF  }
0xb6: {  	_ =	strace $0x9000004B  }
0xb7: {  	_ =	sfence  }
0xb8: {  	s30 =	sld [smem:$0x0];
	_ =	sdelay $0x2  }
0xb9: {  	s31 =	sshll.u32 s1, $0xD;
	s1 =	sshrl.u32 s1, $0x2  }
0xba: {  	s3 =	sand.u32 $0x4000, s31;
	s1 =	sadd.s32 s1, s30  }
0xbb: {  	s0 =	sor.u32 s3, s0;
	s1 =	sshll.u32 s1, $0x11  }
0xbc: {  	s0 =	sor.u32 s1, s0  }
0xbd: {  	s0 =	sadd.s32 $0x8F2B, s0  }
0xbe: {  	[sflag:s0] =	ssyncadd.remote.s32 $0x1  }
0xbf: {  	_ =	sfence.sel $0xFFFF  }
0xc0: {  	[dreg:$0x0] =	wrdreg $0xFFFFFFFF;
	(pc) =	sbr.abs _section_cstart, $3  }
0xc1: {  	[dreg:$0x1] =	wrdreg $0xFFFFFFFF  }
0xc2: {  	_ =	task.clear_ibuf [dreg:s7], $0x2FFFF;
	_ =	strace $0x9FFFFFFF  }
0xc3: {  	(tm) =	ssettm $0x7FFFFFFF  }
tec
execute0_lowered:
.L_overlay_start_1:
0x0: {  	(tag) =	ssettag $0x1  }
0x1: {  	s1 =	rddreg [dreg:$0x0]  }
0x2: {  	s0 =	srdreg.scid;
	s5 =	rddreg [dreg:$0x1]  }
0x3: {  	s7 =	stileid.u32;
	s3 =	rddreg [dreg:$0x2];
	s4 =	simm.s32 $0x0  }
0x4: {  	s17 =	simm.s32 $0x186A0;
	s18 =	simm.s32 $0x13880;
	s20 =	simm.s32 $0x3  }
0x5: {  	s21 =	simm.s32 $0x2;
	s22 =	simm.s32 $0x50;
	s24 =	simm.s32 $0x1AEA0  }
0x6: {  	s26 =	simm.s32 $0x1D6A0;
	s28 =	simm.s32 $0x1;
	s29 =	simm.s32 $0x4  }
0x7: {  	s0 =	sand.u32 $0x1, s0;
	[smem:$0x7FF] =	sst s4;
	s10 =	smul.u32 $0x13880, s7  }
0x8: {  	s2 =	sshll.u32 s0, $0x4;
	s6 =	smul.u32 $0x138800, s0;
	_ =	strace $0x8000004A  }
0x9: {  	s0 =	ssub.s32 $0x2, s0;
	s2 =	sor.u32 s7, s2;
	s7 =	smul.u32 $0x4E200, s7  }
0xa: {  	s8 =	sshrl.u32 s0, $0x1;
	s31 =	sadd.s32 s10, s3;
	s2 =	smul.u32 $0x2710, s2  }
0xb: {  	s6 =	sadd.s32 s10, s6;
	s0 =	ssub.s32 s0, s8;
	s25 =	sshrl.u32 s31, $0x3  }
0xc: {  	s6 =	sshrl.u32 s6, $0x3;
	s7 =	sshrl.u32 s7, $0x2;
	s2 =	sshrl.u32 s2, $0x3  }
0xd: {  	s9 =	sadd.s32 s6, s5;
	s2 =	sadd.s32 s2, s5;
	s5 =	sadd.s32 s7, s3  }
0xe: {  	s10 =	smax.u32 s0, $0x1;
	s9 =	sadd.s32 $0x1E800, s9;
	s6 =	sadd.s32 $0x11800, s5  }
0xf: {  	s7 =	sadd.s32 $0x3C00, s2;
	s8 =	sadd.s32 $0xD840, s2;
	s11 =	sadd.s32 $0x2800, s5  }
0x10: {  	s12 =	sadd.s32 $0x5000, s5;
	s13 =	sadd.s32 $0x7800, s5;
	s14 =	sadd.s32 $0xA000, s5  }
0x11: {  	v0 =	vimm.f32 $0.0e+00;
	s15 =	sadd.s32 $0xC800, s5;
	s16 =	sadd.s32 $0xF000, s5;
	s2 =	simm.s32 $0x0  }
.LBB2_1:
0x12: {  	s0 =	sand.u32 $0xFE00, s4  }
0x13: {  	s19 =	sand.u32 $0x70, s4;
	s23 =	sshrl.u32 s0, $0x2  }
0x14: {  	s0 =	simm.s32 $0x40;
	s23 =	sor.u32 s19, s23;
	s19 =	simm.s32 $0x0  }
.LBB2_2:
0x15: {  	p0 =	sne.s32 s0, $0x9FC0  }
0x16: {  	[tilespmem:s23+$0x186A0] =	vst v0;
	s19 =	sadd.s32 $0x10, s19;
	s23 =	smov.u32 s0;
	s0 =	sadd.s32 $0x40, s0  }
.Ltmp0:
0x17: {  	(pc) =	sbr.rel @p0 .LBB2_2-.Ltmp0, $4  }
0x18: {  	_ = 	snop  }
0x19: {  	s23 =	sand.u32 $0xFE00, s23  }
0x1a: {  	s30 =	sand.u32 $0x70, s19;
	s23 =	sshrl.u32 s23, $0x2  }
0x1b: {  	s23 =	sor.u32 s30, s23  }
0x1c: {  	[tilespmem:s23+$0x186A0] =	vst v0  }
0x1d: {  	[spmem:s5] =	stream.linear.scatter [tilespmem:s17], [sflag:$0x2], $0x2800, $0x38;
	[tilespmem:$0x1FEA0] =	vst v63  }
0x1e: {  	_ = 	snop  }
0x1f: {  	[spmem:s11] =	stream.linear.scatter [tilespmem:s17], [sflag:$0x2], $0x2800, $0x38;
	[tilespmem:$0x1FEA0] =	vst v63  }
0x20: {  	_ = 	snop  }
0x21: {  	[spmem:s12] =	stream.linear.scatter [tilespmem:s17], [sflag:$0x2], $0x2800, $0x38;
	[tilespmem:$0x1FEA0] =	vst v63  }
0x22: {  	_ = 	snop  }
0x23: {  	[spmem:s13] =	stream.linear.scatter [tilespmem:s17], [sflag:$0x2], $0x2800, $0x38;
	[tilespmem:$0x1FEA0] =	vst v63  }
0x24: {  	_ = 	snop  }
0x25: {  	[spmem:s14] =	stream.linear.scatter [tilespmem:s17], [sflag:$0x2], $0x2800, $0x38;
	[tilespmem:$0x1FEA0] =	vst v63  }
0x26: {  	_ = 	snop  }
0x27: {  	[spmem:s15] =	stream.linear.scatter [tilespmem:s17], [sflag:$0x2], $0x2800, $0x38;
	[tilespmem:$0x1FEA0] =	vst v63  }
0x28: {  	_ = 	snop  }
0x29: {  	[spmem:s16] =	stream.linear.scatter [tilespmem:s17], [sflag:$0x2], $0x2800, $0x38;
	[tilespmem:$0x1FEA0] =	vst v63  }
0x2a: {  	_ = 	snop  }
0x2b: {  	[spmem:s6] =	stream.linear.scatter [tilespmem:s17], [sflag:$0x2], $0x2080, $0x38;
	[tilespmem:$0x1FEA0] =	vst v63  }
0x2c: {  	s0 =	simm.s32 $0x0  }
0x2d: {  	[tilespmem:s18], [sflag:$0x3] =	stream.linear.gather [hbm4b:s7+s0], $0x2710, $0x38;
	[tilespmem:$0x1FEA0] =	vst v63  }
0x2e: {  	s19 =	simm.s32 $0x15F90  }
0x2f: {  	[tilespmem:s19], [sflag:$0x3] =	stream.linear.gather [hbm4b:s8+s0], $0x2710, $0x38;
	[tilespmem:$0x1FEA0] =	vst v63  }
0x30: {  	_ =	swait.ge [sflag:s20], $0x2710  }
0x31: {  	[sflag:s20] =	ssyncset.done $0x0  }
0x32: {  	[sflag:s20] =	ssyncadd.s32 $0xFFFFD8F0  }
0x33: {  	_ =	swait.ge [sflag:s20], $0x2710  }
0x34: {  	[sflag:s20] =	ssyncset.done $0x0  }
0x35: {  	[sflag:s20] =	ssyncadd.s32 $0xFFFFD8F0  }
0x36: {  	_ =	swait.ge [sflag:s21], $0x2800  }
0x37: {  	[sflag:s21] =	ssyncset.done $0x0  }
0x38: {  	[sflag:s21] =	ssyncadd.s32 $0xFFFFD800  }
0x39: {  	_ =	swait.ge [sflag:s21], $0x2800  }
0x3a: {  	[sflag:s21] =	ssyncset.done $0x0  }
0x3b: {  	[sflag:s21] =	ssyncadd.s32 $0xFFFFD800  }
0x3c: {  	_ =	swait.ge [sflag:s21], $0x2800  }
0x3d: {  	[sflag:s21] =	ssyncset.done $0x0  }
0x3e: {  	[sflag:s21] =	ssyncadd.s32 $0xFFFFD800  }
0x3f: {  	_ =	swait.ge [sflag:s21], $0x2800  }
0x40: {  	[sflag:s21] =	ssyncset.done $0x0  }
0x41: {  	[sflag:s21] =	ssyncadd.s32 $0xFFFFD800  }
0x42: {  	_ =	swait.ge [sflag:s21], $0x2800  }
0x43: {  	[sflag:s21] =	ssyncset.done $0x0  }
0x44: {  	[sflag:s21] =	ssyncadd.s32 $0xFFFFD800  }
0x45: {  	_ =	swait.ge [sflag:s21], $0x2800  }
0x46: {  	[sflag:s21] =	ssyncset.done $0x0  }
0x47: {  	[sflag:s21] =	ssyncadd.s32 $0xFFFFD800  }
0x48: {  	_ =	swait.ge [sflag:s21], $0x2800  }
0x49: {  	[sflag:s21] =	ssyncset.done $0x0  }
0x4a: {  	[sflag:s21] =	ssyncadd.s32 $0xFFFFD800  }
0x4b: {  	_ =	swait.ge [sflag:s21], $0x2080  }
0x4c: {  	[sflag:s21] =	ssyncset.done $0x0  }
0x4d: {  	[sflag:s21] =	ssyncadd.s32 $0xFFFFDF80  }
0x4e: {  	[tilespmem:s17], [sflag:$0x1] =	stream.indirect.gather [hbm4b:s1+s22], $0x80, s18, s22, $0xb8;
	[tilespmem:$0x1FEA0] =	vst v63  }
0x4f: {  	s23 =	simm.s32 $0x138D0  }
0x50: {  	[tilespmem:s24], [sflag:$0x2] =	stream.indirect.gather [hbm4b:s1+s22], $0x80, s23, s22, $0xb8;
	[tilespmem:$0x1FEA0] =	vst v63  }
0x51: {  	s30 =	simm.s32 $0x13920;
	[bflag:$0x0] =	sbarrier.arrive $0xFFFF  }
0x52: {  	[tilespmem:s26], [sflag:$0x3] =	stream.indirect.gather [hbm4b:s1+s22], $0x80, s30, s22, $0xb8;
	[tilespmem:$0x1FEA0] =	vst v63  }
0x53: {  	_ =	swait.ge [sflag:s28], $0x2800  }
0x54: {  	[sflag:s28] =	ssyncset.done $0x0  }
0x55: {  	s31 =	simm.s32 $0x15F90;
	[sflag:s28] =	ssyncadd.s32 $0xFFFFD800  }
0x56: {  	[spmem:s3] =	stream.indirect.scatter.add.f32 [tilespmem:s17], [sflag:$0x4], $0x80, s31, s22, $0xb8;
	[tilespmem:$0x1FEA0] =	vst v63  }
0x57: {  	_ =	swait.ge [sflag:s29], $0x2800  }
0x58: {  	[sflag:s29] =	ssyncset.done $0x0  }
0x59: {  	s19 =	simm.s32 $0x13970;
	[sflag:s29] =	ssyncadd.s32 $0xFFFFD800  }
0x5a: {  	[tilespmem:s17], [sflag:$0x1] =	stream.indirect.gather [hbm4b:s1+s22], $0x80, s19, s22, $0xb8;
	[tilespmem:$0x1FEA0] =	vst v63  }
0x5b: {  	_ =	swait.ge [sflag:s21], $0x2800  }
0x5c: {  	[sflag:s21] =	ssyncset.done $0x0  }
0x5d: {  	s23 =	simm.s32 $0x15FE0;
	[sflag:s21] =	ssyncadd.s32 $0xFFFFD800  }
0x5e: {  	[spmem:s3] =	stream.indirect.scatter.add.f32 [tilespmem:s24], [sflag:$0x4], $0x80, s23, s22, $0xb8;
	[tilespmem:$0x1FEA0] =	vst v63  }
0x5f: {  	_ =	swait.ge [sflag:s29], $0x2800  }
0x60: {  	[sflag:s29] =	ssyncset.done $0x0  }
0x61: {  	s30 =	simm.s32 $0x139C0;
	[sflag:s29] =	ssyncadd.s32 $0xFFFFD800  }
0x62: {  	[tilespmem:s24], [sflag:$0x2] =	stream.indirect.gather [hbm4b:s1+s22], $0x80, s30, s22, $0xb8;
	[tilespmem:$0x1FEA0] =	vst v63  }
0x63: {  	_ =	swait.ge [sflag:s20], $0x2800  }
0x64: {  	[sflag:s20] =	ssyncset.done $0x0  }
0x65: {  	s31 =	simm.s32 $0x16030;
	[sflag:s20] =	ssyncadd.s32 $0xFFFFD800  }
0x66: {  	[spmem:s3] =	stream.indirect.scatter.add.f32 [tilespmem:s26], [sflag:$0x4], $0x80, s31, s22, $0xb8;
	[tilespmem:$0x1FEA0] =	vst v63  }
0x67: {  	_ =	swait.ge [sflag:s29], $0x2800  }
0x68: {  	s0 =	simm.s32 $0xF0;
	s19 =	simm.s32 $0x780;
	[sflag:s29] =	ssyncset.done $0x0  }
.LBB2_4:
0x69: {  	s23 =	sadd.s32 $0x13920, s0  }
0x6a: {  	[sflag:s29] =	ssyncadd.s32 $0xFFFFD800;
	s30 =	smov.u32 s19;
	s31 =	sadd.s32 $0x3C0, s19  }
0x6b: {  	[tilespmem:s26], [sflag:$0x3] =	stream.indirect.gather [hbm4b:s1+s22], $0x80, s23, s22, $0xb8;
	[tilespmem:$0x1FEA0] =	vst v63  }
0x6c: {  	p0 =	sne.s32 s19, $0x9600;
	_ =	swait.ge [sflag:s28], $0x2800  }
0x6d: {  	[sflag:s28] =	ssyncset.done $0x0  }
0x6e: {  	s19 =	sadd.s32 $0x15F90, s0;
	[sflag:s28] =	ssyncadd.s32 $0xFFFFD800  }
0x6f: {  	[spmem:s3] =	stream.indirect.scatter.add.f32 [tilespmem:s17], [sflag:$0x4], $0x80, s19, s22, $0xb8;
	[tilespmem:$0x1FEA0] =	vst v63  }
0x70: {  	_ =	swait.ge [sflag:s29], $0x2800  }
0x71: {  	[sflag:s29] =	ssyncset.done $0x0  }
0x72: {  	s19 =	sadd.s32 $0x13970, s0;
	[sflag:s29] =	ssyncadd.s32 $0xFFFFD800  }
0x73: {  	[tilespmem:s17], [sflag:$0x1] =	stream.indirect.gather [hbm4b:s1+s22], $0x80, s19, s22, $0xb8;
	[tilespmem:$0x1FEA0] =	vst v63  }
0x74: {  	_ =	swait.ge [sflag:s21], $0x2800  }
0x75: {  	[sflag:s21] =	ssyncset.done $0x0  }
0x76: {  	s19 =	sadd.s32 $0x15FE0, s0;
	[sflag:s21] =	ssyncadd.s32 $0xFFFFD800  }
0x77: {  	[spmem:s3] =	stream.indirect.scatter.add.f32 [tilespmem:s24], [sflag:$0x4], $0x80, s19, s22, $0xb8;
	[tilespmem:$0x1FEA0] =	vst v63  }
0x78: {  	_ =	swait.ge [sflag:s29], $0x2800  }
0x79: {  	[sflag:s29] =	ssyncset.done $0x0  }
0x7a: {  	s19 =	sadd.s32 $0x139C0, s0;
	[sflag:s29] =	ssyncadd.s32 $0xFFFFD800  }
0x7b: {  	[tilespmem:s24], [sflag:$0x2] =	stream.indirect.gather [hbm4b:s1+s22], $0x80, s19, s22, $0xb8;
	[tilespmem:$0x1FEA0] =	vst v63  }
0x7c: {  	_ =	swait.ge [sflag:s20], $0x2800  }
.Ltmp1:
0x7d: {  	[sflag:s20] =	ssyncset.done $0x0;
	(pc) =	sbr.rel @p0 .LBB2_4-.Ltmp1, $4  }
0x7e: {  	s0 =	sadd.s32 $0x16030, s0;
	[sflag:s20] =	ssyncadd.s32 $0xFFFFD800  }
0x7f: {  	[spmem:s3] =	stream.indirect.scatter.add.f32 [tilespmem:s26], [sflag:$0x4], $0x80, s0, s22, $0xb8;
	[tilespmem:$0x1FEA0] =	vst v63  }
0x80: {  	_ =	swait.ge [sflag:s29], $0x2800  }
0x81: {  	s19 =	smov.u32 s31;
	s0 =	sshra.s32 s30, $0x2;
	[sflag:s29] =	ssyncset.done $0x0  }
0x82: {  	s19 =	sadd.s32 $0x13920, s0;
	[sflag:s29] =	ssyncadd.s32 $0xFFFFD800  }
0x83: {  	[tilespmem:s26], [sflag:$0x3] =	stream.indirect.gather [hbm4b:s1+s22], $0x80, s19, s22, $0xb8;
	[tilespmem:$0x1FEA0] =	vst v63  }
0x84: {  	_ =	swait.ge [sflag:s28], $0x2800  }
0x85: {  	[sflag:s28] =	ssyncset.done $0x0  }
0x86: {  	s31 =	sadd.s32 $0x15F90, s0;
	[sflag:s28] =	ssyncadd.s32 $0xFFFFD800  }
0x87: {  	[spmem:s3] =	stream.indirect.scatter.add.f32 [tilespmem:s17], [sflag:$0x4], $0x80, s31, s22, $0xb8;
	[tilespmem:$0x1FEA0] =	vst v63  }
0x88: {  	_ =	swait.ge [sflag:s29], $0x2800  }
0x89: {  	[sflag:s29] =	ssyncset.done $0x0  }
0x8a: {  	s23 =	sadd.s32 $0x13970, s0;
	[sflag:s29] =	ssyncadd.s32 $0xFFFFD800  }
0x8b: {  	[tilespmem:s17], [sflag:$0x1] =	stream.indirect.gather [hbm4b:s1+s22], $0x80, s23, s22, $0xb8;
	[tilespmem:$0x1FEA0] =	vst v63  }
0x8c: {  	_ =	swait.ge [sflag:s21], $0x2800  }
0x8d: {  	[sflag:s21] =	ssyncset.done $0x0  }
0x8e: {  	s30 =	sadd.s32 $0x15FE0, s0;
	[sflag:s21] =	ssyncadd.s32 $0xFFFFD800  }
0x8f: {  	[spmem:s3] =	stream.indirect.scatter.add.f32 [tilespmem:s24], [sflag:$0x4], $0x80, s30, s22, $0xb8;
	[tilespmem:$0x1FEA0] =	vst v63  }
0x90: {  	_ =	swait.ge [sflag:s29], $0x2800  }
0x91: {  	[sflag:s29] =	ssyncset.done $0x0  }
0x92: {  	s31 =	sadd.s32 $0x139C0, s0;
	[sflag:s29] =	ssyncadd.s32 $0xFFFFD800  }
0x93: {  	[tilespmem:s24], [sflag:$0x2] =	stream.indirect.gather [hbm4b:s1+s22], $0x80, s31, s22, $0xb8;
	[tilespmem:$0x1FEA0] =	vst v63  }
0x94: {  	_ =	swait.ge [sflag:s20], $0x2800  }
0x95: {  	[sflag:s20] =	ssyncset.done $0x0  }
0x96: {  	s19 =	sadd.s32 $0x16030, s0;
	[sflag:s20] =	ssyncadd.s32 $0xFFFFD800  }
0x97: {  	[spmem:s3] =	stream.indirect.scatter.add.f32 [tilespmem:s26], [sflag:$0x4], $0x80, s19, s22, $0xb8;
	[tilespmem:$0x1FEA0] =	vst v63  }
0x98: {  	_ =	swait.ge [sflag:s29], $0x2800  }
0x99: {  	[sflag:s29] =	ssyncset.done $0x0  }
0x9a: {  	[sflag:s29] =	ssyncadd.s32 $0xFFFFD800  }
0x9b: {  	_ =	swait.ge [sflag:s28], $0x2800  }
0x9c: {  	[sflag:s28] =	ssyncset.done $0x0  }
0x9d: {  	s23 =	simm.s32 $0x18600;
	[sflag:s28] =	ssyncadd.s32 $0xFFFFD800  }
0x9e: {  	[spmem:s3] =	stream.indirect.scatter.add.f32 [tilespmem:s17], [sflag:$0x4], $0x80, s23, s22, $0xb8;
	[tilespmem:$0x1FEA0] =	vst v63  }
0x9f: {  	_ =	swait.ge [sflag:s29], $0x2800  }
0xa0: {  	[sflag:s29] =	ssyncset.done $0x0  }
0xa1: {  	[sflag:s29] =	ssyncadd.s32 $0xFFFFD800  }
0xa2: {  	_ =	swait.ge [sflag:s21], $0x2800  }
0xa3: {  	[sflag:s21] =	ssyncset.done $0x0  }
0xa4: {  	s30 =	simm.s32 $0x18650;
	[sflag:s21] =	ssyncadd.s32 $0xFFFFD800  }
0xa5: {  	[spmem:s3] =	stream.indirect.scatter.add.f32 [tilespmem:s24], [sflag:$0x4], $0x80, s30, s22, $0xb8;
	[tilespmem:$0x1FEA0] =	vst v63  }
0xa6: {  	_ =	swait.ge [sflag:s29], $0x2800  }
0xa7: {  	s2 =	sadd.s32 $0x1, s2;
	s31 =	stileid.u32;
	[sflag:s29] =	ssyncset.done $0x0  }
0xa8: {  	p0 =	sne.s32 s2, s10;
	s0 =	sshll.u32 s31, $0x6;
	[sflag:s29] =	ssyncadd.s32 $0xFFFFD800  }
.Ltmp2:
0xa9: {  	s0 =	sor.u32 $0x1C04, s0;
	[bflag:$0x0] =	sbarrier.arrive $0xFFFF;
	(pc) =	sbr.rel @p0 .LBB2_1-.Ltmp2, $4  }
0xaa: {  	[hbm:s9], [sflag:s0] =	dma.local [spmem:s25], $0x2710  }
0xab: {  	_ =	swait.ge [sflag:s29], $0x2710  }
0xac: {  	[sflag:s29] =	ssyncset.done $0x0  }
0xad: {  	[sflag:s29] =	ssyncadd.s32 $0xFFFFD8F0  }
0xae: {  	_ =	sfence.sel $0x180000  }
0xaf: {  	[bflag:$0x0] =	sbarrier.arrive $0xFFFF  }
0xb0: {  	_ =	strace $0x9000004A  }
0xb1: {  	s0 =	stileid.u32;
	[bflag:$0x2] =	sbarrier.arrive $0xFFFF  }
0xb2: {  	p0 =	sne.s32 s0, $0x0;
	s0 =	rddreg [dreg:$0x3]  }
0xb3: {  	s0 =	sadd.s32 @!p0 $0x100000, s0  }
0xb4: {  	[sflag:s0] =	ssyncadd.tile.s32 @!p0 $0x1;
	_ =	shalt  }
.Lfunc_end2:
_tile_overlayer_lowered:
.L_overlay_start_2:
0xb5: {  	(tag) =	ssettag $0x2  }
0xb6: {  	s0 =	rddreg [dreg:$0x0];
	s2 =	stileid.u32  }
0xb7: {  	s1 =	rddreg [dreg:$0x1];
	p0 =	sne.s32 s2, $0x0  }
0xb8: {  	s3 =	rddreg [dreg:$0x2];
	[bflag:$0x3] =	sbarrier.arrive $0xFFFF;
	s2 =	simm.s32 @!p0 $0x1C04  }
0xb9: {  	[timem:s3], [sflag:s2] =	dma.local @!p0 [hbm:s0], s1  }
0xba: {  	s0 =	simm.s32 @!p0 $0x4  }
0xbb: {  	_ =	swait.ge @!p0 [sflag:s0], s1  }
0xbc: {  	s1 =	ssub.s32 @!p0 $0x0, s1;
	[sflag:s0] =	ssyncset.done @!p0 $0x0  }
0xbd: {  	[sflag:s0] =	ssyncadd.s32 @!p0 s1  }
0xbe: {  	[bflag:$0x3] =	sbarrier.arrive $0xFFFF  }
0xbf: {  	_ =	shalt  }

// kernel: kernel.14.cloned.1.call-start
scs
__scs_entry_jumppad:
0x0: {  	(pc) =	sbr.rel $0x88, $3  }
0x1: {  	(tag) =	ssettag $0x0;
	lr =	simm.s32 $0x1  }
0x2: {  	[smem:$0x3F93] =	sst lr;
	_ =	strace $0xD0000000  }
0x3: {  	_ = 	snop  }
0x4: {  	_ = 	snop  }
0x5: {  	_ = 	snop  }
0x6: {  	_ = 	snop  }
0x7: {  	_ = 	snop  }
__scs_overlays_trampoline_lowered:
0x8: {  	[smem:$0x3FA2] =	sst s0  }
0x9: {  	[smem:$0x3FA3] =	sst s1  }
0xa: {  	[smem:$0x3FA4] =	sst s2  }
0xb: {  	[smem:$0x3FA5] =	sst s3  }
0xc: {  	[smem:$0x3FA6] =	sst s4  }
0xd: {  	[smem:$0x3FA7] =	sst s5  }
0xe: {  	[smem:$0x3FA8] =	sst s6  }
0xf: {  	[smem:$0x3FA9] =	sst s7  }
0x10: {  	[smem:$0x3FAA] =	sst s8  }
0x11: {  	[smem:$0x3FAB] =	sst s9;
	s0 =	simm.s32 @!p0 $0x0  }
0x12: {  	s1 =	sld [smem:$0x3F91];
	s0 =	simm.s32 @p0 $0x1  }
0x13: {  	[smem:$0x3FAC] =	sst s0;
	s0 =	simm.s32 @!p1 $0x0  }
0x14: {  	s2 =	sld [smem:$0x3F90];
	s0 =	simm.s32 @p1 $0x1  }
0x15: {  	[smem:$0x3FAD] =	sst s0;
	s0 =	simm.s32 @!p2 $0x0  }
0x16: {  	s3 =	sld [smem:$0x3FDB];
	s0 =	simm.s32 @p2 $0x1  }
0x17: {  	s4 =	simm.s32 $0x1BF5;
	[smem:$0x3FAF] =	sst s0  }
0x18: {  	s0 =	sld [smem:$0x3F92];
	_ =	swait.ge [sflag:s4], $0x0  }
0x19: {  	s7 =	sld [smem:$0x3F93]  }
0x1a: {  	s8 =	sadd.s32 $0xFFFFE003, lr  }
0x1b: {  	s9 =	sadd.s32 $0xFFFFFEF7, lr;
	s5 =	simm.s32 $0xFFFFFFFF;
	p2 =	slt.u32 s8, $0xFFFFF086  }
0x1c: {  	p1 =	slt.u32 s9, $0xF7A;
	s5 =	simm.s32 @!p2 $0x0  }
0x1d: {  	s5 =	simm.s32 @p1 $0x1;
	p0 =	seq.s32 s7, s2  }
0x1e: {  	s7 =	smul.u32 @!p0 $0xF7A, s2;
	p2 =	seq.s32 @!p0 s5, $0x0  }
0x1f: {  	s9 =	smul.u32 $0xF7A, s1;
	s8 =	simm.s32 @!p0 $0x1BF5;
	p2 =	por !p2, p0  }
0x20: {  	[sflag:s8] =	ssyncset.s32 @!p0 $0xFFFFF086;
	s6 =	sadd.s32 @!p0 s3, s7;
	s7 =	simm.s32 @!p0 $0x108  }
0x21: {  	s3 =	sadd.s32 s3, s9;
	s6 =	sadd.s32 @!p0 $0x88, s6;
	s7 =	simm.s32 @p2 $0x1082  }
0x22: {  	[simem:s7], [sflag:s8] =	dma.local @!p0 [hbm:s6], $0xF7A  }
0x23: {  	s9 =	sor.u32 $0xD0000000, s2;
	s6 =	simm.s32 $0x108;
	_ =	swait.ge @!p0 [sflag:s8], $0x0  }
0x24: {  	s3 =	sadd.s32 $0x88, s3;
	s6 =	simm.s32 @!p1 $0x1082;
	[sflag:s4] =	ssyncset.s32 $0xFFFFF086  }
0x25: {  	[simem:s6], [sflag:s4] =	dma.local [hbm:s3], $0xF7A  }
0x26: {  	[smem:$0x3F93] =	sst s1;
	(tag) =	ssettag s2;
	_ =	strace s9  }
0x27: {  	s1 =	sld [smem:$0x3FA3]  }
0x28: {  	s2 =	sld [smem:$0x3FA4]  }
0x29: {  	s4 =	sld [smem:$0x3FA6]  }
0x2a: {  	p0 =	seq.s32 s5, $0x0;
	s5 =	sld [smem:$0x3FA7]  }
0x2b: {  	s6 =	sld [smem:$0x3FA8]  }
0x2c: {  	s7 =	sld [smem:$0x3FA9]  }
0x2d: {  	s3 =	simm.s32 $0x108;
	s8 =	sld [smem:$0x3FAA]  }
0x2e: {  	s3 =	simm.s32 @!p0 $0x1082;
	s9 =	sld [smem:$0x3FAB]  }
0x2f: {  	lr =	sadd.s32 s0, s3;
	s0 =	sld [smem:$0x3FA2]  }
0x30: {  	s3 =	sld [smem:$0x3FA5]  }
0x31: {  	[smem:$0x3FAE] =	sst s10  }
0x32: {  	s10 =	sld [smem:$0x3FAC];
	_ =	sdelay $0x3  }
0x33: {  	p0 =	seq.s32 s10, $0x1;
	s10 =	sld [smem:$0x3FAE];
	_ =	sdelay $0x3  }
0x34: {  	[smem:$0x3FAE] =	sst s10  }
0x35: {  	s10 =	sld [smem:$0x3FAD];
	_ =	sdelay $0x3  }
0x36: {  	p1 =	seq.s32 s10, $0x1;
	s10 =	sld [smem:$0x3FAE];
	_ =	sdelay $0x3  }
0x37: {  	[smem:$0x3FAE] =	sst s10  }
0x38: {  	s10 =	sld [smem:$0x3FAF]  }
0x39: {  	_ = 	snop;
	(pc) =	sbr.ind lr, $3  }
0x3a: {  	_ = 	snop  }
0x3b: {  	_ = 	snop  }
0x3c: {  	p2 =	seq.s32 s10, $0x1;
	s10 =	sld [smem:$0x3FAE]  }
0x3d: {  	_ =	shalt  }
0x3e: {  	_ =	shalt  }
0x3f: {  	_ =	shalt  }
0x40: {  	_ =	shalt  }
0x41: {  	_ =	shalt  }
0x42: {  	_ =	shalt  }
0x43: {  	_ =	shalt  }
0x44: {  	_ =	shalt  }
0x45: {  	_ =	shalt  }
0x46: {  	_ =	shalt  }
0x47: {  	_ =	shalt  }
0x48: {  	_ =	shalt  }
0x49: {  	_ =	shalt  }
0x4a: {  	_ =	shalt  }
0x4b: {  	_ =	shalt  }
0x4c: {  	_ =	shalt  }
0x4d: {  	_ =	shalt  }
0x4e: {  	_ =	shalt  }
0x4f: {  	_ =	shalt  }
0x50: {  	_ =	shalt  }
0x51: {  	_ =	shalt  }
0x52: {  	_ =	shalt  }
0x53: {  	_ =	shalt  }
0x54: {  	_ =	shalt  }
0x55: {  	_ =	shalt  }
0x56: {  	_ =	shalt  }
0x57: {  	_ =	shalt  }
0x58: {  	_ =	shalt  }
0x59: {  	_ =	shalt  }
0x5a: {  	_ =	shalt  }
0x5b: {  	_ =	shalt  }
0x5c: {  	_ =	shalt  }
0x5d: {  	_ =	shalt  }
0x5e: {  	_ =	shalt  }
0x5f: {  	_ =	shalt  }
0x60: {  	_ =	shalt  }
0x61: {  	_ =	shalt  }
0x62: {  	_ =	shalt  }
0x63: {  	_ =	shalt  }
0x64: {  	_ =	shalt  }
0x65: {  	_ =	shalt  }
0x66: {  	_ =	shalt  }
0x67: {  	_ =	shalt  }
0x68: {  	_ =	shalt  }
0x69: {  	_ =	shalt  }
0x6a: {  	_ =	shalt  }
0x6b: {  	_ =	shalt  }
0x6c: {  	_ =	shalt  }
0x6d: {  	_ =	shalt  }
0x6e: {  	_ =	shalt  }
0x6f: {  	_ =	shalt  }
0x70: {  	_ =	shalt  }
0x71: {  	_ =	shalt  }
0x72: {  	_ =	shalt  }
0x73: {  	_ =	shalt  }
0x74: {  	_ =	shalt  }
0x75: {  	_ =	shalt  }
0x76: {  	_ =	shalt  }
0x77: {  	_ =	shalt  }
0x78: {  	_ =	shalt  }
0x79: {  	_ =	shalt  }
0x7a: {  	_ =	shalt  }
0x7b: {  	_ =	shalt  }
0x7c: {  	_ =	shalt  }
0x7d: {  	_ =	shalt  }
0x7e: {  	_ =	shalt  }
0x7f: {  	_ =	shalt  }
0x80: {  	_ =	shalt  }
0x81: {  	_ =	shalt  }
0x82: {  	_ =	shalt  }
0x83: {  	_ =	shalt  }
0x84: {  	_ =	shalt  }
0x85: {  	_ =	shalt  }
0x86: {  	_ =	shalt  }
0x87: {  	_ =	shalt  }
.Lfunc_end0:
.L_simem_size_0:
called_computation.2_lowered:
.L_overlay_start_0:
0x88: {  	s2 =	sld [smem:$0x3FD9]  }
0x89: {  	s3 =	sld [smem:$0x3FFE];
	_ =	sdelay $0x1  }
0x8a: {  	s1 =	srdreg.scid  }
0x8b: {  	s0 =	sand.u32 $0x1, s1  }
0x8c: {  	s17 =	sshll.u32 s0, $0xA;
	s2 =	sadd.s32 s3, s2  }
0x8d: {  	s2 =	sadd.s32 s2, s17  }
0x8e: {  	[smem:$0x3FBA] =	sst s2  }
0x8f: {  	_ = 	snop  }
0x90: {  	s2 =	sld [smem:$0x3FD0];
	(tm) =	ssettm $0x1  }
0x91: {  	s18 =	sld [smem:$0x3FFB];
	_ =	sdelay $0x3  }
0x92: {  	_ =	strace s18  }
0x93: {  	s3 =	sld [smem:$0x3FFC];
	_ =	sdelay $0x3  }
0x94: {  	_ =	strace s3  }
0x95: {  	s3 =	sld [smem:$0x3FFD];
	_ =	sdelay $0x3  }
0x96: {  	_ =	strace s3  }
0x97: {  	_ =	strace $0x8FFFFFFF  }
0x98: {  	s19 =	sld [smem:$0x3FDB];
	_ =	sdelay $0x1  }
0x99: {  	s4 =	simm.s32 $_scs_section_size  }
0x9a: {  	s5 =	simm.s32 $_size__tile_overlayer_lowered;
	s6 =	simm.s32 $_tile_overlayer_lowered  }
0x9b: {  	s22 =	simm.s32 $0x1BFF;
	s21 =	sshll.u32 s6, $0x1;
	s3 =	sadd.s32 s4, s19  }
0x9c: {  	s7 =	simm.s32 $0x0;
	s20 =	sshll.u32 s5, $0x1;
	s5 =	sadd.s32 s21, s3  }
0x9d: {  	[timem:s7], [sflag:s22] =	dma.local [hbm:s5], s20  }
0x9e: {  	_ =	swait.ge [sflag:s22], s20  }
0x9f: {  	s4 =	ssub.s32 $0x0, s20;
	[sflag:s22] =	ssyncset.done $0x0  }
0xa0: {  	[sflag:s22] =	ssyncadd.s32 s4;
	_ =	sdelay $0x1  }
0xa1: {  	s23 =	simm.s32 $0x1B8B  }
0xa2: {  	_ =	swait.ge [sflag:s23], $0x1  }
0xa3: {  	[sflag:s23] =	ssyncset.done $0x0  }
0xa4: {  	s25 =	simm.s32 $0x1B8E;
	s24 =	sld [smem:$0x3FFE];
	[sflag:s23] =	ssyncadd.s32 $0xFFFFFFFF  }
0xa5: {  	s26 =	simm.s32 $execute0_lowered;
	[smem:$0x3FD2] =	sst s25  }
0xa6: {  	s5 =	sshll.u32 s26, $0x1;
	_ =	strace $0x8000004C;
	[dreg:$0x1] =	wrdreg $0xFFFFFFFF  }
0xa7: {  	s28 =	simm.s32 $_size_execute0_lowered;
	s3 =	sadd.s32 s3, s5;
	[dreg:$0x0] =	wrdreg $0x0  }
0xa8: {  	s5 =	sshll.u32 s28, $0x1;
	[dreg:$0x2] =	wrdreg s3  }
0xa9: {  	[dreg:$0x3] =	wrdreg s5  }
0xaa: {  	[dreg:$0x4] =	wrdreg $0xC0  }
0xab: {  	_ =	task [dreg:s7], $0x5FFFF  }
0xac: {  	[dreg:$0x1] =	wrdreg $0xFFFFFFFF  }
0xad: {  	[dreg:$0x0] =	wrdreg $0x60  }
0xae: {  	[dreg:$0x2] =	wrdreg s2  }
0xaf: {  	[dreg:$0x3] =	wrdreg s24  }
0xb0: {  	[dreg:$0x4] =	wrdreg $0x0  }
0xb1: {  	[dreg:$0x5] =	wrdreg $0x9  }
0xb2: {  	_ =	task.clear_ibuf [dreg:s7], $0x6FFFF;
	_ =	strace $0x9000004C  }
0xb3: {  	s29 =	simm.s32 $0x9;
	_ =	strace $0x8000004E  }
0xb4: {  	_ =	swait.ge [sflag:s29], $0x1  }
0xb5: {  	[sflag:s29] =	ssyncadd.s32 $0xFFFFFFFF  }
0xb6: {  	_ =	strace $0x9000004E  }
0xb7: {  	_ =	sfence  }
0xb8: {  	s30 =	sld [smem:$0x0];
	_ =	sdelay $0x2  }
0xb9: {  	s31 =	sshll.u32 s1, $0xD;
	s1 =	sshrl.u32 s1, $0x2  }
0xba: {  	s3 =	sand.u32 $0x4000, s31;
	s1 =	sadd.s32 s1, s30  }
0xbb: {  	s0 =	sor.u32 s3, s0;
	s1 =	sshll.u32 s1, $0x11  }
0xbc: {  	s0 =	sor.u32 s1, s0  }
0xbd: {  	s0 =	sadd.s32 $0x8F2B, s0  }
0xbe: {  	[sflag:s0] =	ssyncadd.remote.s32 $0x1  }
0xbf: {  	_ =	sfence.sel $0xFFFF  }
0xc0: {  	[dreg:$0x0] =	wrdreg $0xFFFFFFFF;
	(pc) =	sbr.abs _section_cstart, $3  }
0xc1: {  	[dreg:$0x1] =	wrdreg $0xFFFFFFFF  }
0xc2: {  	_ =	task.clear_ibuf [dreg:s7], $0x2FFFF;
	_ =	strace $0x9FFFFFFF  }
0xc3: {  	(tm) =	ssettm $0x7FFFFFFF  }
tec
execute0_lowered:
.L_overlay_start_1:
0x0: {  	(tag) =	ssettag $0x1  }
0x1: {  	s1 =	rddreg [dreg:$0x0]  }
0x2: {  	s0 =	srdreg.scid;
	s5 =	rddreg [dreg:$0x1]  }
0x3: {  	s7 =	stileid.u32;
	s3 =	rddreg [dreg:$0x2];
	s4 =	simm.s32 $0x0  }
0x4: {  	s17 =	simm.s32 $0x186A0;
	s18 =	simm.s32 $0x13880;
	s20 =	simm.s32 $0x3  }
0x5: {  	s21 =	simm.s32 $0x2;
	s22 =	simm.s32 $0x50;
	s24 =	simm.s32 $0x1AEA0  }
0x6: {  	s26 =	simm.s32 $0x1D6A0;
	s28 =	simm.s32 $0x1;
	s29 =	simm.s32 $0x4  }
0x7: {  	s0 =	sand.u32 $0x1, s0;
	[smem:$0x7FF] =	sst s4;
	s10 =	smul.u32 $0x13880, s7  }
0x8: {  	s2 =	sshll.u32 s0, $0x4;
	s6 =	smul.u32 $0x138800, s0;
	_ =	strace $0x8000004D  }
0x9: {  	s0 =	ssub.s32 $0x2, s0;
	s2 =	sor.u32 s7, s2;
	s7 =	smul.u32 $0x4E200, s7  }
0xa: {  	s8 =	sshrl.u32 s0, $0x1;
	s31 =	sadd.s32 s10, s3;
	s2 =	smul.u32 $0x2710, s2  }
0xb: {  	s6 =	sadd.s32 s10, s6;
	s0 =	ssub.s32 s0, s8;
	s25 =	sshrl.u32 s31, $0x3  }
0xc: {  	s6 =	sshrl.u32 s6, $0x3;
	s7 =	sshrl.u32 s7, $0x2;
	s2 =	sshrl.u32 s2, $0x3  }
0xd: {  	s9 =	sadd.s32 s6, s5;
	s2 =	sadd.s32 s2, s5;
	s5 =	sadd.s32 s7, s3  }
0xe: {  	s10 =	smax.u32 s0, $0x1;
	s9 =	sadd.s32 $0x17600, s9;
	s6 =	sadd.s32 $0x11800, s5  }
0xf: {  	s7 =	sadd.s32 $0x3C00, s2;
	s8 =	sadd.s32 $0xD840, s2;
	s11 =	sadd.s32 $0x2800, s5  }
0x10: {  	s12 =	sadd.s32 $0x5000, s5;
	s13 =	sadd.s32 $0x7800, s5;
	s14 =	sadd.s32 $0xA000, s5  }
0x11: {  	v0 =	vimm.f32 $0.0e+00;
	s15 =	sadd.s32 $0xC800, s5;
	s16 =	sadd.s32 $0xF000, s5;
	s2 =	simm.s32 $0x0  }
.LBB2_1:
0x12: {  	s0 =	sand.u32 $0xFE00, s4  }
0x13: {  	s19 =	sand.u32 $0x70, s4;
	s23 =	sshrl.u32 s0, $0x2  }
0x14: {  	s0 =	simm.s32 $0x40;
	s23 =	sor.u32 s19, s23;
	s19 =	simm.s32 $0x0  }
.LBB2_2:
0x15: {  	p0 =	sne.s32 s0, $0x9FC0  }
0x16: {  	[tilespmem:s23+$0x186A0] =	vst v0;
	s19 =	sadd.s32 $0x10, s19;
	s23 =	smov.u32 s0;
	s0 =	sadd.s32 $0x40, s0  }
.Ltmp0:
0x17: {  	(pc) =	sbr.rel @p0 .LBB2_2-.Ltmp0, $4  }
0x18: {  	_ = 	snop  }
0x19: {  	s23 =	sand.u32 $0xFE00, s23  }
0x1a: {  	s30 =	sand.u32 $0x70, s19;
	s23 =	sshrl.u32 s23, $0x2  }
0x1b: {  	s23 =	sor.u32 s30, s23  }
0x1c: {  	[tilespmem:s23+$0x186A0] =	vst v0  }
0x1d: {  	[spmem:s5] =	stream.linear.scatter [tilespmem:s17], [sflag:$0x2], $0x2800, $0x38;
	[tilespmem:$0x1FEA0] =	vst v63  }
0x1e: {  	_ = 	snop  }
0x1f: {  	[spmem:s11] =	stream.linear.scatter [tilespmem:s17], [sflag:$0x2], $0x2800, $0x38;
	[tilespmem:$0x1FEA0] =	vst v63  }
0x20: {  	_ = 	snop  }
0x21: {  	[spmem:s12] =	stream.linear.scatter [tilespmem:s17], [sflag:$0x2], $0x2800, $0x38;
	[tilespmem:$0x1FEA0] =	vst v63  }
0x22: {  	_ = 	snop  }
0x23: {  	[spmem:s13] =	stream.linear.scatter [tilespmem:s17], [sflag:$0x2], $0x2800, $0x38;
	[tilespmem:$0x1FEA0] =	vst v63  }
0x24: {  	_ = 	snop  }
0x25: {  	[spmem:s14] =	stream.linear.scatter [tilespmem:s17], [sflag:$0x2], $0x2800, $0x38;
	[tilespmem:$0x1FEA0] =	vst v63  }
0x26: {  	_ = 	snop  }
0x27: {  	[spmem:s15] =	stream.linear.scatter [tilespmem:s17], [sflag:$0x2], $0x2800, $0x38;
	[tilespmem:$0x1FEA0] =	vst v63  }
0x28: {  	_ = 	snop  }
0x29: {  	[spmem:s16] =	stream.linear.scatter [tilespmem:s17], [sflag:$0x2], $0x2800, $0x38;
	[tilespmem:$0x1FEA0] =	vst v63  }
0x2a: {  	_ = 	snop  }
0x2b: {  	[spmem:s6] =	stream.linear.scatter [tilespmem:s17], [sflag:$0x2], $0x2080, $0x38;
	[tilespmem:$0x1FEA0] =	vst v63  }
0x2c: {  	s0 =	simm.s32 $0x0  }
0x2d: {  	[tilespmem:s18], [sflag:$0x3] =	stream.linear.gather [hbm4b:s7+s0], $0x2710, $0x38;
	[tilespmem:$0x1FEA0] =	vst v63  }
0x2e: {  	s19 =	simm.s32 $0x15F90  }
0x2f: {  	[tilespmem:s19], [sflag:$0x3] =	stream.linear.gather [hbm4b:s8+s0], $0x2710, $0x38;
	[tilespmem:$0x1FEA0] =	vst v63  }
0x30: {  	_ =	swait.ge [sflag:s20], $0x2710  }
0x31: {  	[sflag:s20] =	ssyncset.done $0x0  }
0x32: {  	[sflag:s20] =	ssyncadd.s32 $0xFFFFD8F0  }
0x33: {  	_ =	swait.ge [sflag:s20], $0x2710  }
0x34: {  	[sflag:s20] =	ssyncset.done $0x0  }
0x35: {  	[sflag:s20] =	ssyncadd.s32 $0xFFFFD8F0  }
0x36: {  	_ =	swait.ge [sflag:s21], $0x2800  }
0x37: {  	[sflag:s21] =	ssyncset.done $0x0  }
0x38: {  	[sflag:s21] =	ssyncadd.s32 $0xFFFFD800  }
0x39: {  	_ =	swait.ge [sflag:s21], $0x2800  }
0x3a: {  	[sflag:s21] =	ssyncset.done $0x0  }
0x3b: {  	[sflag:s21] =	ssyncadd.s32 $0xFFFFD800  }
0x3c: {  	_ =	swait.ge [sflag:s21], $0x2800  }
0x3d: {  	[sflag:s21] =	ssyncset.done $0x0  }
0x3e: {  	[sflag:s21] =	ssyncadd.s32 $0xFFFFD800  }
0x3f: {  	_ =	swait.ge [sflag:s21], $0x2800  }
0x40: {  	[sflag:s21] =	ssyncset.done $0x0  }
0x41: {  	[sflag:s21] =	ssyncadd.s32 $0xFFFFD800  }
0x42: {  	_ =	swait.ge [sflag:s21], $0x2800  }
0x43: {  	[sflag:s21] =	ssyncset.done $0x0  }
0x44: {  	[sflag:s21] =	ssyncadd.s32 $0xFFFFD800  }
0x45: {  	_ =	swait.ge [sflag:s21], $0x2800  }
0x46: {  	[sflag:s21] =	ssyncset.done $0x0  }
0x47: {  	[sflag:s21] =	ssyncadd.s32 $0xFFFFD800  }
0x48: {  	_ =	swait.ge [sflag:s21], $0x2800  }
0x49: {  	[sflag:s21] =	ssyncset.done $0x0  }
0x4a: {  	[sflag:s21] =	ssyncadd.s32 $0xFFFFD800  }
0x4b: {  	_ =	swait.ge [sflag:s21], $0x2080  }
0x4c: {  	[sflag:s21] =	ssyncset.done $0x0  }
0x4d: {  	[sflag:s21] =	ssyncadd.s32 $0xFFFFDF80  }
0x4e: {  	[tilespmem:s17], [sflag:$0x1] =	stream.indirect.gather [hbm4b:s1+s22], $0x80, s18, s22, $0xb8;
	[tilespmem:$0x1FEA0] =	vst v63  }
0x4f: {  	s23 =	simm.s32 $0x138D0  }
0x50: {  	[tilespmem:s24], [sflag:$0x2] =	stream.indirect.gather [hbm4b:s1+s22], $0x80, s23, s22, $0xb8;
	[tilespmem:$0x1FEA0] =	vst v63  }
0x51: {  	s30 =	simm.s32 $0x13920;
	[bflag:$0x0] =	sbarrier.arrive $0xFFFF  }
0x52: {  	[tilespmem:s26], [sflag:$0x3] =	stream.indirect.gather [hbm4b:s1+s22], $0x80, s30, s22, $0xb8;
	[tilespmem:$0x1FEA0] =	vst v63  }
0x53: {  	_ =	swait.ge [sflag:s28], $0x2800  }
0x54: {  	[sflag:s28] =	ssyncset.done $0x0  }
0x55: {  	s31 =	simm.s32 $0x15F90;
	[sflag:s28] =	ssyncadd.s32 $0xFFFFD800  }
0x56: {  	[spmem:s3] =	stream.indirect.scatter.add.f32 [tilespmem:s17], [sflag:$0x4], $0x80, s31, s22, $0xb8;
	[tilespmem:$0x1FEA0] =	vst v63  }
0x57: {  	_ =	swait.ge [sflag:s29], $0x2800  }
0x58: {  	[sflag:s29] =	ssyncset.done $0x0  }
0x59: {  	s19 =	simm.s32 $0x13970;
	[sflag:s29] =	ssyncadd.s32 $0xFFFFD800  }
0x5a: {  	[tilespmem:s17], [sflag:$0x1] =	stream.indirect.gather [hbm4b:s1+s22], $0x80, s19, s22, $0xb8;
	[tilespmem:$0x1FEA0] =	vst v63  }
0x5b: {  	_ =	swait.ge [sflag:s21], $0x2800  }
0x5c: {  	[sflag:s21] =	ssyncset.done $0x0  }
0x5d: {  	s23 =	simm.s32 $0x15FE0;
	[sflag:s21] =	ssyncadd.s32 $0xFFFFD800  }
0x5e: {  	[spmem:s3] =	stream.indirect.scatter.add.f32 [tilespmem:s24], [sflag:$0x4], $0x80, s23, s22, $0xb8;
	[tilespmem:$0x1FEA0] =	vst v63  }
0x5f: {  	_ =	swait.ge [sflag:s29], $0x2800  }
0x60: {  	[sflag:s29] =	ssyncset.done $0x0  }
0x61: {  	s30 =	simm.s32 $0x139C0;
	[sflag:s29] =	ssyncadd.s32 $0xFFFFD800  }
0x62: {  	[tilespmem:s24], [sflag:$0x2] =	stream.indirect.gather [hbm4b:s1+s22], $0x80, s30, s22, $0xb8;
	[tilespmem:$0x1FEA0] =	vst v63  }
0x63: {  	_ =	swait.ge [sflag:s20], $0x2800  }
0x64: {  	[sflag:s20] =	ssyncset.done $0x0  }
0x65: {  	s31 =	simm.s32 $0x16030;
	[sflag:s20] =	ssyncadd.s32 $0xFFFFD800  }
0x66: {  	[spmem:s3] =	stream.indirect.scatter.add.f32 [tilespmem:s26], [sflag:$0x4], $0x80, s31, s22, $0xb8;
	[tilespmem:$0x1FEA0] =	vst v63  }
0x67: {  	_ =	swait.ge [sflag:s29], $0x2800  }
0x68: {  	s0 =	simm.s32 $0xF0;
	s19 =	simm.s32 $0x780;
	[sflag:s29] =	ssyncset.done $0x0  }
.LBB2_4:
0x69: {  	s23 =	sadd.s32 $0x13920, s0  }
0x6a: {  	[sflag:s29] =	ssyncadd.s32 $0xFFFFD800;
	s30 =	smov.u32 s19;
	s31 =	sadd.s32 $0x3C0, s19  }
0x6b: {  	[tilespmem:s26], [sflag:$0x3] =	stream.indirect.gather [hbm4b:s1+s22], $0x80, s23, s22, $0xb8;
	[tilespmem:$0x1FEA0] =	vst v63  }
0x6c: {  	p0 =	sne.s32 s19, $0x9600;
	_ =	swait.ge [sflag:s28], $0x2800  }
0x6d: {  	[sflag:s28] =	ssyncset.done $0x0  }
0x6e: {  	s19 =	sadd.s32 $0x15F90, s0;
	[sflag:s28] =	ssyncadd.s32 $0xFFFFD800  }
0x6f: {  	[spmem:s3] =	stream.indirect.scatter.add.f32 [tilespmem:s17], [sflag:$0x4], $0x80, s19, s22, $0xb8;
	[tilespmem:$0x1FEA0] =	vst v63  }
0x70: {  	_ =	swait.ge [sflag:s29], $0x2800  }
0x71: {  	[sflag:s29] =	ssyncset.done $0x0  }
0x72: {  	s19 =	sadd.s32 $0x13970, s0;
	[sflag:s29] =	ssyncadd.s32 $0xFFFFD800  }
0x73: {  	[tilespmem:s17], [sflag:$0x1] =	stream.indirect.gather [hbm4b:s1+s22], $0x80, s19, s22, $0xb8;
	[tilespmem:$0x1FEA0] =	vst v63  }
0x74: {  	_ =	swait.ge [sflag:s21], $0x2800  }
0x75: {  	[sflag:s21] =	ssyncset.done $0x0  }
0x76: {  	s19 =	sadd.s32 $0x15FE0, s0;
	[sflag:s21] =	ssyncadd.s32 $0xFFFFD800  }
0x77: {  	[spmem:s3] =	stream.indirect.scatter.add.f32 [tilespmem:s24], [sflag:$0x4], $0x80, s19, s22, $0xb8;
	[tilespmem:$0x1FEA0] =	vst v63  }
0x78: {  	_ =	swait.ge [sflag:s29], $0x2800  }
0x79: {  	[sflag:s29] =	ssyncset.done $0x0  }
0x7a: {  	s19 =	sadd.s32 $0x139C0, s0;
	[sflag:s29] =	ssyncadd.s32 $0xFFFFD800  }
0x7b: {  	[tilespmem:s24], [sflag:$0x2] =	stream.indirect.gather [hbm4b:s1+s22], $0x80, s19, s22, $0xb8;
	[tilespmem:$0x1FEA0] =	vst v63  }
0x7c: {  	_ =	swait.ge [sflag:s20], $0x2800  }
.Ltmp1:
0x7d: {  	[sflag:s20] =	ssyncset.done $0x0;
	(pc) =	sbr.rel @p0 .LBB2_4-.Ltmp1, $4  }
0x7e: {  	s0 =	sadd.s32 $0x16030, s0;
	[sflag:s20] =	ssyncadd.s32 $0xFFFFD800  }
0x7f: {  	[spmem:s3] =	stream.indirect.scatter.add.f32 [tilespmem:s26], [sflag:$0x4], $0x80, s0, s22, $0xb8;
	[tilespmem:$0x1FEA0] =	vst v63  }
0x80: {  	_ =	swait.ge [sflag:s29], $0x2800  }
0x81: {  	s19 =	smov.u32 s31;
	s0 =	sshra.s32 s30, $0x2;
	[sflag:s29] =	ssyncset.done $0x0  }
0x82: {  	s19 =	sadd.s32 $0x13920, s0;
	[sflag:s29] =	ssyncadd.s32 $0xFFFFD800  }
0x83: {  	[tilespmem:s26], [sflag:$0x3] =	stream.indirect.gather [hbm4b:s1+s22], $0x80, s19, s22, $0xb8;
	[tilespmem:$0x1FEA0] =	vst v63  }
0x84: {  	_ =	swait.ge [sflag:s28], $0x2800  }
0x85: {  	[sflag:s28] =	ssyncset.done $0x0  }
0x86: {  	s31 =	sadd.s32 $0x15F90, s0;
	[sflag:s28] =	ssyncadd.s32 $0xFFFFD800  }
0x87: {  	[spmem:s3] =	stream.indirect.scatter.add.f32 [tilespmem:s17], [sflag:$0x4], $0x80, s31, s22, $0xb8;
	[tilespmem:$0x1FEA0] =	vst v63  }
0x88: {  	_ =	swait.ge [sflag:s29], $0x2800  }
0x89: {  	[sflag:s29] =	ssyncset.done $0x0  }
0x8a: {  	s23 =	sadd.s32 $0x13970, s0;
	[sflag:s29] =	ssyncadd.s32 $0xFFFFD800  }
0x8b: {  	[tilespmem:s17], [sflag:$0x1] =	stream.indirect.gather [hbm4b:s1+s22], $0x80, s23, s22, $0xb8;
	[tilespmem:$0x1FEA0] =	vst v63  }
0x8c: {  	_ =	swait.ge [sflag:s21], $0x2800  }
0x8d: {  	[sflag:s21] =	ssyncset.done $0x0  }
0x8e: {  	s30 =	sadd.s32 $0x15FE0, s0;
	[sflag:s21] =	ssyncadd.s32 $0xFFFFD800  }
0x8f: {  	[spmem:s3] =	stream.indirect.scatter.add.f32 [tilespmem:s24], [sflag:$0x4], $0x80, s30, s22, $0xb8;
	[tilespmem:$0x1FEA0] =	vst v63  }
0x90: {  	_ =	swait.ge [sflag:s29], $0x2800  }
0x91: {  	[sflag:s29] =	ssyncset.done $0x0  }
0x92: {  	s31 =	sadd.s32 $0x139C0, s0;
	[sflag:s29] =	ssyncadd.s32 $0xFFFFD800  }
0x93: {  	[tilespmem:s24], [sflag:$0x2] =	stream.indirect.gather [hbm4b:s1+s22], $0x80, s31, s22, $0xb8;
	[tilespmem:$0x1FEA0] =	vst v63  }
0x94: {  	_ =	swait.ge [sflag:s20], $0x2800  }
0x95: {  	[sflag:s20] =	ssyncset.done $0x0  }
0x96: {  	s19 =	sadd.s32 $0x16030, s0;
	[sflag:s20] =	ssyncadd.s32 $0xFFFFD800  }
0x97: {  	[spmem:s3] =	stream.indirect.scatter.add.f32 [tilespmem:s26], [sflag:$0x4], $0x80, s19, s22, $0xb8;
	[tilespmem:$0x1FEA0] =	vst v63  }
0x98: {  	_ =	swait.ge [sflag:s29], $0x2800  }
0x99: {  	[sflag:s29] =	ssyncset.done $0x0  }
0x9a: {  	[sflag:s29] =	ssyncadd.s32 $0xFFFFD800  }
0x9b: {  	_ =	swait.ge [sflag:s28], $0x2800  }
0x9c: {  	[sflag:s28] =	ssyncset.done $0x0  }
0x9d: {  	s23 =	simm.s32 $0x18600;
	[sflag:s28] =	ssyncadd.s32 $0xFFFFD800  }
0x9e: {  	[spmem:s3] =	stream.indirect.scatter.add.f32 [tilespmem:s17], [sflag:$0x4], $0x80, s23, s22, $0xb8;
	[tilespmem:$0x1FEA0] =	vst v63  }
0x9f: {  	_ =	swait.ge [sflag:s29], $0x2800  }
0xa0: {  	[sflag:s29] =	ssyncset.done $0x0  }
0xa1: {  	[sflag:s29] =	ssyncadd.s32 $0xFFFFD800  }
0xa2: {  	_ =	swait.ge [sflag:s21], $0x2800  }
0xa3: {  	[sflag:s21] =	ssyncset.done $0x0  }
0xa4: {  	s30 =	simm.s32 $0x18650;
	[sflag:s21] =	ssyncadd.s32 $0xFFFFD800  }
0xa5: {  	[spmem:s3] =	stream.indirect.scatter.add.f32 [tilespmem:s24], [sflag:$0x4], $0x80, s30, s22, $0xb8;
	[tilespmem:$0x1FEA0] =	vst v63  }
0xa6: {  	_ =	swait.ge [sflag:s29], $0x2800  }
0xa7: {  	s2 =	sadd.s32 $0x1, s2;
	s31 =	stileid.u32;
	[sflag:s29] =	ssyncset.done $0x0  }
0xa8: {  	p0 =	sne.s32 s2, s10;
	s0 =	sshll.u32 s31, $0x6;
	[sflag:s29] =	ssyncadd.s32 $0xFFFFD800  }
.Ltmp2:
0xa9: {  	s0 =	sor.u32 $0x1C04, s0;
	[bflag:$0x0] =	sbarrier.arrive $0xFFFF;
	(pc) =	sbr.rel @p0 .LBB2_1-.Ltmp2, $4  }
0xaa: {  	[hbm:s9], [sflag:s0] =	dma.local [spmem:s25], $0x2710  }
0xab: {  	_ =	swait.ge [sflag:s29], $0x2710  }
0xac: {  	[sflag:s29] =	ssyncset.done $0x0  }
0xad: {  	[sflag:s29] =	ssyncadd.s32 $0xFFFFD8F0  }
0xae: {  	_ =	sfence.sel $0x180000  }
0xaf: {  	[bflag:$0x0] =	sbarrier.arrive $0xFFFF  }
0xb0: {  	_ =	strace $0x9000004D  }
0xb1: {  	s0 =	stileid.u32;
	[bflag:$0x2] =	sbarrier.arrive $0xFFFF  }
0xb2: {  	p0 =	sne.s32 s0, $0x0;
	s0 =	rddreg [dreg:$0x3]  }
0xb3: {  	s0 =	sadd.s32 @!p0 $0x100000, s0  }
0xb4: {  	[sflag:s0] =	ssyncadd.tile.s32 @!p0 $0x1;
	_ =	shalt  }
.Lfunc_end2:
_tile_overlayer_lowered:
.L_overlay_start_2:
0xb5: {  	(tag) =	ssettag $0x2  }
0xb6: {  	s0 =	rddreg [dreg:$0x0];
	s2 =	stileid.u32  }
0xb7: {  	s1 =	rddreg [dreg:$0x1];
	p0 =	sne.s32 s2, $0x0  }
0xb8: {  	s3 =	rddreg [dreg:$0x2];
	[bflag:$0x3] =	sbarrier.arrive $0xFFFF;
	s2 =	simm.s32 @!p0 $0x1C04  }
0xb9: {  	[timem:s3], [sflag:s2] =	dma.local @!p0 [hbm:s0], s1  }
0xba: {  	s0 =	simm.s32 @!p0 $0x4  }
0xbb: {  	_ =	swait.ge @!p0 [sflag:s0], s1  }
0xbc: {  	s1 =	ssub.s32 @!p0 $0x0, s1;
	[sflag:s0] =	ssyncset.done @!p0 $0x0  }
0xbd: {  	[sflag:s0] =	ssyncadd.s32 @!p0 s1  }
0xbe: {  	[bflag:$0x3] =	sbarrier.arrive $0xFFFF  }
0xbf: {  	_ =	shalt  }

// kernel: kernel.8.cloned.1.call-start
scs
__scs_entry_jumppad:
0x0: {  	(pc) =	sbr.rel $0x88, $3  }
0x1: {  	(tag) =	ssettag $0x0;
	lr =	simm.s32 $0x1  }
0x2: {  	[smem:$0x3F93] =	sst lr;
	_ =	strace $0xD0000000  }
0x3: {  	_ = 	snop  }
0x4: {  	_ = 	snop  }
0x5: {  	_ = 	snop  }
0x6: {  	_ = 	snop  }
0x7: {  	_ = 	snop  }
__scs_overlays_trampoline_lowered:
0x8: {  	[smem:$0x3FA2] =	sst s0  }
0x9: {  	[smem:$0x3FA3] =	sst s1  }
0xa: {  	[smem:$0x3FA4] =	sst s2  }
0xb: {  	[smem:$0x3FA5] =	sst s3  }
0xc: {  	[smem:$0x3FA6] =	sst s4  }
0xd: {  	[smem:$0x3FA7] =	sst s5  }
0xe: {  	[smem:$0x3FA8] =	sst s6  }
0xf: {  	[smem:$0x3FA9] =	sst s7  }
0x10: {  	[smem:$0x3FAA] =	sst s8  }
0x11: {  	[smem:$0x3FAB] =	sst s9;
	s0 =	simm.s32 @!p0 $0x0  }
0x12: {  	s1 =	sld [smem:$0x3F91];
	s0 =	simm.s32 @p0 $0x1  }
0x13: {  	[smem:$0x3FAC] =	sst s0;
	s0 =	simm.s32 @!p1 $0x0  }
0x14: {  	s2 =	sld [smem:$0x3F90];
	s0 =	simm.s32 @p1 $0x1  }
0x15: {  	[smem:$0x3FAD] =	sst s0;
	s0 =	simm.s32 @!p2 $0x0  }
0x16: {  	s3 =	sld [smem:$0x3FDB];
	s0 =	simm.s32 @p2 $0x1  }
0x17: {  	s4 =	simm.s32 $0x1BF5;
	[smem:$0x3FAF] =	sst s0  }
0x18: {  	s0 =	sld [smem:$0x3F92];
	_ =	swait.ge [sflag:s4], $0x0  }
0x19: {  	s7 =	sld [smem:$0x3F93]  }
0x1a: {  	s8 =	sadd.s32 $0xFFFFE003, lr  }
0x1b: {  	s9 =	sadd.s32 $0xFFFFFEF7, lr;
	s5 =	simm.s32 $0xFFFFFFFF;
	p2 =	slt.u32 s8, $0xFFFFF086  }
0x1c: {  	p1 =	slt.u32 s9, $0xF7A;
	s5 =	simm.s32 @!p2 $0x0  }
0x1d: {  	s5 =	simm.s32 @p1 $0x1;
	p0 =	seq.s32 s7, s2  }
0x1e: {  	s7 =	smul.u32 @!p0 $0xF7A, s2;
	p2 =	seq.s32 @!p0 s5, $0x0  }
0x1f: {  	s9 =	smul.u32 $0xF7A, s1;
	s8 =	simm.s32 @!p0 $0x1BF5;
	p2 =	por !p2, p0  }
0x20: {  	[sflag:s8] =	ssyncset.s32 @!p0 $0xFFFFF086;
	s6 =	sadd.s32 @!p0 s3, s7;
	s7 =	simm.s32 @!p0 $0x108  }
0x21: {  	s3 =	sadd.s32 s3, s9;
	s6 =	sadd.s32 @!p0 $0x88, s6;
	s7 =	simm.s32 @p2 $0x1082  }
0x22: {  	[simem:s7], [sflag:s8] =	dma.local @!p0 [hbm:s6], $0xF7A  }
0x23: {  	s9 =	sor.u32 $0xD0000000, s2;
	s6 =	simm.s32 $0x108;
	_ =	swait.ge @!p0 [sflag:s8], $0x0  }
0x24: {  	s3 =	sadd.s32 $0x88, s3;
	s6 =	simm.s32 @!p1 $0x1082;
	[sflag:s4] =	ssyncset.s32 $0xFFFFF086  }
0x25: {  	[simem:s6], [sflag:s4] =	dma.local [hbm:s3], $0xF7A  }
0x26: {  	[smem:$0x3F93] =	sst s1;
	(tag) =	ssettag s2;
	_ =	strace s9  }
0x27: {  	s1 =	sld [smem:$0x3FA3]  }
0x28: {  	s2 =	sld [smem:$0x3FA4]  }
0x29: {  	s4 =	sld [smem:$0x3FA6]  }
0x2a: {  	p0 =	seq.s32 s5, $0x0;
	s5 =	sld [smem:$0x3FA7]  }
0x2b: {  	s6 =	sld [smem:$0x3FA8]  }
0x2c: {  	s7 =	sld [smem:$0x3FA9]  }
0x2d: {  	s3 =	simm.s32 $0x108;
	s8 =	sld [smem:$0x3FAA]  }
0x2e: {  	s3 =	simm.s32 @!p0 $0x1082;
	s9 =	sld [smem:$0x3FAB]  }
0x2f: {  	lr =	sadd.s32 s0, s3;
	s0 =	sld [smem:$0x3FA2]  }
0x30: {  	s3 =	sld [smem:$0x3FA5]  }
0x31: {  	[smem:$0x3FAE] =	sst s10  }
0x32: {  	s10 =	sld [smem:$0x3FAC];
	_ =	sdelay $0x3  }
0x33: {  	p0 =	seq.s32 s10, $0x1;
	s10 =	sld [smem:$0x3FAE];
	_ =	sdelay $0x3  }
0x34: {  	[smem:$0x3FAE] =	sst s10  }
0x35: {  	s10 =	sld [smem:$0x3FAD];
	_ =	sdelay $0x3  }
0x36: {  	p1 =	seq.s32 s10, $0x1;
	s10 =	sld [smem:$0x3FAE];
	_ =	sdelay $0x3  }
0x37: {  	[smem:$0x3FAE] =	sst s10  }
0x38: {  	s10 =	sld [smem:$0x3FAF]  }
0x39: {  	_ = 	snop;
	(pc) =	sbr.ind lr, $3  }
0x3a: {  	_ = 	snop  }
0x3b: {  	_ = 	snop  }
0x3c: {  	p2 =	seq.s32 s10, $0x1;
	s10 =	sld [smem:$0x3FAE]  }
0x3d: {  	_ =	shalt  }
0x3e: {  	_ =	shalt  }
0x3f: {  	_ =	shalt  }
0x40: {  	_ =	shalt  }
0x41: {  	_ =	shalt  }
0x42: {  	_ =	shalt  }
0x43: {  	_ =	shalt  }
0x44: {  	_ =	shalt  }
0x45: {  	_ =	shalt  }
0x46: {  	_ =	shalt  }
0x47: {  	_ =	shalt  }
0x48: {  	_ =	shalt  }
0x49: {  	_ =	shalt  }
0x4a: {  	_ =	shalt  }
0x4b: {  	_ =	shalt  }
0x4c: {  	_ =	shalt  }
0x4d: {  	_ =	shalt  }
0x4e: {  	_ =	shalt  }
0x4f: {  	_ =	shalt  }
0x50: {  	_ =	shalt  }
0x51: {  	_ =	shalt  }
0x52: {  	_ =	shalt  }
0x53: {  	_ =	shalt  }
0x54: {  	_ =	shalt  }
0x55: {  	_ =	shalt  }
0x56: {  	_ =	shalt  }
0x57: {  	_ =	shalt  }
0x58: {  	_ =	shalt  }
0x59: {  	_ =	shalt  }
0x5a: {  	_ =	shalt  }
0x5b: {  	_ =	shalt  }
0x5c: {  	_ =	shalt  }
0x5d: {  	_ =	shalt  }
0x5e: {  	_ =	shalt  }
0x5f: {  	_ =	shalt  }
0x60: {  	_ =	shalt  }
0x61: {  	_ =	shalt  }
0x62: {  	_ =	shalt  }
0x63: {  	_ =	shalt  }
0x64: {  	_ =	shalt  }
0x65: {  	_ =	shalt  }
0x66: {  	_ =	shalt  }
0x67: {  	_ =	shalt  }
0x68: {  	_ =	shalt  }
0x69: {  	_ =	shalt  }
0x6a: {  	_ =	shalt  }
0x6b: {  	_ =	shalt  }
0x6c: {  	_ =	shalt  }
0x6d: {  	_ =	shalt  }
0x6e: {  	_ =	shalt  }
0x6f: {  	_ =	shalt  }
0x70: {  	_ =	shalt  }
0x71: {  	_ =	shalt  }
0x72: {  	_ =	shalt  }
0x73: {  	_ =	shalt  }
0x74: {  	_ =	shalt  }
0x75: {  	_ =	shalt  }
0x76: {  	_ =	shalt  }
0x77: {  	_ =	shalt  }
0x78: {  	_ =	shalt  }
0x79: {  	_ =	shalt  }
0x7a: {  	_ =	shalt  }
0x7b: {  	_ =	shalt  }
0x7c: {  	_ =	shalt  }
0x7d: {  	_ =	shalt  }
0x7e: {  	_ =	shalt  }
0x7f: {  	_ =	shalt  }
0x80: {  	_ =	shalt  }
0x81: {  	_ =	shalt  }
0x82: {  	_ =	shalt  }
0x83: {  	_ =	shalt  }
0x84: {  	_ =	shalt  }
0x85: {  	_ =	shalt  }
0x86: {  	_ =	shalt  }
0x87: {  	_ =	shalt  }
.Lfunc_end0:
.L_simem_size_0:
called_computation_lowered:
.L_overlay_start_0:
0x88: {  	s2 =	sld [smem:$0x3FD9]  }
0x89: {  	s3 =	sld [smem:$0x3FFE];
	_ =	sdelay $0x1  }
0x8a: {  	s1 =	srdreg.scid  }
0x8b: {  	s0 =	sand.u32 $0x1, s1  }
0x8c: {  	s17 =	sshll.u32 s0, $0xA;
	s2 =	sadd.s32 s3, s2  }
0x8d: {  	s2 =	sadd.s32 s2, s17  }
0x8e: {  	[smem:$0x3FBA] =	sst s2  }
0x8f: {  	_ = 	snop  }
0x90: {  	s2 =	sld [smem:$0x3FD0];
	(tm) =	ssettm $0x1  }
0x91: {  	s18 =	sld [smem:$0x3FFB];
	_ =	sdelay $0x3  }
0x92: {  	_ =	strace s18  }
0x93: {  	s3 =	sld [smem:$0x3FFC];
	_ =	sdelay $0x3  }
0x94: {  	_ =	strace s3  }
0x95: {  	s3 =	sld [smem:$0x3FFD];
	_ =	sdelay $0x3  }
0x96: {  	_ =	strace s3  }
0x97: {  	_ =	strace $0x8FFFFFFF  }
0x98: {  	s19 =	sld [smem:$0x3FDB];
	_ =	sdelay $0x1  }
0x99: {  	s4 =	simm.s32 $_scs_section_size  }
0x9a: {  	s5 =	simm.s32 $_size__tile_overlayer_lowered;
	s6 =	simm.s32 $_tile_overlayer_lowered  }
0x9b: {  	s22 =	simm.s32 $0x1BFF;
	s21 =	sshll.u32 s6, $0x1;
	s3 =	sadd.s32 s4, s19  }
0x9c: {  	s7 =	simm.s32 $0x0;
	s20 =	sshll.u32 s5, $0x1;
	s5 =	sadd.s32 s21, s3  }
0x9d: {  	[timem:s7], [sflag:s22] =	dma.local [hbm:s5], s20  }
0x9e: {  	_ =	swait.ge [sflag:s22], s20  }
0x9f: {  	s4 =	ssub.s32 $0x0, s20;
	[sflag:s22] =	ssyncset.done $0x0  }
0xa0: {  	[sflag:s22] =	ssyncadd.s32 s4;
	_ =	sdelay $0x1  }
0xa1: {  	s23 =	simm.s32 $0x1B8B  }
0xa2: {  	_ =	swait.ge [sflag:s23], $0x1  }
0xa3: {  	[sflag:s23] =	ssyncset.done $0x0  }
0xa4: {  	s25 =	simm.s32 $0x1B8E;
	s24 =	sld [smem:$0x3FFE];
	[sflag:s23] =	ssyncadd.s32 $0xFFFFFFFF  }
0xa5: {  	s26 =	simm.s32 $execute0_lowered;
	[smem:$0x3FD2] =	sst s25  }
0xa6: {  	s5 =	sshll.u32 s26, $0x1;
	_ =	strace $0x80000046;
	[dreg:$0x1] =	wrdreg $0xFFFFFFFF  }
0xa7: {  	s28 =	simm.s32 $_size_execute0_lowered;
	s3 =	sadd.s32 s3, s5;
	[dreg:$0x0] =	wrdreg $0x0  }
0xa8: {  	s5 =	sshll.u32 s28, $0x1;
	[dreg:$0x2] =	wrdreg s3  }
0xa9: {  	[dreg:$0x3] =	wrdreg s5  }
0xaa: {  	[dreg:$0x4] =	wrdreg $0xC0  }
0xab: {  	_ =	task [dreg:s7], $0x5FFFF  }
0xac: {  	[dreg:$0x1] =	wrdreg $0xFFFFFFFF  }
0xad: {  	[dreg:$0x0] =	wrdreg $0x60  }
0xae: {  	[dreg:$0x2] =	wrdreg s24  }
0xaf: {  	[dreg:$0x3] =	wrdreg s2  }
0xb0: {  	[dreg:$0x4] =	wrdreg $0x0  }
0xb1: {  	[dreg:$0x5] =	wrdreg $0x9  }
0xb2: {  	_ =	task.clear_ibuf [dreg:s7], $0x6FFFF;
	_ =	strace $0x90000046  }
0xb3: {  	s29 =	simm.s32 $0x9;
	_ =	strace $0x80000048  }
0xb4: {  	_ =	swait.ge [sflag:s29], $0x1  }
0xb5: {  	[sflag:s29] =	ssyncadd.s32 $0xFFFFFFFF  }
0xb6: {  	_ =	strace $0x90000048  }
0xb7: {  	_ =	sfence  }
0xb8: {  	s30 =	sld [smem:$0x0];
	_ =	sdelay $0x2  }
0xb9: {  	s31 =	sshll.u32 s1, $0xD;
	s1 =	sshrl.u32 s1, $0x2  }
0xba: {  	s3 =	sand.u32 $0x4000, s31;
	s1 =	sadd.s32 s1, s30  }
0xbb: {  	s0 =	sor.u32 s3, s0;
	s1 =	sshll.u32 s1, $0x11  }
0xbc: {  	s0 =	sor.u32 s1, s0  }
0xbd: {  	s0 =	sadd.s32 $0x8F2B, s0  }
0xbe: {  	[sflag:s0] =	ssyncadd.remote.s32 $0x1  }
0xbf: {  	_ =	sfence.sel $0xFFFF  }
0xc0: {  	[dreg:$0x0] =	wrdreg $0xFFFFFFFF;
	(pc) =	sbr.abs _section_cstart, $3  }
0xc1: {  	[dreg:$0x1] =	wrdreg $0xFFFFFFFF  }
0xc2: {  	_ =	task.clear_ibuf [dreg:s7], $0x2FFFF;
	_ =	strace $0x9FFFFFFF  }
0xc3: {  	(tm) =	ssettm $0x7FFFFFFF  }
tec
execute0_lowered:
.L_overlay_start_1:
0x0: {  	(tag) =	ssettag $0x1  }
0x1: {  	s5 =	rddreg [dreg:$0x0]  }
0x2: {  	s0 =	srdreg.scid;
	s9 =	rddreg [dreg:$0x1]  }
0x3: {  	s13 =	stileid.u32;
	s2 =	rddreg [dreg:$0x2];
	s3 =	simm.s32 $0x0  }
0x4: {  	s20 =	simm.s32 $0xDE30;
	s0 =	sand.u32 $0x1, s0;
	s11 =	smul.u32 $0x280, s13  }
0x5: {  	s21 =	simm.s32 $0x3;
	s1 =	sshll.u32 s0, $0x4;
	s7 =	smul.u32 $0x2800, s0  }
0x6: {  	s28 =	simm.s32 $0xDDE0;
	s1 =	sor.u32 s13, s1;
	s13 =	smul.u32 $0xA00, s13  }
0x7: {  	s29 =	simm.s32 $0x1;
	[smem:$0x7FF] =	sst s3;
	s4 =	smul.u32 $0x140, s1  }
0x8: {  	_ =	strace $0x80000047;
	s0 =	ssub.s32 $0x2, s0;
	s6 =	smul.u32 $0xA, s1  }
0x9: {  	s12 =	sshrl.u32 s0, $0x1;
	s31 =	sadd.s32 s11, s2;
	s24 =	smul.u32 $0x2710, s1  }
0xa: {  	s23 =	sadd.s32 s11, s7;
	s0 =	ssub.s32 s0, s12;
	s1 =	smul.u32 $0x1388, s1  }
0xb: {  	s25 =	sshrl.u32 s13, $0x2;
	s11 =	smax.u32 s0, $0x1;
	s8 =	sadd.s32 s4, s5  }
0xc: {  	s10 =	sadd.s32 s6, s5;
	s4 =	sadd.s32 $0x17600, s5;
	s6 =	sshrl.u32 s23, $0x3  }
0xd: {  	s7 =	sshrl.u32 s24, $0x3;
	s1 =	sadd.s32 s9, s1;
	s24 =	simm.s32 $0x2  }
0xe: {  	s14 =	sadd.s32 s6, s5;
	s5 =	sadd.s32 s5, s7;
	s6 =	sadd.s32 s25, s2  }
0xf: {  	s26 =	sadd.s32 $0x1B600, s8;
	s30 =	sadd.s32 $0x3A00, s10;
	[dreg:$0x7] =	wrdreg s1  }
0x10: {  	s25 =	sshrl.u32 s31, $0x3;
	s1 =	simm.s32 $0x0;
	[dreg:$0x5] =	wrdreg s26  }
0x11: {  	s5 =	sadd.s32 $0xD840, s5;
	[dreg:$0x6] =	wrdreg s30;
	s10 =	sadd.s32 $0x1DE00, s14  }
0x12: {  	s12 =	sadd.s32 $0x50, s6;
	s13 =	sadd.s32 $0xA0, s6;
	s14 =	sadd.s32 $0xF0, s6  }
0x13: {  	s15 =	sadd.s32 $0x140, s6;
	s16 =	sadd.s32 $0x190, s6;
	s17 =	sadd.s32 $0x1E0, s6  }
0x14: {  	v0 =	vimm.f32 $1.000000000e+00;
	v1 =	vimm.f32 $0.0e+00;
	s18 =	sadd.s32 $0x230, s6;
	s26 =	simm.s32 $0x50;
	[dreg:$0x4] =	wrdreg s5  }
.LBB2_1:
0x15: {  	s0 =	rddreg [dreg:$0x4];
	s5 =	simm.s32 $0xB6D0  }
0x16: {  	[tilespmem:s5], [sflag:$0x2] =	stream.linear.gather [hbm4b:s0+s3], $0x2710, $0x38;
	[tilespmem:$0xDE80] =	vst v63  }
0x17: {  	[tilespmem:$0xDDE0] =	vst v0  }
0x18: {  	[tilespmem:$0xDE30] =	vst v1  }
0x19: {  	[tilespmem:$0xDDF0] =	vst v0  }
0x1a: {  	[tilespmem:$0xDE40] =	vst v1  }
0x1b: {  	[tilespmem:$0xDE00] =	vst v0  }
0x1c: {  	[tilespmem:$0xDE50] =	vst v1  }
0x1d: {  	[tilespmem:$0xDE10] =	vst v0  }
0x1e: {  	[tilespmem:$0xDE60] =	vst v1  }
0x1f: {  	[tilespmem:$0xDE20] =	vst v0  }
0x20: {  	[tilespmem:$0xDE70] =	vst v1  }
0x21: {  	[spmem:s6] =	stream.linear.scatter [tilespmem:s20], [sflag:$0x3], $0x50, $0x38;
	[tilespmem:$0xDE80] =	vst v63  }
0x22: {  	_ =	swait.ge [sflag:s21], $0x50  }
0x23: {  	[sflag:s21] =	ssyncset.done $0x0  }
0x24: {  	[sflag:s21] =	ssyncadd.s32 $0xFFFFFFB0  }
0x25: {  	[spmem:s12] =	stream.linear.scatter [tilespmem:s20], [sflag:$0x3], $0x50, $0x38;
	[tilespmem:$0xDE80] =	vst v63  }
0x26: {  	_ =	swait.ge [sflag:s21], $0x50  }
0x27: {  	[sflag:s21] =	ssyncset.done $0x0  }
0x28: {  	[sflag:s21] =	ssyncadd.s32 $0xFFFFFFB0  }
0x29: {  	[spmem:s13] =	stream.linear.scatter [tilespmem:s20], [sflag:$0x3], $0x50, $0x38;
	[tilespmem:$0xDE80] =	vst v63  }
0x2a: {  	_ =	swait.ge [sflag:s21], $0x50  }
0x2b: {  	[sflag:s21] =	ssyncset.done $0x0  }
0x2c: {  	[sflag:s21] =	ssyncadd.s32 $0xFFFFFFB0  }
0x2d: {  	[spmem:s14] =	stream.linear.scatter [tilespmem:s20], [sflag:$0x3], $0x50, $0x38;
	[tilespmem:$0xDE80] =	vst v63  }
0x2e: {  	_ =	swait.ge [sflag:s21], $0x50  }
0x2f: {  	[sflag:s21] =	ssyncset.done $0x0  }
0x30: {  	[sflag:s21] =	ssyncadd.s32 $0xFFFFFFB0  }
0x31: {  	[spmem:s15] =	stream.linear.scatter [tilespmem:s20], [sflag:$0x3], $0x50, $0x38;
	[tilespmem:$0xDE80] =	vst v63  }
0x32: {  	_ =	swait.ge [sflag:s21], $0x50  }
0x33: {  	[sflag:s21] =	ssyncset.done $0x0  }
0x34: {  	[sflag:s21] =	ssyncadd.s32 $0xFFFFFFB0  }
0x35: {  	[spmem:s16] =	stream.linear.scatter [tilespmem:s20], [sflag:$0x3], $0x50, $0x38;
	[tilespmem:$0xDE80] =	vst v63  }
0x36: {  	_ =	swait.ge [sflag:s21], $0x50  }
0x37: {  	[sflag:s21] =	ssyncset.done $0x0  }
0x38: {  	[sflag:s21] =	ssyncadd.s32 $0xFFFFFFB0  }
0x39: {  	[spmem:s17] =	stream.linear.scatter [tilespmem:s20], [sflag:$0x3], $0x50, $0x38;
	[tilespmem:$0xDE80] =	vst v63  }
0x3a: {  	_ =	swait.ge [sflag:s21], $0x50  }
0x3b: {  	[sflag:s21] =	ssyncset.done $0x0  }
0x3c: {  	s19 =	smul.u32 $0xCD, s3;
	[sflag:s21] =	ssyncadd.s32 $0xFFFFFFB0  }
0x3d: {  	[spmem:s18] =	stream.linear.scatter [tilespmem:s20], [sflag:$0x3], $0x50, $0x38;
	[tilespmem:$0xDE80] =	vst v63  }
0x3e: {  	_ =	swait.ge [sflag:s21], $0x50  }
0x3f: {  	s9 =	simm.s32 $0x280;
	s0 =	sshrl.u32 s19, $0xA;
	[sflag:s21] =	ssyncset.done $0x0  }
0x40: {  	s22 =	smul.u32 $0x5, s0;
	s8 =	rddreg [dreg:$0x5];
	[sflag:s21] =	ssyncadd.s32 $0xFFFFFFB0  }
0x41: {  	[tilespmem:s9], [sflag:$0x3] =	stream.linear.gather [hbm4b:s8+s3], $0xA00, $0x38;
	[tilespmem:$0xDE80] =	vst v63  }
0x42: {  	s19 =	simm.s32 $0x1;
	_ =	swait.ge [sflag:s21], $0xA00  }
0x43: {  	s0 =	sand.u32 $0x3F, s0;
	s5 =	ssub.s32 $0x0, s22;
	[sflag:s21] =	ssyncset.done $0x0  }
0x44: {  	s8 =	simm.s32 $0xC80;
	s7 =	rddreg [dreg:$0x6];
	[sflag:s21] =	ssyncadd.s32 $0xFFFFF600  }
0x45: {  	[tilespmem:s8], [sflag:$0x3] =	stream.linear.gather [hbm4b:s7+s3], $0x50, $0x38;
	[tilespmem:$0xDE80] =	vst v63  }
0x46: {  	s0 =	smul.u32 $0x50, s0;
	s5 =	sshll.u32 s5, $0x4;
	_ =	swait.ge [sflag:s21], $0x50  }
0x47: {  	s19 =	smul.u32 $0xCD, s19;
	s5 =	sand.u32 $0xF0, s5;
	[sflag:s21] =	ssyncset.done $0x0  }
0x48: {  	s0 =	sadd.s32 s5, s0;
	[sflag:s21] =	ssyncadd.s32 $0xFFFFFFB0  }
0x49: {  	s19 =	sshrl.u32 s19, $0xA;
	s5 =	sor.u32 $0xC80, s5;
	v2 =	vld [tilespmem:s0+$0x280]  }
0x4a: {  	s22 =	smul.u32 $0x5, s19;
	v3 =	vld [tilespmem:s5+$0x0];
	_ =	sdelay $0x1  }
0x4b: {  	s23 =	sand.u32 $0x3F, s19;
	s31 =	ssub.s32 $0x1, s22  }
0x4c: {  	s19 =	sshll.u32 s31, $0x4;
	s31 =	smul.u32 $0x50, s23;
	s5 =	simm.s32 $0x2  }
0x4d: {  	s23 =	sand.u32 $0xF0, s19;
	s30 =	smul.u32 $0xCD, s5  }
0x4e: {  	s22 =	simm.s32 $0x3;
	s19 =	sadd.s32 s23, s31;
	v2 =	vadd.s32 v2, v3  }
.LBB2_2:
0x4f: {  	p0 =	sne.s32 s22, $0x9F;
	s30 =	sshrl.u32 s30, $0xA;
	v3 =	vld [tilespmem:s19+$0x280];
	s23 =	sor.u32 $0xC80, s23;
	[tilespmem:s0+$0xCD0] =	vst v2  }
0x50: {  	s0 =	smov.u32 s19;
	s31 =	smul.u32 $0x5, s30;
	v2 =	vld [tilespmem:s23+$0x0]  }
.Ltmp0:
0x51: {  	(pc) =	sbr.rel @p0 .LBB2_2-.Ltmp0, $4  }
0x52: {  	s19 =	sand.u32 $0x3F, s30;
	s23 =	ssub.s32 s5, s31;
	s5 =	smov.u32 s22  }
0x53: {  	s19 =	smul.u32 $0x50, s19;
	s23 =	sshll.u32 s23, $0x4  }
0x54: {  	s30 =	smul.u32 $0xCD, s22;
	s23 =	sand.u32 $0xF0, s23  }
0x55: {  	s22 =	sadd.s32 $0x1, s22;
	s19 =	sadd.s32 s23, s19;
	v2 =	vadd.s32 v3, v2  }
0x56: {  	s22 =	sshrl.u32 s30, $0xA;
	v3 =	vld [tilespmem:s19+$0x280];
	s23 =	sor.u32 $0xC80, s23;
	[tilespmem:s0+$0xCD0] =	vst v2  }
0x57: {  	s9 =	smul.u32 $0x5, s22;
	v2 =	vld [tilespmem:s23+$0x0];
	_ =	sdelay $0x1  }
0x58: {  	s22 =	sand.u32 $0x3F, s22;
	s0 =	ssub.s32 s5, s9  }
0x59: {  	s23 =	smul.u32 $0x50, s22;
	s0 =	sshll.u32 s0, $0x4  }
0x5a: {  	s0 =	sand.u32 $0xF0, s0  }
0x5b: {  	s5 =	sadd.s32 s0, s23;
	v2 =	vadd.s32 v3, v2  }
0x5c: {  	s0 =	sor.u32 $0xC80, s0;
	v3 =	vld [tilespmem:s5+$0x280];
	[tilespmem:s19+$0xCD0] =	vst v2  }
0x5d: {  	v2 =	vld [tilespmem:s0+$0x0];
	_ =	sdelay $0x4  }
0x5e: {  	v2 =	vadd.s32 v3, v2  }
0x5f: {  	[tilespmem:s5+$0xCD0] =	vst v2  }
0x60: {  	_ =	swait.ge [sflag:s24], $0x2710  }
0x61: {  	[sflag:s24] =	ssyncset.done $0x0  }
0x62: {  	[sflag:s24] =	ssyncadd.s32 $0xFFFFD8F0  }
0x63: {  	s7 =	simm.s32 $0x16D0;
	s8 =	simm.s32 $0xCD0;
	[bflag:$0x0] =	sbarrier.arrive $0xFFFF  }
0x64: {  	[tilespmem:s7], [sflag:$0x1] =	stream.indirect.gather [hbm4b:s4+s26], $0x10, s8, s26, $0xb8;
	[tilespmem:$0xDE80] =	vst v63  }
0x65: {  	s9 =	simm.s32 $0x1BD0;
	s19 =	simm.s32 $0xD20  }
0x66: {  	[tilespmem:s9], [sflag:$0x1] =	stream.indirect.gather [hbm4b:s4+s26], $0x10, s19, s26, $0xb8;
	[tilespmem:$0xDE80] =	vst v63  }
0x67: {  	s22 =	simm.s32 $0x20D0;
	s23 =	simm.s32 $0xD70  }
0x68: {  	[tilespmem:s22], [sflag:$0x1] =	stream.indirect.gather [hbm4b:s4+s26], $0x10, s23, s26, $0xb8;
	[tilespmem:$0xDE80] =	vst v63  }
0x69: {  	s7 =	simm.s32 $0x25D0;
	s8 =	simm.s32 $0xDC0  }
0x6a: {  	[tilespmem:s7], [sflag:$0x1] =	stream.indirect.gather [hbm4b:s4+s26], $0x10, s8, s26, $0xb8;
	[tilespmem:$0xDE80] =	vst v63  }
0x6b: {  	s9 =	simm.s32 $0x2AD0;
	s19 =	simm.s32 $0xE10  }
0x6c: {  	[tilespmem:s9], [sflag:$0x1] =	stream.indirect.gather [hbm4b:s4+s26], $0x10, s19, s26, $0xb8;
	[tilespmem:$0xDE80] =	vst v63  }
0x6d: {  	s22 =	simm.s32 $0x2FD0;
	s23 =	simm.s32 $0xE60  }
0x6e: {  	[tilespmem:s22], [sflag:$0x1] =	stream.indirect.gather [hbm4b:s4+s26], $0x10, s23, s26, $0xb8;
	[tilespmem:$0xDE80] =	vst v63  }
0x6f: {  	s5 =	simm.s32 $0x34D0;
	s7 =	simm.s32 $0xEB0  }
0x70: {  	[tilespmem:s5], [sflag:$0x1] =	stream.indirect.gather [hbm4b:s4+s26], $0x10, s7, s26, $0xb8;
	[tilespmem:$0xDE80] =	vst v63  }
0x71: {  	s8 =	simm.s32 $0x39D0;
	s9 =	simm.s32 $0xF00  }
0x72: {  	[tilespmem:s8], [sflag:$0x1] =	stream.indirect.gather [hbm4b:s4+s26], $0x10, s9, s26, $0xb8;
	[tilespmem:$0xDE80] =	vst v63  }
0x73: {  	s19 =	simm.s32 $0xB6D0  }
0x74: {  	[spmem:s2] =	stream.indirect.scatter.add.f32 [tilespmem:s28], [sflag:$0x2], $0x1, s19, s26, $0xb8;
	[tilespmem:$0xDE80] =	vst v63  }
0x75: {  	s22 =	simm.s32 $0xB720  }
0x76: {  	[spmem:s2] =	stream.indirect.scatter.add.f32 [tilespmem:s28], [sflag:$0x2], $0x1, s22, s26, $0xb8;
	[tilespmem:$0xDE80] =	vst v63  }
0x77: {  	s23 =	simm.s32 $0xB770  }
0x78: {  	[spmem:s2] =	stream.indirect.scatter.add.f32 [tilespmem:s28], [sflag:$0x2], $0x1, s23, s26, $0xb8;
	[tilespmem:$0xDE80] =	vst v63  }
0x79: {  	s5 =	simm.s32 $0xB7C0  }
0x7a: {  	[spmem:s2] =	stream.indirect.scatter.add.f32 [tilespmem:s28], [sflag:$0x2], $0x1, s5, s26, $0xb8;
	[tilespmem:$0xDE80] =	vst v63  }
0x7b: {  	s7 =	simm.s32 $0xB810  }
0x7c: {  	[spmem:s2] =	stream.indirect.scatter.add.f32 [tilespmem:s28], [sflag:$0x2], $0x1, s7, s26, $0xb8;
	[tilespmem:$0xDE80] =	vst v63  }
0x7d: {  	s8 =	simm.s32 $0xB860  }
0x7e: {  	[spmem:s2] =	stream.indirect.scatter.add.f32 [tilespmem:s28], [sflag:$0x2], $0x1, s8, s26, $0xb8;
	[tilespmem:$0xDE80] =	vst v63  }
0x7f: {  	s9 =	simm.s32 $0xB8B0  }
0x80: {  	[spmem:s2] =	stream.indirect.scatter.add.f32 [tilespmem:s28], [sflag:$0x2], $0x1, s9, s26, $0xb8;
	[tilespmem:$0xDE80] =	vst v63  }
0x81: {  	s19 =	simm.s32 $0xB900  }
0x82: {  	[spmem:s2] =	stream.indirect.scatter.add.f32 [tilespmem:s28], [sflag:$0x2], $0x1, s19, s26, $0xb8;
	[tilespmem:$0xDE80] =	vst v63  }
0x83: {  	s22 =	simm.s32 $0xB950  }
0x84: {  	[spmem:s2] =	stream.indirect.scatter.add.f32 [tilespmem:s28], [sflag:$0x2], $0x1, s22, s26, $0xb8;
	[tilespmem:$0xDE80] =	vst v63  }
0x85: {  	s23 =	simm.s32 $0xB9A0  }
0x86: {  	[spmem:s2] =	stream.indirect.scatter.add.f32 [tilespmem:s28], [sflag:$0x2], $0x1, s23, s26, $0xb8;
	[tilespmem:$0xDE80] =	vst v63  }
0x87: {  	s5 =	simm.s32 $0xB9F0  }
0x88: {  	[spmem:s2] =	stream.indirect.scatter.add.f32 [tilespmem:s28], [sflag:$0x2], $0x1, s5, s26, $0xb8;
	[tilespmem:$0xDE80] =	vst v63  }
0x89: {  	s7 =	simm.s32 $0xBA40  }
0x8a: {  	[spmem:s2] =	stream.indirect.scatter.add.f32 [tilespmem:s28], [sflag:$0x2], $0x1, s7, s26, $0xb8;
	[tilespmem:$0xDE80] =	vst v63  }
0x8b: {  	s8 =	simm.s32 $0xBA90  }
0x8c: {  	[spmem:s2] =	stream.indirect.scatter.add.f32 [tilespmem:s28], [sflag:$0x2], $0x1, s8, s26, $0xb8;
	[tilespmem:$0xDE80] =	vst v63  }
0x8d: {  	s9 =	simm.s32 $0xBAE0  }
0x8e: {  	[spmem:s2] =	stream.indirect.scatter.add.f32 [tilespmem:s28], [sflag:$0x2], $0x1, s9, s26, $0xb8;
	[tilespmem:$0xDE80] =	vst v63  }
0x8f: {  	s19 =	simm.s32 $0xBB30  }
0x90: {  	[spmem:s2] =	stream.indirect.scatter.add.f32 [tilespmem:s28], [sflag:$0x2], $0x1, s19, s26, $0xb8;
	[tilespmem:$0xDE80] =	vst v63  }
0x91: {  	s22 =	simm.s32 $0xBB80  }
0x92: {  	[spmem:s2] =	stream.indirect.scatter.add.f32 [tilespmem:s28], [sflag:$0x2], $0x1, s22, s26, $0xb8;
	[tilespmem:$0xDE80] =	vst v63  }
0x93: {  	s23 =	simm.s32 $0xBBD0  }
0x94: {  	[spmem:s2] =	stream.indirect.scatter.add.f32 [tilespmem:s28], [sflag:$0x2], $0x1, s23, s26, $0xb8;
	[tilespmem:$0xDE80] =	vst v63  }
0x95: {  	s5 =	simm.s32 $0xBC20  }
0x96: {  	[spmem:s2] =	stream.indirect.scatter.add.f32 [tilespmem:s28], [sflag:$0x2], $0x1, s5, s26, $0xb8;
	[tilespmem:$0xDE80] =	vst v63  }
0x97: {  	s7 =	simm.s32 $0xBC70  }
0x98: {  	[spmem:s2] =	stream.indirect.scatter.add.f32 [tilespmem:s28], [sflag:$0x2], $0x1, s7, s26, $0xb8;
	[tilespmem:$0xDE80] =	vst v63  }
0x99: {  	s8 =	simm.s32 $0xBCC0  }
0x9a: {  	[spmem:s2] =	stream.indirect.scatter.add.f32 [tilespmem:s28], [sflag:$0x2], $0x1, s8, s26, $0xb8;
	[tilespmem:$0xDE80] =	vst v63  }
0x9b: {  	s9 =	simm.s32 $0xBD10  }
0x9c: {  	[spmem:s2] =	stream.indirect.scatter.add.f32 [tilespmem:s28], [sflag:$0x2], $0x1, s9, s26, $0xb8;
	[tilespmem:$0xDE80] =	vst v63  }
0x9d: {  	s19 =	simm.s32 $0xBD60  }
0x9e: {  	[spmem:s2] =	stream.indirect.scatter.add.f32 [tilespmem:s28], [sflag:$0x2], $0x1, s19, s26, $0xb8;
	[tilespmem:$0xDE80] =	vst v63  }
0x9f: {  	s22 =	simm.s32 $0xBDB0  }
0xa0: {  	[spmem:s2] =	stream.indirect.scatter.add.f32 [tilespmem:s28], [sflag:$0x2], $0x1, s22, s26, $0xb8;
	[tilespmem:$0xDE80] =	vst v63  }
0xa1: {  	s23 =	simm.s32 $0xBE00  }
0xa2: {  	[spmem:s2] =	stream.indirect.scatter.add.f32 [tilespmem:s28], [sflag:$0x2], $0x1, s23, s26, $0xb8;
	[tilespmem:$0xDE80] =	vst v63  }
0xa3: {  	s5 =	simm.s32 $0xBE50  }
0xa4: {  	[spmem:s2] =	stream.indirect.scatter.add.f32 [tilespmem:s28], [sflag:$0x2], $0x1, s5, s26, $0xb8;
	[tilespmem:$0xDE80] =	vst v63  }
0xa5: {  	s7 =	simm.s32 $0xBEA0  }
0xa6: {  	[spmem:s2] =	stream.indirect.scatter.add.f32 [tilespmem:s28], [sflag:$0x2], $0x1, s7, s26, $0xb8;
	[tilespmem:$0xDE80] =	vst v63  }
0xa7: {  	s8 =	simm.s32 $0xBEF0  }
0xa8: {  	[spmem:s2] =	stream.indirect.scatter.add.f32 [tilespmem:s28], [sflag:$0x2], $0x1, s8, s26, $0xb8;
	[tilespmem:$0xDE80] =	vst v63  }
0xa9: {  	s9 =	simm.s32 $0xBF40  }
0xaa: {  	[spmem:s2] =	stream.indirect.scatter.add.f32 [tilespmem:s28], [sflag:$0x2], $0x1, s9, s26, $0xb8;
	[tilespmem:$0xDE80] =	vst v63  }
0xab: {  	s19 =	simm.s32 $0xBF90  }
0xac: {  	[spmem:s2] =	stream.indirect.scatter.add.f32 [tilespmem:s28], [sflag:$0x2], $0x1, s19, s26, $0xb8;
	[tilespmem:$0xDE80] =	vst v63  }
0xad: {  	s22 =	simm.s32 $0xBFE0  }
0xae: {  	[spmem:s2] =	stream.indirect.scatter.add.f32 [tilespmem:s28], [sflag:$0x2], $0x1, s22, s26, $0xb8;
	[tilespmem:$0xDE80] =	vst v63  }
0xaf: {  	s23 =	simm.s32 $0xC030  }
0xb0: {  	[spmem:s2] =	stream.indirect.scatter.add.f32 [tilespmem:s28], [sflag:$0x2], $0x1, s23, s26, $0xb8;
	[tilespmem:$0xDE80] =	vst v63  }
0xb1: {  	_ =	swait.ge [sflag:s29], $0x500  }
0xb2: {  	[sflag:s29] =	ssyncset.done $0x0  }
0xb3: {  	[sflag:s29] =	ssyncadd.s32 $0xFFFFFB00  }
0xb4: {  	_ =	swait.ge [sflag:s29], $0x500  }
0xb5: {  	[sflag:s29] =	ssyncset.done $0x0  }
0xb6: {  	[sflag:s29] =	ssyncadd.s32 $0xFFFFFB00  }
0xb7: {  	_ =	swait.ge [sflag:s29], $0x500  }
0xb8: {  	[sflag:s29] =	ssyncset.done $0x0  }
0xb9: {  	[sflag:s29] =	ssyncadd.s32 $0xFFFFFB00  }
0xba: {  	_ =	swait.ge [sflag:s29], $0x500  }
0xbb: {  	[sflag:s29] =	ssyncset.done $0x0  }
0xbc: {  	[sflag:s29] =	ssyncadd.s32 $0xFFFFFB00  }
0xbd: {  	_ =	swait.ge [sflag:s29], $0x500  }
0xbe: {  	[sflag:s29] =	ssyncset.done $0x0  }
0xbf: {  	[sflag:s29] =	ssyncadd.s32 $0xFFFFFB00  }
0xc0: {  	_ =	swait.ge [sflag:s29], $0x500  }
0xc1: {  	[sflag:s29] =	ssyncset.done $0x0  }
0xc2: {  	[sflag:s29] =	ssyncadd.s32 $0xFFFFFB00  }
0xc3: {  	_ =	swait.ge [sflag:s29], $0x500  }
0xc4: {  	[sflag:s29] =	ssyncset.done $0x0  }
0xc5: {  	s30 =	simm.s32 $0x4D80;
	s31 =	simm.s32 $0x89D0;
	[sflag:s29] =	ssyncadd.s32 $0xFFFFFB00  }
0xc6: {  	s0 =	simm.s32 $0x3ED0;
	s19 =	simm.s32 $0x26C0;
	_ =	swait.ge [sflag:s29], $0x500  }
0xc7: {  	s22 =	simm.s32 $0x61D0;
	s23 =	simm.s32 $0x1180;
	[sflag:s29] =	ssyncset.done $0x0  }
.LBB2_4:
0xc8: {  	s5 =	sadd.s32 $0xFFFFDD00, s31  }
0xc9: {  	s7 =	sadd.s32 $0xFFFFFDD0, s23;
	[sflag:s29] =	ssyncadd.s32 $0xFFFFFB00;
	s8 =	smov.u32 s30  }
0xca: {  	[tilespmem:s0], [sflag:$0x1] =	stream.indirect.gather [hbm4b:s4+s26], $0x10, s7, s26, $0xb8;
	[tilespmem:$0xDE80] =	vst v63  }
0xcb: {  	p0 =	sne.s32 s30, $0x7440;
	s0 =	sadd.s32 $0xFFFFE200, s22;
	s7 =	sadd.s32 $0xFFFFFE20, s23  }
0xcc: {  	[tilespmem:s0], [sflag:$0x1] =	stream.indirect.gather [hbm4b:s4+s26], $0x10, s7, s26, $0xb8;
	[tilespmem:$0xDE80] =	vst v63  }
0xcd: {  	s30 =	sadd.s32 $0x26C0, s30;
	s0 =	sadd.s32 $0xFFFFE700, s22;
	s7 =	sadd.s32 $0xFFFFFE70, s23  }
0xce: {  	[tilespmem:s0], [sflag:$0x1] =	stream.indirect.gather [hbm4b:s4+s26], $0x10, s7, s26, $0xb8;
	[tilespmem:$0xDE80] =	vst v63  }
0xcf: {  	s9 =	sadd.s32 $0xFFFFFEC0, s23;
	s7 =	sadd.s32 $0xFFFFEC00, s22;
	s0 =	smov.u32 s5  }
0xd0: {  	[tilespmem:s7], [sflag:$0x1] =	stream.indirect.gather [hbm4b:s4+s26], $0x10, s9, s26, $0xb8;
	[tilespmem:$0xDE80] =	vst v63  }
0xd1: {  	s5 =	sadd.s32 $0xFFFFF100, s22;
	s7 =	sadd.s32 $0xFFFFFF10, s23  }
0xd2: {  	[tilespmem:s5], [sflag:$0x1] =	stream.indirect.gather [hbm4b:s4+s26], $0x10, s7, s26, $0xb8;
	[tilespmem:$0xDE80] =	vst v63  }
0xd3: {  	s5 =	sadd.s32 $0xFFFFF600, s22;
	s7 =	sadd.s32 $0xFFFFFF60, s23  }
0xd4: {  	[tilespmem:s5], [sflag:$0x1] =	stream.indirect.gather [hbm4b:s4+s26], $0x10, s7, s26, $0xb8;
	[tilespmem:$0xDE80] =	vst v63  }
0xd5: {  	s5 =	sadd.s32 $0xFFFFFB00, s22;
	s7 =	sadd.s32 $0xFFFFFFB0, s23  }
0xd6: {  	[tilespmem:s5], [sflag:$0x1] =	stream.indirect.gather [hbm4b:s4+s26], $0x10, s7, s26, $0xb8;
	[tilespmem:$0xDE80] =	vst v63  }
0xd7: {  	s5 =	sshra.s32 s19, $0x2;
	s19 =	smov.u32 s8  }
0xd8: {  	[tilespmem:s22], [sflag:$0x1] =	stream.indirect.gather [hbm4b:s4+s26], $0x10, s23, s26, $0xb8;
	[tilespmem:$0xDE80] =	vst v63  }
0xd9: {  	s7 =	sadd.s32 $0xB6D0, s5;
	s22 =	smov.u32 s31  }
0xda: {  	[spmem:s2] =	stream.indirect.scatter.add.f32 [tilespmem:s28], [sflag:$0x2], $0x1, s7, s26, $0xb8;
	[tilespmem:$0xDE80] =	vst v63  }
0xdb: {  	s7 =	sadd.s32 $0xB720, s5  }
0xdc: {  	[spmem:s2] =	stream.indirect.scatter.add.f32 [tilespmem:s28], [sflag:$0x2], $0x1, s7, s26, $0xb8;
	[tilespmem:$0xDE80] =	vst v63  }
0xdd: {  	s7 =	sadd.s32 $0xB770, s5  }
0xde: {  	[spmem:s2] =	stream.indirect.scatter.add.f32 [tilespmem:s28], [sflag:$0x2], $0x1, s7, s26, $0xb8;
	[tilespmem:$0xDE80] =	vst v63  }
0xdf: {  	s7 =	sadd.s32 $0xB7C0, s5  }
0xe0: {  	[spmem:s2] =	stream.indirect.scatter.add.f32 [tilespmem:s28], [sflag:$0x2], $0x1, s7, s26, $0xb8;
	[tilespmem:$0xDE80] =	vst v63  }
0xe1: {  	s7 =	sadd.s32 $0xB810, s5  }
0xe2: {  	[spmem:s2] =	stream.indirect.scatter.add.f32 [tilespmem:s28], [sflag:$0x2], $0x1, s7, s26, $0xb8;
	[tilespmem:$0xDE80] =	vst v63  }
0xe3: {  	s7 =	sadd.s32 $0xB860, s5  }
0xe4: {  	[spmem:s2] =	stream.indirect.scatter.add.f32 [tilespmem:s28], [sflag:$0x2], $0x1, s7, s26, $0xb8;
	[tilespmem:$0xDE80] =	vst v63  }
0xe5: {  	s7 =	sadd.s32 $0xB8B0, s5  }
0xe6: {  	[spmem:s2] =	stream.indirect.scatter.add.f32 [tilespmem:s28], [sflag:$0x2], $0x1, s7, s26, $0xb8;
	[tilespmem:$0xDE80] =	vst v63  }
0xe7: {  	s7 =	sadd.s32 $0xB900, s5  }
0xe8: {  	[spmem:s2] =	stream.indirect.scatter.add.f32 [tilespmem:s28], [sflag:$0x2], $0x1, s7, s26, $0xb8;
	[tilespmem:$0xDE80] =	vst v63  }
0xe9: {  	s7 =	sadd.s32 $0xB950, s5  }
0xea: {  	[spmem:s2] =	stream.indirect.scatter.add.f32 [tilespmem:s28], [sflag:$0x2], $0x1, s7, s26, $0xb8;
	[tilespmem:$0xDE80] =	vst v63  }
0xeb: {  	s7 =	sadd.s32 $0xB9A0, s5  }
0xec: {  	[spmem:s2] =	stream.indirect.scatter.add.f32 [tilespmem:s28], [sflag:$0x2], $0x1, s7, s26, $0xb8;
	[tilespmem:$0xDE80] =	vst v63  }
0xed: {  	s7 =	sadd.s32 $0xB9F0, s5  }
0xee: {  	[spmem:s2] =	stream.indirect.scatter.add.f32 [tilespmem:s28], [sflag:$0x2], $0x1, s7, s26, $0xb8;
	[tilespmem:$0xDE80] =	vst v63  }
0xef: {  	s7 =	sadd.s32 $0xBA40, s5  }
0xf0: {  	[spmem:s2] =	stream.indirect.scatter.add.f32 [tilespmem:s28], [sflag:$0x2], $0x1, s7, s26, $0xb8;
	[tilespmem:$0xDE80] =	vst v63  }
0xf1: {  	s7 =	sadd.s32 $0xBA90, s5  }
0xf2: {  	[spmem:s2] =	stream.indirect.scatter.add.f32 [tilespmem:s28], [sflag:$0x2], $0x1, s7, s26, $0xb8;
	[tilespmem:$0xDE80] =	vst v63  }
0xf3: {  	s7 =	sadd.s32 $0xBAE0, s5  }
0xf4: {  	[spmem:s2] =	stream.indirect.scatter.add.f32 [tilespmem:s28], [sflag:$0x2], $0x1, s7, s26, $0xb8;
	[tilespmem:$0xDE80] =	vst v63  }
0xf5: {  	s7 =	sadd.s32 $0xBB30, s5  }
0xf6: {  	[spmem:s2] =	stream.indirect.scatter.add.f32 [tilespmem:s28], [sflag:$0x2], $0x1, s7, s26, $0xb8;
	[tilespmem:$0xDE80] =	vst v63  }
0xf7: {  	s7 =	sadd.s32 $0xBB80, s5  }
0xf8: {  	[spmem:s2] =	stream.indirect.scatter.add.f32 [tilespmem:s28], [sflag:$0x2], $0x1, s7, s26, $0xb8;
	[tilespmem:$0xDE80] =	vst v63  }
0xf9: {  	s7 =	sadd.s32 $0xBBD0, s5  }
0xfa: {  	[spmem:s2] =	stream.indirect.scatter.add.f32 [tilespmem:s28], [sflag:$0x2], $0x1, s7, s26, $0xb8;
	[tilespmem:$0xDE80] =	vst v63  }
0xfb: {  	s7 =	sadd.s32 $0xBC20, s5  }
0xfc: {  	[spmem:s2] =	stream.indirect.scatter.add.f32 [tilespmem:s28], [sflag:$0x2], $0x1, s7, s26, $0xb8;
	[tilespmem:$0xDE80] =	vst v63  }
0xfd: {  	s7 =	sadd.s32 $0xBC70, s5  }
0xfe: {  	[spmem:s2] =	stream.indirect.scatter.add.f32 [tilespmem:s28], [sflag:$0x2], $0x1, s7, s26, $0xb8;
	[tilespmem:$0xDE80] =	vst v63  }
0xff: {  	s7 =	sadd.s32 $0xBCC0, s5  }
0x100: {  	[spmem:s2] =	stream.indirect.scatter.add.f32 [tilespmem:s28], [sflag:$0x2], $0x1, s7, s26, $0xb8;
	[tilespmem:$0xDE80] =	vst v63  }
0x101: {  	s7 =	sadd.s32 $0xBD10, s5  }
0x102: {  	[spmem:s2] =	stream.indirect.scatter.add.f32 [tilespmem:s28], [sflag:$0x2], $0x1, s7, s26, $0xb8;
	[tilespmem:$0xDE80] =	vst v63  }
0x103: {  	s7 =	sadd.s32 $0xBD60, s5  }
0x104: {  	[spmem:s2] =	stream.indirect.scatter.add.f32 [tilespmem:s28], [sflag:$0x2], $0x1, s7, s26, $0xb8;
	[tilespmem:$0xDE80] =	vst v63  }
0x105: {  	s7 =	sadd.s32 $0xBDB0, s5  }
0x106: {  	[spmem:s2] =	stream.indirect.scatter.add.f32 [tilespmem:s28], [sflag:$0x2], $0x1, s7, s26, $0xb8;
	[tilespmem:$0xDE80] =	vst v63  }
0x107: {  	s7 =	sadd.s32 $0xBE00, s5  }
0x108: {  	[spmem:s2] =	stream.indirect.scatter.add.f32 [tilespmem:s28], [sflag:$0x2], $0x1, s7, s26, $0xb8;
	[tilespmem:$0xDE80] =	vst v63  }
0x109: {  	s7 =	sadd.s32 $0xBE50, s5  }
0x10a: {  	[spmem:s2] =	stream.indirect.scatter.add.f32 [tilespmem:s28], [sflag:$0x2], $0x1, s7, s26, $0xb8;
	[tilespmem:$0xDE80] =	vst v63  }
0x10b: {  	s7 =	sadd.s32 $0xBEA0, s5  }
0x10c: {  	[spmem:s2] =	stream.indirect.scatter.add.f32 [tilespmem:s28], [sflag:$0x2], $0x1, s7, s26, $0xb8;
	[tilespmem:$0xDE80] =	vst v63  }
0x10d: {  	s7 =	sadd.s32 $0xBEF0, s5  }
0x10e: {  	[spmem:s2] =	stream.indirect.scatter.add.f32 [tilespmem:s28], [sflag:$0x2], $0x1, s7, s26, $0xb8;
	[tilespmem:$0xDE80] =	vst v63  }
0x10f: {  	s7 =	sadd.s32 $0xBF40, s5  }
0x110: {  	[spmem:s2] =	stream.indirect.scatter.add.f32 [tilespmem:s28], [sflag:$0x2], $0x1, s7, s26, $0xb8;
	[tilespmem:$0xDE80] =	vst v63  }
0x111: {  	s7 =	sadd.s32 $0xBF90, s5  }
0x112: {  	[spmem:s2] =	stream.indirect.scatter.add.f32 [tilespmem:s28], [sflag:$0x2], $0x1, s7, s26, $0xb8;
	[tilespmem:$0xDE80] =	vst v63  }
0x113: {  	s7 =	sadd.s32 $0xBFE0, s5  }
0x114: {  	[spmem:s2] =	stream.indirect.scatter.add.f32 [tilespmem:s28], [sflag:$0x2], $0x1, s7, s26, $0xb8;
	[tilespmem:$0xDE80] =	vst v63  }
0x115: {  	s5 =	sadd.s32 $0xC030, s5  }
0x116: {  	[spmem:s2] =	stream.indirect.scatter.add.f32 [tilespmem:s28], [sflag:$0x2], $0x1, s5, s26, $0xb8;
	[tilespmem:$0xDE80] =	vst v63  }
0x117: {  	_ =	swait.ge [sflag:s29], $0x500  }
0x118: {  	[sflag:s29] =	ssyncset.done $0x0  }
0x119: {  	[sflag:s29] =	ssyncadd.s32 $0xFFFFFB00  }
0x11a: {  	_ =	swait.ge [sflag:s29], $0x500  }
0x11b: {  	[sflag:s29] =	ssyncset.done $0x0  }
0x11c: {  	[sflag:s29] =	ssyncadd.s32 $0xFFFFFB00  }
0x11d: {  	_ =	swait.ge [sflag:s29], $0x500  }
0x11e: {  	[sflag:s29] =	ssyncset.done $0x0  }
0x11f: {  	[sflag:s29] =	ssyncadd.s32 $0xFFFFFB00  }
0x120: {  	_ =	swait.ge [sflag:s29], $0x500  }
0x121: {  	[sflag:s29] =	ssyncset.done $0x0  }
0x122: {  	[sflag:s29] =	ssyncadd.s32 $0xFFFFFB00  }
0x123: {  	_ =	swait.ge [sflag:s29], $0x500  }
0x124: {  	[sflag:s29] =	ssyncset.done $0x0  }
0x125: {  	[sflag:s29] =	ssyncadd.s32 $0xFFFFFB00  }
0x126: {  	_ =	swait.ge [sflag:s29], $0x500  }
0x127: {  	[sflag:s29] =	ssyncset.done $0x0  }
0x128: {  	[sflag:s29] =	ssyncadd.s32 $0xFFFFFB00  }
.Ltmp1:
0x129: {  	_ =	swait.ge [sflag:s29], $0x500;
	(pc) =	sbr.rel @p0 .LBB2_4-.Ltmp1, $4  }
0x12a: {  	[sflag:s29] =	ssyncset.done $0x0  }
0x12b: {  	[sflag:s29] =	ssyncadd.s32 $0xFFFFFB00  }
0x12c: {  	_ =	swait.ge [sflag:s29], $0x500  }
0x12d: {  	s31 =	sadd.s32 $0x2800, s31;
	s23 =	sadd.s32 $0x280, s23;
	[sflag:s29] =	ssyncset.done $0x0  }
0x12e: {  	s5 =	sadd.s32 $0xFFFFFDD0, s23;
	[sflag:s29] =	ssyncadd.s32 $0xFFFFFB00  }
0x12f: {  	[tilespmem:s0], [sflag:$0x1] =	stream.indirect.gather [hbm4b:s4+s26], $0x10, s5, s26, $0xb8;
	[tilespmem:$0xDE80] =	vst v63  }
0x130: {  	s30 =	sadd.s32 $0xFFFFE200, s22;
	s31 =	sadd.s32 $0xFFFFFE20, s23  }
0x131: {  	[tilespmem:s30], [sflag:$0x1] =	stream.indirect.gather [hbm4b:s4+s26], $0x10, s31, s26, $0xb8;
	[tilespmem:$0xDE80] =	vst v63  }
0x132: {  	s7 =	sadd.s32 $0xFFFFFE70, s23;
	s5 =	sadd.s32 $0xFFFFE700, s22  }
0x133: {  	[tilespmem:s5], [sflag:$0x1] =	stream.indirect.gather [hbm4b:s4+s26], $0x10, s7, s26, $0xb8;
	[tilespmem:$0xDE80] =	vst v63  }
0x134: {  	s8 =	sadd.s32 $0xFFFFEC00, s22;
	s9 =	sadd.s32 $0xFFFFFEC0, s23  }
0x135: {  	[tilespmem:s8], [sflag:$0x1] =	stream.indirect.gather [hbm4b:s4+s26], $0x10, s9, s26, $0xb8;
	[tilespmem:$0xDE80] =	vst v63  }
0x136: {  	s30 =	sadd.s32 $0xFFFFF100, s22;
	s31 =	sadd.s32 $0xFFFFFF10, s23  }
0x137: {  	[tilespmem:s30], [sflag:$0x1] =	stream.indirect.gather [hbm4b:s4+s26], $0x10, s31, s26, $0xb8;
	[tilespmem:$0xDE80] =	vst v63  }
0x138: {  	s7 =	sadd.s32 $0xFFFFF600, s22;
	s8 =	sadd.s32 $0xFFFFFF60, s23  }
0x139: {  	[tilespmem:s7], [sflag:$0x1] =	stream.indirect.gather [hbm4b:s4+s26], $0x10, s8, s26, $0xb8;
	[tilespmem:$0xDE80] =	vst v63  }
0x13a: {  	s9 =	sadd.s32 $0xFFFFFB00, s22;
	s30 =	sadd.s32 $0xFFFFFFB0, s23  }
0x13b: {  	[tilespmem:s9], [sflag:$0x1] =	stream.indirect.gather [hbm4b:s4+s26], $0x10, s30, s26, $0xb8;
	[tilespmem:$0xDE80] =	vst v63  }
0x13c: {  	s0 =	sshra.s32 s19, $0x2  }
0x13d: {  	[tilespmem:s22], [sflag:$0x1] =	stream.indirect.gather [hbm4b:s4+s26], $0x10, s23, s26, $0xb8;
	[tilespmem:$0xDE80] =	vst v63  }
0x13e: {  	s31 =	sadd.s32 $0xB6D0, s0  }
0x13f: {  	[spmem:s2] =	stream.indirect.scatter.add.f32 [tilespmem:s28], [sflag:$0x2], $0x1, s31, s26, $0xb8;
	[tilespmem:$0xDE80] =	vst v63  }
0x140: {  	s7 =	sadd.s32 $0xB720, s0  }
0x141: {  	[spmem:s2] =	stream.indirect.scatter.add.f32 [tilespmem:s28], [sflag:$0x2], $0x1, s7, s26, $0xb8;
	[tilespmem:$0xDE80] =	vst v63  }
0x142: {  	s8 =	sadd.s32 $0xB770, s0  }
0x143: {  	[spmem:s2] =	stream.indirect.scatter.add.f32 [tilespmem:s28], [sflag:$0x2], $0x1, s8, s26, $0xb8;
	[tilespmem:$0xDE80] =	vst v63  }
0x144: {  	s9 =	sadd.s32 $0xB7C0, s0  }
0x145: {  	[spmem:s2] =	stream.indirect.scatter.add.f32 [tilespmem:s28], [sflag:$0x2], $0x1, s9, s26, $0xb8;
	[tilespmem:$0xDE80] =	vst v63  }
0x146: {  	s19 =	sadd.s32 $0xB810, s0  }
0x147: {  	[spmem:s2] =	stream.indirect.scatter.add.f32 [tilespmem:s28], [sflag:$0x2], $0x1, s19, s26, $0xb8;
	[tilespmem:$0xDE80] =	vst v63  }
0x148: {  	s22 =	sadd.s32 $0xB860, s0  }
0x149: {  	[spmem:s2] =	stream.indirect.scatter.add.f32 [tilespmem:s28], [sflag:$0x2], $0x1, s22, s26, $0xb8;
	[tilespmem:$0xDE80] =	vst v63  }
0x14a: {  	s23 =	sadd.s32 $0xB8B0, s0  }
0x14b: {  	[spmem:s2] =	stream.indirect.scatter.add.f32 [tilespmem:s28], [sflag:$0x2], $0x1, s23, s26, $0xb8;
	[tilespmem:$0xDE80] =	vst v63  }
0x14c: {  	s30 =	sadd.s32 $0xB900, s0  }
0x14d: {  	[spmem:s2] =	stream.indirect.scatter.add.f32 [tilespmem:s28], [sflag:$0x2], $0x1, s30, s26, $0xb8;
	[tilespmem:$0xDE80] =	vst v63  }
0x14e: {  	s31 =	sadd.s32 $0xB950, s0  }
0x14f: {  	[spmem:s2] =	stream.indirect.scatter.add.f32 [tilespmem:s28], [sflag:$0x2], $0x1, s31, s26, $0xb8;
	[tilespmem:$0xDE80] =	vst v63  }
0x150: {  	s7 =	sadd.s32 $0xB9A0, s0  }
0x151: {  	[spmem:s2] =	stream.indirect.scatter.add.f32 [tilespmem:s28], [sflag:$0x2], $0x1, s7, s26, $0xb8;
	[tilespmem:$0xDE80] =	vst v63  }
0x152: {  	s8 =	sadd.s32 $0xB9F0, s0  }
0x153: {  	[spmem:s2] =	stream.indirect.scatter.add.f32 [tilespmem:s28], [sflag:$0x2], $0x1, s8, s26, $0xb8;
	[tilespmem:$0xDE80] =	vst v63  }
0x154: {  	s9 =	sadd.s32 $0xBA40, s0  }
0x155: {  	[spmem:s2] =	stream.indirect.scatter.add.f32 [tilespmem:s28], [sflag:$0x2], $0x1, s9, s26, $0xb8;
	[tilespmem:$0xDE80] =	vst v63  }
0x156: {  	s19 =	sadd.s32 $0xBA90, s0  }
0x157: {  	[spmem:s2] =	stream.indirect.scatter.add.f32 [tilespmem:s28], [sflag:$0x2], $0x1, s19, s26, $0xb8;
	[tilespmem:$0xDE80] =	vst v63  }
0x158: {  	s22 =	sadd.s32 $0xBAE0, s0  }
0x159: {  	[spmem:s2] =	stream.indirect.scatter.add.f32 [tilespmem:s28], [sflag:$0x2], $0x1, s22, s26, $0xb8;
	[tilespmem:$0xDE80] =	vst v63  }
0x15a: {  	s23 =	sadd.s32 $0xBB30, s0  }
0x15b: {  	[spmem:s2] =	stream.indirect.scatter.add.f32 [tilespmem:s28], [sflag:$0x2], $0x1, s23, s26, $0xb8;
	[tilespmem:$0xDE80] =	vst v63  }
0x15c: {  	s30 =	sadd.s32 $0xBB80, s0  }
0x15d: {  	[spmem:s2] =	stream.indirect.scatter.add.f32 [tilespmem:s28], [sflag:$0x2], $0x1, s30, s26, $0xb8;
	[tilespmem:$0xDE80] =	vst v63  }
0x15e: {  	s31 =	sadd.s32 $0xBBD0, s0  }
0x15f: {  	[spmem:s2] =	stream.indirect.scatter.add.f32 [tilespmem:s28], [sflag:$0x2], $0x1, s31, s26, $0xb8;
	[tilespmem:$0xDE80] =	vst v63  }
0x160: {  	s7 =	sadd.s32 $0xBC20, s0  }
0x161: {  	[spmem:s2] =	stream.indirect.scatter.add.f32 [tilespmem:s28], [sflag:$0x2], $0x1, s7, s26, $0xb8;
	[tilespmem:$0xDE80] =	vst v63  }
0x162: {  	s8 =	sadd.s32 $0xBC70, s0  }
0x163: {  	[spmem:s2] =	stream.indirect.scatter.add.f32 [tilespmem:s28], [sflag:$0x2], $0x1, s8, s26, $0xb8;
	[tilespmem:$0xDE80] =	vst v63  }
0x164: {  	s9 =	sadd.s32 $0xBCC0, s0  }
0x165: {  	[spmem:s2] =	stream.indirect.scatter.add.f32 [tilespmem:s28], [sflag:$0x2], $0x1, s9, s26, $0xb8;
	[tilespmem:$0xDE80] =	vst v63  }
0x166: {  	s19 =	sadd.s32 $0xBD10, s0  }
0x167: {  	[spmem:s2] =	stream.indirect.scatter.add.f32 [tilespmem:s28], [sflag:$0x2], $0x1, s19, s26, $0xb8;
	[tilespmem:$0xDE80] =	vst v63  }
0x168: {  	s22 =	sadd.s32 $0xBD60, s0  }
0x169: {  	[spmem:s2] =	stream.indirect.scatter.add.f32 [tilespmem:s28], [sflag:$0x2], $0x1, s22, s26, $0xb8;
	[tilespmem:$0xDE80] =	vst v63  }
0x16a: {  	s23 =	sadd.s32 $0xBDB0, s0  }
0x16b: {  	[spmem:s2] =	stream.indirect.scatter.add.f32 [tilespmem:s28], [sflag:$0x2], $0x1, s23, s26, $0xb8;
	[tilespmem:$0xDE80] =	vst v63  }
0x16c: {  	s30 =	sadd.s32 $0xBE00, s0  }
0x16d: {  	[spmem:s2] =	stream.indirect.scatter.add.f32 [tilespmem:s28], [sflag:$0x2], $0x1, s30, s26, $0xb8;
	[tilespmem:$0xDE80] =	vst v63  }
0x16e: {  	s31 =	sadd.s32 $0xBE50, s0  }
0x16f: {  	[spmem:s2] =	stream.indirect.scatter.add.f32 [tilespmem:s28], [sflag:$0x2], $0x1, s31, s26, $0xb8;
	[tilespmem:$0xDE80] =	vst v63  }
0x170: {  	s7 =	sadd.s32 $0xBEA0, s0  }
0x171: {  	[spmem:s2] =	stream.indirect.scatter.add.f32 [tilespmem:s28], [sflag:$0x2], $0x1, s7, s26, $0xb8;
	[tilespmem:$0xDE80] =	vst v63  }
0x172: {  	s8 =	sadd.s32 $0xBEF0, s0  }
0x173: {  	[spmem:s2] =	stream.indirect.scatter.add.f32 [tilespmem:s28], [sflag:$0x2], $0x1, s8, s26, $0xb8;
	[tilespmem:$0xDE80] =	vst v63  }
0x174: {  	s9 =	sadd.s32 $0xBF40, s0  }
0x175: {  	[spmem:s2] =	stream.indirect.scatter.add.f32 [tilespmem:s28], [sflag:$0x2], $0x1, s9, s26, $0xb8;
	[tilespmem:$0xDE80] =	vst v63  }
0x176: {  	s19 =	sadd.s32 $0xBF90, s0  }
0x177: {  	[spmem:s2] =	stream.indirect.scatter.add.f32 [tilespmem:s28], [sflag:$0x2], $0x1, s19, s26, $0xb8;
	[tilespmem:$0xDE80] =	vst v63  }
0x178: {  	s22 =	sadd.s32 $0xBFE0, s0  }
0x179: {  	[spmem:s2] =	stream.indirect.scatter.add.f32 [tilespmem:s28], [sflag:$0x2], $0x1, s22, s26, $0xb8;
	[tilespmem:$0xDE80] =	vst v63  }
0x17a: {  	s0 =	sadd.s32 $0xC030, s0  }
0x17b: {  	[spmem:s2] =	stream.indirect.scatter.add.f32 [tilespmem:s28], [sflag:$0x2], $0x1, s0, s26, $0xb8;
	[tilespmem:$0xDE80] =	vst v63  }
0x17c: {  	_ =	swait.ge [sflag:s29], $0x500  }
0x17d: {  	[sflag:s29] =	ssyncset.done $0x0  }
0x17e: {  	[sflag:s29] =	ssyncadd.s32 $0xFFFFFB00  }
0x17f: {  	_ =	swait.ge [sflag:s29], $0x500  }
0x180: {  	[sflag:s29] =	ssyncset.done $0x0  }
0x181: {  	[sflag:s29] =	ssyncadd.s32 $0xFFFFFB00  }
0x182: {  	_ =	swait.ge [sflag:s29], $0x500  }
0x183: {  	[sflag:s29] =	ssyncset.done $0x0  }
0x184: {  	[sflag:s29] =	ssyncadd.s32 $0xFFFFFB00  }
0x185: {  	_ =	swait.ge [sflag:s29], $0x500  }
0x186: {  	[sflag:s29] =	ssyncset.done $0x0  }
0x187: {  	[sflag:s29] =	ssyncadd.s32 $0xFFFFFB00  }
0x188: {  	_ =	swait.ge [sflag:s29], $0x500  }
0x189: {  	[sflag:s29] =	ssyncset.done $0x0  }
0x18a: {  	[sflag:s29] =	ssyncadd.s32 $0xFFFFFB00  }
0x18b: {  	_ =	swait.ge [sflag:s29], $0x500  }
0x18c: {  	[sflag:s29] =	ssyncset.done $0x0  }
0x18d: {  	[sflag:s29] =	ssyncadd.s32 $0xFFFFFB00  }
0x18e: {  	_ =	swait.ge [sflag:s29], $0x500  }
0x18f: {  	[sflag:s29] =	ssyncset.done $0x0  }
0x190: {  	[sflag:s29] =	ssyncadd.s32 $0xFFFFFB00  }
0x191: {  	_ =	swait.ge [sflag:s29], $0x500  }
0x192: {  	[sflag:s29] =	ssyncset.done $0x0  }
0x193: {  	s23 =	simm.s32 $0xDD90;
	[sflag:s29] =	ssyncadd.s32 $0xFFFFFB00  }
0x194: {  	[spmem:s2] =	stream.indirect.scatter.add.f32 [tilespmem:s28], [sflag:$0x2], $0x1, s23, s26, $0xb8;
	[tilespmem:$0xDE80] =	vst v63  }
0x195: {  	s31 =	simm.s32 $0x16D0;
	s30 =	rddreg [dreg:$0x7]  }
0x196: {  	[hbm4b:s30+s3] =	stream.linear.scatter [tilespmem:s31], [sflag:$0x3], $0x9C40, $0x38;
	[tilespmem:$0xDE80] =	vst v63  }
0x197: {  	_ =	swait.ge [sflag:s21], $0x9C40  }
0x198: {  	[sflag:s21] =	ssyncset.done $0x0  }
0x199: {  	[sflag:s21] =	ssyncadd.s32 $0xFFFF63C0  }
0x19a: {  	_ =	swait.ge [sflag:s24], $0x50  }
0x19b: {  	s0 =	simm.s32 $0x7C;
	[sflag:s24] =	ssyncset.done $0x0  }
.LBB2_6:
0x19c: {  	p0 =	sne.s32 s0, $0x1;
	s0 =	sadd.s32 $0xFFFFFFFF, s0;
	[sflag:s24] =	ssyncadd.s32 $0xFFFFFFB0  }
.Ltmp2:
0x19d: {  	(pc) =	sbr.rel @p0 .LBB2_6-.Ltmp2, $3  }
0x19e: {  	_ =	sdelay $0x1  }
0x19f: {  	_ =	swait.ge [sflag:s24], $0x50  }
0x1a0: {  	[sflag:s24] =	ssyncset.done $0x0  }
0x1a1: {  	s0 =	stileid.u32;
	s1 =	sadd.s32 $0x1, s1  }
0x1a2: {  	[sflag:s24] =	ssyncadd.s32 $0xFFFFFFB0;
	s0 =	sshll.u32 s0, $0x6;
	p0 =	sne.s32 s1, s11  }
.Ltmp3:
0x1a3: {  	[bflag:$0x0] =	sbarrier.arrive $0xFFFF;
	s0 =	sor.u32 $0x1C03, s0;
	(pc) =	sbr.rel @p0 .LBB2_1-.Ltmp3, $4  }
0x1a4: {  	[hbm:s10], [sflag:s0] =	dma.local [spmem:s25], $0x50  }
0x1a5: {  	_ =	swait.ge [sflag:s21], $0x50  }
0x1a6: {  	[sflag:s21] =	ssyncset.done $0x0  }
0x1a7: {  	[sflag:s21] =	ssyncadd.s32 $0xFFFFFFB0  }
0x1a8: {  	_ =	sfence.sel $0x180000  }
0x1a9: {  	[bflag:$0x0] =	sbarrier.arrive $0xFFFF  }
0x1aa: {  	_ =	strace $0x90000047  }
0x1ab: {  	s0 =	stileid.u32;
	[bflag:$0x2] =	sbarrier.arrive $0xFFFF  }
0x1ac: {  	p0 =	sne.s32 s0, $0x0;
	s0 =	rddreg [dreg:$0x3]  }
0x1ad: {  	s0 =	sadd.s32 @!p0 $0x100000, s0  }
0x1ae: {  	[sflag:s0] =	ssyncadd.tile.s32 @!p0 $0x1;
	_ =	shalt  }
.Lfunc_end2:
_tile_overlayer_lowered:
.L_overlay_start_2:
0x1af: {  	(tag) =	ssettag $0x2  }
0x1b0: {  	s0 =	rddreg [dreg:$0x0];
	s2 =	stileid.u32  }
0x1b1: {  	s1 =	rddreg [dreg:$0x1];
	p0 =	sne.s32 s2, $0x0  }
0x1b2: {  	s3 =	rddreg [dreg:$0x2];
	[bflag:$0x3] =	sbarrier.arrive $0xFFFF;
	s2 =	simm.s32 @!p0 $0x1C03  }
0x1b3: {  	[timem:s3], [sflag:s2] =	dma.local @!p0 [hbm:s0], s1  }
0x1b4: {  	s0 =	simm.s32 @!p0 $0x3  }
0x1b5: {  	_ =	swait.ge @!p0 [sflag:s0], s1  }
0x1b6: {  	s1 =	ssub.s32 @!p0 $0x0, s1;
	[sflag:s0] =	ssyncset.done @!p0 $0x0  }
0x1b7: {  	[sflag:s0] =	ssyncadd.s32 @!p0 s1  }
0x1b8: {  	[bflag:$0x3] =	sbarrier.arrive $0xFFFF  }
0x1b9: {  	_ =	shalt  }

</sc_bundles>
